<compile_context>
chip_gen: v7x
topology: tpu7x:2x2x1
jax: 0.10.2.dev20260603
libtpu: 0.0.44.dev20260713+nightly
codegen_flags: <defaults>
</compile_context>

<pallas_src>
import functools

import jax
import jax.numpy as jnp
from jax import lax
from jax.experimental import pallas as pl
from jax.experimental.pallas import tpu as pltpu
from jax.experimental.pallas import tpu_sc as plsc

N = 10000
E = 320000
F = 128
HID = 128
OUT = 2
EGO = HID // 2

NC = 2
NS = 16
NW = NC * NS
CH = 128
CPT = 80
E_PAD = NW * CPT * CH
ROWS_PER_SUB = 632
N_PAD = NS * ROWS_PER_SUB

_mesh = plsc.VectorSubcoreMesh(core_axis_name="c", subcore_axis_name="s")


def _ids():
    cid = lax.axis_index("c")
    sid = lax.axis_index("s")
    wid = sid * NC + cid
    return cid, sid, wid


FH = F // 2


@functools.partial(
    pl.kernel,
    out_type=(
        jax.ShapeDtypeStruct((NC, N_PAD, FH), jnp.float32),
        jax.ShapeDtypeStruct((NC, N_PAD, FH), jnp.float32),
        jax.ShapeDtypeStruct((NC, N_PAD, 8), jnp.float32),
        jax.ShapeDtypeStruct((NC, N_PAD, 8), jnp.float32),
    ),
    mesh=_mesh,
    scratch_types=[
        pltpu.VMEM((CPT, CH), jnp.int32),
        pltpu.VMEM((CPT, CH), jnp.int32),
        pltpu.VMEM((CH, FH), jnp.float32),
        pltpu.VMEM((CH, FH), jnp.float32),
        pltpu.VMEM((CH, FH), jnp.float32),
        pltpu.VMEM((CH, FH), jnp.float32),
        pltpu.VMEM((CH, 8), jnp.float32),
        pltpu.SemaphoreType.DMA,
        pltpu.SemaphoreType.DMA,
        pltpu.SemaphoreType.DMA,
        pltpu.SemaphoreType.DMA,
        pltpu.SemaphoreType.DMA,
        pltpu.VMEM_SHARED((N_PAD, FH), jnp.float32),
        pltpu.VMEM_SHARED((N_PAD, 8), jnp.float32),
    ],
    compiler_params=pltpu.CompilerParams(use_tc_tiling_on_sc=False),
)
def _agg_kernel(xlo, xhi, src3d, dst3d, zeros_f, zeros_d, ones_hbm,
                acclo_out, acchi_out, degs_out, degd_out,
                src_b, dst_b, rows0, rows1, rows2, rows3, ones_b,
                sg0, sg1, sg2, sg3, so, acc_sh, deg_sh):
    cid, sid, wid = _ids()
    row0 = sid * ROWS_PER_SUB
    sl = pl.ds(row0, ROWS_PER_SUB)
    pltpu.sync_copy(zeros_f, acc_sh.at[sl])
    pltpu.sync_copy(zeros_d, deg_sh.at[sl])
    pltpu.sync_copy(src3d.at[wid], src_b)
    pltpu.sync_copy(dst3d.at[wid], dst_b)
    pltpu.sync_copy(ones_hbm, ones_b)
    plsc.subcore_barrier()

    ring = ((rows0, sg0), (rows1, sg1), (rows2, sg2), (rows3, sg3))

    def run_phase(xh, deg_by_src):
        for b, (rb, sem) in enumerate(ring):
            pltpu.async_copy(xh.at[dst_b.at[b]], rb, sem)

        def body(i, carry):
            for par, (rb, sem) in enumerate(ring):
                k = 4 * i + par
                pltpu.make_async_copy(xh.at[dst_b.at[k]], rb, sem).wait()
                pltpu.sync_copy(rb, acc_sh.at[src_b.at[k]], add=True)
                deg_row = src_b.at[k] if deg_by_src else dst_b.at[k]
                pltpu.async_copy(ones_b, deg_sh.at[deg_row], so, add=True)
                kn = jnp.minimum(k + 4, CPT - 1)
                pltpu.async_copy(xh.at[dst_b.at[kn]], rb, sem)
            return carry

        lax.fori_loop(0, CPT // 4, body, 0)
        for rb, sem in ring:
            pltpu.make_async_copy(xh.at[dst_b.at[0]], rb, sem).wait()

        def drain(k, carry):
            pltpu.make_async_copy(ones_b, deg_sh.at[src_b.at[0]], so).wait()
            return carry

        lax.fori_loop(0, CPT, drain, 0)

    run_phase(xlo, True)
    plsc.subcore_barrier()
    pltpu.sync_copy(acc_sh.at[sl], acclo_out.at[cid, sl])
    pltpu.sync_copy(deg_sh.at[sl], degs_out.at[cid, sl])
    pltpu.sync_copy(zeros_f, acc_sh.at[sl])
    pltpu.sync_copy(zeros_d, deg_sh.at[sl])
    plsc.subcore_barrier()
    run_phase(xhi, False)
    plsc.subcore_barrier()
    pltpu.sync_copy(acc_sh.at[sl], acchi_out.at[cid, sl])
    pltpu.sync_copy(deg_sh.at[sl], degd_out.at[cid, sl])


@functools.partial(
    pl.kernel,
    out_type=jax.ShapeDtypeStruct((NC, N_PAD, 16), jnp.float32),
    mesh=_mesh,
    scratch_types=[
        pltpu.VMEM((CPT, CH), jnp.int32),
        pltpu.VMEM((CPT, CH), jnp.int32),
        pltpu.VMEM((CH, 16), jnp.float32),
        pltpu.VMEM((CH, 16), jnp.float32),
        pltpu.VMEM((CH, 16), jnp.float32),
        pltpu.VMEM((CH, 16), jnp.float32),
        pltpu.SemaphoreType.DMA,
        pltpu.SemaphoreType.DMA,
        pltpu.SemaphoreType.DMA,
        pltpu.SemaphoreType.DMA,
        pltpu.VMEM_SHARED((N_PAD, 16), jnp.float32),
    ],
    compiler_params=pltpu.CompilerParams(use_tc_tiling_on_sc=False),
)
def _gcn_agg_kernel(z_hbm, src3d, dst3d, zeros_d, agg_out,
                    src_b, dst_b, rows0, rows1, rows2, rows3,
                    sg0, sg1, sg2, sg3, agg_sh):
    cid, sid, wid = _ids()
    row0 = sid * ROWS_PER_SUB
    pltpu.sync_copy(zeros_d, agg_sh.at[pl.ds(row0, ROWS_PER_SUB)])
    pltpu.sync_copy(src3d.at[wid], src_b)
    pltpu.sync_copy(dst3d.at[wid], dst_b)
    plsc.subcore_barrier()

    ring = ((rows0, sg0), (rows1, sg1), (rows2, sg2), (rows3, sg3))
    for b, (rb, sem) in enumerate(ring):
        pltpu.async_copy(z_hbm.at[src_b.at[b]], rb, sem)

    def body(i, carry):
        for par, (rb, sem) in enumerate(ring):
            k = 4 * i + par
            pltpu.make_async_copy(z_hbm.at[src_b.at[k]], rb, sem).wait()
            pltpu.sync_copy(rb, agg_sh.at[dst_b.at[k]], add=True)
            kn = jnp.minimum(k + 4, CPT - 1)
            pltpu.async_copy(z_hbm.at[src_b.at[kn]], rb, sem)
        return carry

    lax.fori_loop(0, CPT // 4, body, 0)
    for rb, sem in ring:
        pltpu.make_async_copy(z_hbm.at[src_b.at[0]], rb, sem).wait()
    plsc.subcore_barrier()
    sl = pl.ds(row0, ROWS_PER_SUB)
    pltpu.sync_copy(agg_sh.at[sl], agg_out.at[cid, sl])


def _dense_body(x_ref, acclo_ref, acchi_ref, degsp_ref, degdp_ref, fi_ref,
                wm_ref, bm_ref, we_ref, be_ref, wn_ref, bnb_ref,
                gw_ref, gb_ref, gam_ref, bet_ref, wg_ref,
                z_ref, aux_ref):
    sig_fi = jax.nn.sigmoid(fi_ref[...])
    xs = x_ref[...] * sig_fi
    nbr = jnp.concatenate(
        [acclo_ref[0] + acclo_ref[1], acchi_ref[0] + acchi_ref[1]], axis=1) * sig_fi
    deg = degsp_ref[0, :, 0:1] + degsp_ref[1, :, 0:1]
    mean = nbr / jnp.maximum(deg, 1.0)
    xn = xs / jnp.maximum(jnp.sqrt(jnp.sum(xs * xs, axis=1, keepdims=True)), 1e-12)
    mn = mean / jnp.maximum(jnp.sqrt(jnp.sum(mean * mean, axis=1, keepdims=True)), 1e-12)
    sim = jnp.sum(xn * mn, axis=1, keepdims=True)
    sim = jnp.where(deg > 0, sim, 1.0)
    delta = jax.nn.sigmoid(deg * (1.0 - sim) / 10.0 - 0.5)

    dot = lambda a, w: lax.dot_general(a, w, (((1,), (1,)), ((), ())),
                                       preferred_element_type=jnp.float32)
    h_mean = dot((xs + mean) * 0.5, wm_ref[...]) + bm_ref[...]
    h_ego = dot(xs, we_ref[...]) + be_ref[...]
    h_nbr = dot(mean, wn_ref[...]) + bnb_ref[...]
    h_cat = jnp.concatenate([h_ego, h_nbr], axis=1)
    gate = jax.nn.sigmoid(gw_ref[0, 0] * delta + gb_ref[0, 0])
    h = (1.0 - gate) * h_mean + gate * h_cat
    h = h * (1.0 / jnp.sqrt(1.0 + 1e-5)) * gam_ref[...] + bet_ref[...]
    h = jnp.maximum(h, 0.0)
    hw = dot(h, wg_ref[...])

    degd = degdp_ref[0, :, 0:1] + degdp_ref[1, :, 0:1]
    dinv = 1.0 / jnp.sqrt(degd + 1.0)
    z = dinv * hw
    r = z.shape[0]
    z_ref[...] = jnp.concatenate([z, jnp.zeros((r, 16 - OUT), jnp.float32)], axis=1)
    aux_ref[...] = jnp.concatenate(
        [dinv, jnp.zeros((r, 1), jnp.float32), dinv * z,
         jnp.zeros((r, 12), jnp.float32)], axis=1)


def _final_body(aggp_ref, aux_ref, bg_ref, out_ref):
    agg = aggp_ref[0] + aggp_ref[1]
    out_ref[...] = aux_ref[:, 0:1] * agg[:, 0:OUT] + aux_ref[:, 2:2 + OUT] + bg_ref[...]


def kernel(x, edge_index, feature_importance, W_mean, b_mean, W_ego, b_ego,
           W_nbr, b_nbr, gate_w, gate_b, bn_gamma, bn_beta, W_gcn, b_gcn):
    dummy = N + (jnp.arange(E_PAD - E, dtype=jnp.int32) % (N_PAD - N))
    src3d = jnp.concatenate([edge_index[0], dummy]).reshape(NW, CPT, CH)
    dst3d = jnp.concatenate([edge_index[1], dummy]).reshape(NW, CPT, CH)
    xpad = jnp.concatenate([x, jnp.zeros((N_PAD - N, F), jnp.float32)])
    zeros_f = jnp.zeros((ROWS_PER_SUB, FH), jnp.float32)
    zeros_8 = jnp.zeros((ROWS_PER_SUB, 8), jnp.float32)
    zeros_d = jnp.zeros((ROWS_PER_SUB, 16), jnp.float32)
    ones8 = jnp.ones((CH, 8), jnp.float32)

    acclo, acchi, degsp, degdp = _agg_kernel(
        xpad[:, :FH], xpad[:, FH:], src3d, dst3d, zeros_f, zeros_8, ones8)

    R = 1000
    grid = N // R
    full = lambda shape: pl.BlockSpec(shape, lambda i: (0,) * len(shape))
    zpad, aux = pl.pallas_call(
        _dense_body,
        grid=(grid,),
        in_specs=[
            pl.BlockSpec((R, F), lambda i: (i, 0)),
            pl.BlockSpec((NC, R, FH), lambda i: (0, i, 0)),
            pl.BlockSpec((NC, R, FH), lambda i: (0, i, 0)),
            pl.BlockSpec((NC, R, 8), lambda i: (0, i, 0)),
            pl.BlockSpec((NC, R, 8), lambda i: (0, i, 0)),
            full((1, F)),
            full((HID, F)), full((1, HID)),
            full((EGO, F)), full((1, EGO)),
            full((HID - EGO, F)), full((1, HID - EGO)),
            full((1, 1)), full((1, 1)),
            full((1, HID)), full((1, HID)),
            full((OUT, HID)),
        ],
        out_specs=[
            pl.BlockSpec((R, 16), lambda i: (i, 0)),
            pl.BlockSpec((R, 16), lambda i: (i, 0)),
        ],
        out_shape=[
            jax.ShapeDtypeStruct((N_PAD, 16), jnp.float32),
            jax.ShapeDtypeStruct((N, 16), jnp.float32),
        ],
    )(x, acclo, acchi, degsp, degdp,
      feature_importance.reshape(1, F),
      W_mean, b_mean.reshape(1, HID),
      W_ego, b_ego.reshape(1, EGO),
      W_nbr, b_nbr.reshape(1, HID - EGO),
      gate_w.reshape(1, 1), gate_b.reshape(1, 1),
      bn_gamma.reshape(1, HID), bn_beta.reshape(1, HID),
      W_gcn)

    aggp = _gcn_agg_kernel(zpad, src3d, dst3d, zeros_d)

    out = pl.pallas_call(
        _final_body,
        grid=(grid,),
        in_specs=[
            pl.BlockSpec((NC, R, 16), lambda i: (0, i, 0)),
            pl.BlockSpec((R, 16), lambda i: (i, 0)),
            full((1, OUT)),
        ],
        out_specs=pl.BlockSpec((R, OUT), lambda i: (i, 0)),
        out_shape=jax.ShapeDtypeStruct((N, OUT), jnp.float32),
    )(aggp, aux, b_gcn.reshape(1, OUT))
    return out

# --- scband reference (transcript-rebuilt; emitter-appended) ---
"""Pipeline reference for scband-daaa-24481313587848 (READ-ONLY COPY).

The authoritative reference and input builder live on the scoring server;
editing this copy changes nothing except your own understanding.
"""

import jax, jax.numpy as jnp
import numpy as np

N = 10000
E = 320000
F_IN = 128
HID = 128
OUT = 2
EGO = HID // 2
NBR = HID - EGO


def setup_inputs(seed: int = 0) -> dict:
    key = jax.random.key(seed)
    ks = jax.random.split(key, 12)
    x = jax.random.normal(ks[0], (N, F_IN), dtype=jnp.float32)
    edge_index = jax.random.randint(ks[1], (2, E), 0, N, dtype=jnp.int32)
    feature_importance = jnp.ones((F_IN,), dtype=jnp.float32)
    W_mean = jax.random.normal(ks[2], (HID, F_IN), dtype=jnp.float32) * 0.05
    b_mean = jnp.zeros((HID,), dtype=jnp.float32)
    W_ego = jax.random.normal(ks[3], (EGO, F_IN), dtype=jnp.float32) * 0.05
    b_ego = jnp.zeros((EGO,), dtype=jnp.float32)
    W_nbr = jax.random.normal(ks[4], (NBR, F_IN), dtype=jnp.float32) * 0.05
    b_nbr = jnp.zeros((NBR,), dtype=jnp.float32)
    gate_w = jnp.array(1.0, dtype=jnp.float32)
    gate_b = jnp.array(0.0, dtype=jnp.float32)
    bn_gamma = jnp.ones((HID,), dtype=jnp.float32)
    bn_beta = jnp.zeros((HID,), dtype=jnp.float32)
    W_gcn = jax.random.normal(ks[5], (OUT, HID), dtype=jnp.float32) * 0.05
    b_gcn = jnp.zeros((OUT,), dtype=jnp.float32)
    return {"x": x, "edge_index": edge_index, "feature_importance": feature_importance,
            "W_mean": W_mean, "b_mean": b_mean, "W_ego": W_ego, "b_ego": b_ego,
            "W_nbr": W_nbr, "b_nbr": b_nbr, "gate_w": gate_w, "gate_b": gate_b,
            "bn_gamma": bn_gamma, "bn_beta": bn_beta, "W_gcn": W_gcn, "b_gcn": b_gcn}


def _neighbor_stats(x, src, dst, n):
    # adj = sparse with A[src, dst] = 1; torch.sparse.mm(adj, x)[i] = sum_{e: src=i} x[dst]
    deg = jax.ops.segment_sum(jnp.ones(src.shape[0], dtype=x.dtype), src, num_segments=n)
    nbr_sum = jax.ops.segment_sum(x[dst], src, num_segments=n)
    mean_nbr = nbr_sum / jnp.maximum(deg, 1.0)[:, None]
    return mean_nbr, deg


def _l2_normalize(v, eps=1e-12):
    nrm = jnp.sqrt(jnp.sum(v * v, axis=1, keepdims=True))
    return v / jnp.maximum(nrm, eps)


def reference(x, edge_index, feature_importance, W_mean, b_mean, W_ego, b_ego,
              W_nbr, b_nbr, gate_w, gate_b, bn_gamma, bn_beta, W_gcn, b_gcn):
    n = x.shape[0]
    src = edge_index[0]
    dst = edge_index[1]
    # feature importance
    x = x * jax.nn.sigmoid(feature_importance)
    # DilutionComputer
    mean_nbr, deg = _neighbor_stats(x, src, dst, n)
    x_n = _l2_normalize(x)
    m_n = _l2_normalize(mean_nbr)
    sim = jnp.sum(x_n * m_n, axis=1)
    sim = jnp.where(deg > 0, sim, jnp.ones_like(sim))
    delta_agg = deg * (1.0 - sim)
    delta_agg = jax.nn.sigmoid(delta_agg / 10.0 - 0.5)
    # AdaptiveAggregationLayer
    h_mean = ((x + mean_nbr) / 2.0) @ W_mean.T + b_mean
    h_ego = x @ W_ego.T + b_ego
    h_nbr = mean_nbr @ W_nbr.T + b_nbr
    h_cat = jnp.concatenate([h_ego, h_nbr], axis=1)
    gate = jax.nn.sigmoid(gate_w * delta_agg + gate_b)[:, None]
    h = (1.0 - gate) * h_mean + gate * h_cat
    # BatchNorm1d (eval mode: running_mean=0, running_var=1, eps=1e-5)
    h = (h - 0.0) / jnp.sqrt(1.0 + 1e-5) * bn_gamma + bn_beta
    h = jax.nn.relu(h)
    # dropout: identity in eval
    # GCNConv with self-loops and symmetric normalization
    loop = jnp.arange(n, dtype=src.dtype)
    src2 = jnp.concatenate([src, loop])
    dst2 = jnp.concatenate([dst, loop])
    deg2 = jax.ops.segment_sum(jnp.ones(src2.shape[0], dtype=h.dtype), dst2, num_segments=n)
    dinv = jnp.where(deg2 > 0, 1.0 / jnp.sqrt(deg2), 0.0)
    norm = dinv[src2] * dinv[dst2]
    hw = h @ W_gcn.T
    out = jax.ops.segment_sum(norm[:, None] * hw[src2], dst2, num_segments=n) + b_gcn
    return out

if __name__ == "__main__":
    import jax
    _d = setup_inputs()
    print(jax.jit(kernel)(*tuple(_d.values())))

</pallas_src>

<mosaic_0001>
#map = affine_map<(d0, d1) -> (0, 0)>
#map1 = affine_map<(d0, d1) -> (0, 0, 0)>
module attributes {stable_mosaic.version = 14 : i64} {
  func.func @_agg_kernel(%arg0: i32, %arg1: i32, %arg2: memref<10112x64xf32, #tpu.memory_space<hbm>>, %arg3: memref<10112x64xf32, #tpu.memory_space<hbm>>, %arg4: memref<32x80x128xi32, #tpu.memory_space<hbm>>, %arg5: memref<32x80x128xi32, #tpu.memory_space<hbm>>, %arg6: memref<632x64xf32, #tpu.memory_space<hbm>>, %arg7: memref<632x8xf32, #tpu.memory_space<hbm>>, %arg8: memref<128x8xf32, #tpu.memory_space<hbm>>, %arg9: memref<2x10112x64xf32, #tpu.memory_space<hbm>>, %arg10: memref<2x10112x64xf32, #tpu.memory_space<hbm>>, %arg11: memref<2x10112x8xf32, #tpu.memory_space<hbm>>, %arg12: memref<2x10112x8xf32, #tpu.memory_space<hbm>>, %arg13: memref<80x128xi32, #tpu.memory_space<vmem>>, %arg14: memref<80x128xi32, #tpu.memory_space<vmem>>, %arg15: memref<128x64xf32, #tpu.memory_space<vmem>>, %arg16: memref<128x64xf32, #tpu.memory_space<vmem>>, %arg17: memref<128x64xf32, #tpu.memory_space<vmem>>, %arg18: memref<128x64xf32, #tpu.memory_space<vmem>>, %arg19: memref<128x8xf32, #tpu.memory_space<vmem>>, %arg20: memref<!tpu.dma_semaphore, #tpu.memory_space<semaphore_mem>>, %arg21: memref<!tpu.dma_semaphore, #tpu.memory_space<semaphore_mem>>, %arg22: memref<!tpu.dma_semaphore, #tpu.memory_space<semaphore_mem>>, %arg23: memref<!tpu.dma_semaphore, #tpu.memory_space<semaphore_mem>>, %arg24: memref<!tpu.dma_semaphore, #tpu.memory_space<semaphore_mem>>, %arg25: memref<10112x64xf32, #tpu.memory_space<vmem_shared>>, %arg26: memref<10112x8xf32, #tpu.memory_space<vmem_shared>>) attributes {dimension_semantics = [#tpu.dimension_semantics<core_parallel>, #tpu.dimension_semantics<subcore_parallel>], iteration_bounds = array<i64: 2, 16>, scalar_prefetch = 0 : i64, scratch_operands = 14 : i64, tpu.core_type = #tpu.core_type<sc_vector_subcore>, window_params = [{transform_indices = #map}, {transform_indices = #map}, {transform_indices = #map1}, {transform_indices = #map1}, {transform_indices = #map}, {transform_indices = #map}, {transform_indices = #map}, {transform_indices = #map1}, {transform_indices = #map1}, {transform_indices = #map1}, {transform_indices = #map1}]} {
    %mul3A = arith.constant 2 : i32
    %mul3A_0 = arith.muli %arg1, %mul3A : i32
    %add3A = arith.addi %mul3A_0, %arg0 : i32
    %mul3A_1 = arith.constant 632 : i32
    %mul3A_2 = arith.muli %arg1, %mul3A_1 : i32
    "tpu.region"() ({
      %run_scoped3A = tpu.sem_alloc : memref<!tpu.dma_semaphore, #tpu.memory_space<semaphore_mem>>
      %dma_start3A_139 = arith.constant 0 : i32
      %dma_start3A_140 = tpu.memref_slice %arg25[%mul3A_2, %dma_start3A_139] : memref<10112x64xf32, #tpu.memory_space<vmem_shared>> -> memref<632x64xf32, #tpu.memory_space<vmem_shared>>
      tpu.enqueue_dma source(%arg6 : memref<632x64xf32, #tpu.memory_space<hbm>>) target(%dma_start3A_140 : memref<632x64xf32, #tpu.memory_space<vmem_shared>>) target_semaphore(%run_scoped3A : memref<!tpu.dma_semaphore, #tpu.memory_space<semaphore_mem>>)
      %dma_wait3A_141 = arith.constant 0 : i32
      %dma_wait3A_142 = tpu.memref_slice %arg25[%mul3A_2, %dma_wait3A_141] : memref<10112x64xf32, #tpu.memory_space<vmem_shared>> -> memref<632x64xf32, #tpu.memory_space<vmem_shared>>
      tpu.wait_dma2 semaphore(%run_scoped3A : memref<!tpu.dma_semaphore, #tpu.memory_space<semaphore_mem>>) src(%arg6 : memref<632x64xf32, #tpu.memory_space<hbm>>) dst(%dma_wait3A_142 : memref<632x64xf32, #tpu.memory_space<vmem_shared>>)
      tpu.yield
    }) : () -> ()
    "tpu.region"() ({
      %run_scoped3A = tpu.sem_alloc : memref<!tpu.dma_semaphore, #tpu.memory_space<semaphore_mem>>
      %dma_start3A_139 = arith.constant 0 : i32
      %dma_start3A_140 = tpu.memref_slice %arg26[%mul3A_2, %dma_start3A_139] : memref<10112x8xf32, #tpu.memory_space<vmem_shared>> -> memref<632x8xf32, #tpu.memory_space<vmem_shared>>
      tpu.enqueue_dma source(%arg7 : memref<632x8xf32, #tpu.memory_space<hbm>>) target(%dma_start3A_140 : memref<632x8xf32, #tpu.memory_space<vmem_shared>>) target_semaphore(%run_scoped3A : memref<!tpu.dma_semaphore, #tpu.memory_space<semaphore_mem>>)
      %dma_wait3A_141 = arith.constant 0 : i32
      %dma_wait3A_142 = tpu.memref_slice %arg26[%mul3A_2, %dma_wait3A_141] : memref<10112x8xf32, #tpu.memory_space<vmem_shared>> -> memref<632x8xf32, #tpu.memory_space<vmem_shared>>
      tpu.wait_dma2 semaphore(%run_scoped3A : memref<!tpu.dma_semaphore, #tpu.memory_space<semaphore_mem>>) src(%arg7 : memref<632x8xf32, #tpu.memory_space<hbm>>) dst(%dma_wait3A_142 : memref<632x8xf32, #tpu.memory_space<vmem_shared>>)
      tpu.yield
    }) : () -> ()
    "tpu.region"() ({
      %run_scoped3A = tpu.sem_alloc : memref<!tpu.dma_semaphore, #tpu.memory_space<semaphore_mem>>
      %dma_start3A_139 = arith.constant 0 : i32
      %dma_start3A_140 = arith.constant 0 : i32
      %dma_start3A_141 = tpu.memref_slice %arg4[%add3A, %dma_start3A_139, %dma_start3A_140] : memref<32x80x128xi32, #tpu.memory_space<hbm>> -> memref<1x80x128xi32, #tpu.memory_space<hbm>>
      %dma_start3A_142 = tpu.memref_squeeze %dma_start3A_141 : memref<1x80x128xi32, #tpu.memory_space<hbm>> -> memref<80x128xi32, #tpu.memory_space<hbm>>
      %dma_start3A_143 = arith.constant 0 : i32
      %dma_start3A_144 = arith.constant 0 : i32
      %dma_start3A_145 = tpu.memref_slice %arg4[%add3A, %dma_start3A_143, %dma_start3A_144] : memref<32x80x128xi32, #tpu.memory_space<hbm>> -> memref<1x80x128xi32, #tpu.memory_space<hbm>>
      %dma_start3A_146 = tpu.memref_squeeze %dma_start3A_145 : memref<1x80x128xi32, #tpu.memory_space<hbm>> -> memref<80x128xi32, #tpu.memory_space<hbm>>
      tpu.enqueue_dma source(%dma_start3A_146 : memref<80x128xi32, #tpu.memory_space<hbm>>) target(%arg13 : memref<80x128xi32, #tpu.memory_space<vmem>>) target_semaphore(%run_scoped3A : memref<!tpu.dma_semaphore, #tpu.memory_space<semaphore_mem>>)
      %dma_wait3A_147 = arith.constant 0 : i32
      %dma_wait3A_148 = arith.constant 0 : i32
      %dma_wait3A_149 = tpu.memref_slice %arg4[%add3A, %dma_wait3A_147, %dma_wait3A_148] : memref<32x80x128xi32, #tpu.memory_space<hbm>> -> memref<1x80x128xi32, #tpu.memory_space<hbm>>
      %dma_wait3A_150 = tpu.memref_squeeze %dma_wait3A_149 : memref<1x80x128xi32, #tpu.memory_space<hbm>> -> memref<80x128xi32, #tpu.memory_space<hbm>>
      %dma_wait3A_151 = arith.constant 0 : i32
      %dma_wait3A_152 = arith.constant 0 : i32
      %dma_wait3A_153 = tpu.memref_slice %arg4[%add3A, %dma_wait3A_151, %dma_wait3A_152] : memref<32x80x128xi32, #tpu.memory_space<hbm>> -> memref<1x80x128xi32, #tpu.memory_space<hbm>>
      %dma_wait3A_154 = tpu.memref_squeeze %dma_wait3A_153 : memref<1x80x128xi32, #tpu.memory_space<hbm>> -> memref<80x128xi32, #tpu.memory_space<hbm>>
      tpu.wait_dma2 semaphore(%run_scoped3A : memref<!tpu.dma_semaphore, #tpu.memory_space<semaphore_mem>>) src(%dma_wait3A_154 : memref<80x128xi32, #tpu.memory_space<hbm>>) dst(%arg13 : memref<80x128xi32, #tpu.memory_space<vmem>>)
      tpu.yield
    }) : () -> ()
    "tpu.region"() ({
      %run_scoped3A = tpu.sem_alloc : memref<!tpu.dma_semaphore, #tpu.memory_space<semaphore_mem>>
      %dma_start3A_139 = arith.constant 0 : i32
      %dma_start3A_140 = arith.constant 0 : i32
      %dma_start3A_141 = tpu.memref_slice %arg5[%add3A, %dma_start3A_139, %dma_start3A_140] : memref<32x80x128xi32, #tpu.memory_space<hbm>> -> memref<1x80x128xi32, #tpu.memory_space<hbm>>
      %dma_start3A_142 = tpu.memref_squeeze %dma_start3A_141 : memref<1x80x128xi32, #tpu.memory_space<hbm>> -> memref<80x128xi32, #tpu.memory_space<hbm>>
      %dma_start3A_143 = arith.constant 0 : i32
      %dma_start3A_144 = arith.constant 0 : i32
      %dma_start3A_145 = tpu.memref_slice %arg5[%add3A, %dma_start3A_143, %dma_start3A_144] : memref<32x80x128xi32, #tpu.memory_space<hbm>> -> memref<1x80x128xi32, #tpu.memory_space<hbm>>
      %dma_start3A_146 = tpu.memref_squeeze %dma_start3A_145 : memref<1x80x128xi32, #tpu.memory_space<hbm>> -> memref<80x128xi32, #tpu.memory_space<hbm>>
      tpu.enqueue_dma source(%dma_start3A_146 : memref<80x128xi32, #tpu.memory_space<hbm>>) target(%arg14 : memref<80x128xi32, #tpu.memory_space<vmem>>) target_semaphore(%run_scoped3A : memref<!tpu.dma_semaphore, #tpu.memory_space<semaphore_mem>>)
      %dma_wait3A_147 = arith.constant 0 : i32
      %dma_wait3A_148 = arith.constant 0 : i32
      %dma_wait3A_149 = tpu.memref_slice %arg5[%add3A, %dma_wait3A_147, %dma_wait3A_148] : memref<32x80x128xi32, #tpu.memory_space<hbm>> -> memref<1x80x128xi32, #tpu.memory_space<hbm>>
      %dma_wait3A_150 = tpu.memref_squeeze %dma_wait3A_149 : memref<1x80x128xi32, #tpu.memory_space<hbm>> -> memref<80x128xi32, #tpu.memory_space<hbm>>
      %dma_wait3A_151 = arith.constant 0 : i32
      %dma_wait3A_152 = arith.constant 0 : i32
      %dma_wait3A_153 = tpu.memref_slice %arg5[%add3A, %dma_wait3A_151, %dma_wait3A_152] : memref<32x80x128xi32, #tpu.memory_space<hbm>> -> memref<1x80x128xi32, #tpu.memory_space<hbm>>
      %dma_wait3A_154 = tpu.memref_squeeze %dma_wait3A_153 : memref<1x80x128xi32, #tpu.memory_space<hbm>> -> memref<80x128xi32, #tpu.memory_space<hbm>>
      tpu.wait_dma2 semaphore(%run_scoped3A : memref<!tpu.dma_semaphore, #tpu.memory_space<semaphore_mem>>) src(%dma_wait3A_154 : memref<80x128xi32, #tpu.memory_space<hbm>>) dst(%arg14 : memref<80x128xi32, #tpu.memory_space<vmem>>)
      tpu.yield
    }) : () -> ()
    "tpu.region"() ({
      %run_scoped3A = tpu.sem_alloc : memref<!tpu.dma_semaphore, #tpu.memory_space<semaphore_mem>>
      tpu.enqueue_dma source(%arg8 : memref<128x8xf32, #tpu.memory_space<hbm>>) target(%arg19 : memref<128x8xf32, #tpu.memory_space<vmem>>) target_semaphore(%run_scoped3A : memref<!tpu.dma_semaphore, #tpu.memory_space<semaphore_mem>>)
      tpu.wait_dma2 semaphore(%run_scoped3A : memref<!tpu.dma_semaphore, #tpu.memory_space<semaphore_mem>>) src(%arg8 : memref<128x8xf32, #tpu.memory_space<hbm>>) dst(%arg19 : memref<128x8xf32, #tpu.memory_space<vmem>>)
      tpu.yield
    }) : () -> ()
    %barrier3A = arith.constant 0 : index
    tpu.barrier barrier_id(%barrier3A)
    %dma_start3A = arith.constant 0 : i32
    %dma_start3A_3 = arith.constant 0 : i32
    %dma_start3A_4 = tpu.memref_slice %arg14[%dma_start3A, %dma_start3A_3] : memref<80x128xi32, #tpu.memory_space<vmem>> -> memref<1x128xi32, #tpu.memory_space<vmem>>
    %dma_start3A_5 = tpu.memref_squeeze %dma_start3A_4 : memref<1x128xi32, #tpu.memory_space<vmem>> -> memref<128xi32, #tpu.memory_space<vmem>>
    %dma_start3A_6 = arith.constant 0 : i32
    %dma_start3A_7 = arith.constant 0 : i32
    %dma_start3A_8 = tpu.memref_slice %arg2[%dma_start3A_6, %dma_start3A_7] : memref<10112x64xf32, #tpu.memory_space<hbm>> -> memref<10112x64xf32, #tpu.memory_space<hbm>>
    tpu.enqueue_indirect_dma source(%dma_start3A_8 : memref<10112x64xf32, #tpu.memory_space<hbm>>) target(%arg15 : memref<128x64xf32, #tpu.memory_space<vmem>>) offsets(%dma_start3A_5 : memref<128xi32, #tpu.memory_space<vmem>>) semaphore(%arg20 : memref<!tpu.dma_semaphore, #tpu.memory_space<semaphore_mem>>)
    %dma_start3A_9 = arith.constant 1 : i32
    %dma_start3A_10 = arith.constant 0 : i32
    %dma_start3A_11 = tpu.memref_slice %arg14[%dma_start3A_9, %dma_start3A_10] : memref<80x128xi32, #tpu.memory_space<vmem>> -> memref<1x128xi32, #tpu.memory_space<vmem>>
    %dma_start3A_12 = tpu.memref_squeeze %dma_start3A_11 : memref<1x128xi32, #tpu.memory_space<vmem>> -> memref<128xi32, #tpu.memory_space<vmem>>
    %dma_start3A_13 = arith.constant 0 : i32
    %dma_start3A_14 = arith.constant 0 : i32
    %dma_start3A_15 = tpu.memref_slice %arg2[%dma_start3A_13, %dma_start3A_14] : memref<10112x64xf32, #tpu.memory_space<hbm>> -> memref<10112x64xf32, #tpu.memory_space<hbm>>
    tpu.enqueue_indirect_dma source(%dma_start3A_15 : memref<10112x64xf32, #tpu.memory_space<hbm>>) target(%arg16 : memref<128x64xf32, #tpu.memory_space<vmem>>) offsets(%dma_start3A_12 : memref<128xi32, #tpu.memory_space<vmem>>) semaphore(%arg21 : memref<!tpu.dma_semaphore, #tpu.memory_space<semaphore_mem>>)
    %dma_start3A_16 = arith.constant 2 : i32
    %dma_start3A_17 = arith.constant 0 : i32
    %dma_start3A_18 = tpu.memref_slice %arg14[%dma_start3A_16, %dma_start3A_17] : memref<80x128xi32, #tpu.memory_space<vmem>> -> memref<1x128xi32, #tpu.memory_space<vmem>>
    %dma_start3A_19 = tpu.memref_squeeze %dma_start3A_18 : memref<1x128xi32, #tpu.memory_space<vmem>> -> memref<128xi32, #tpu.memory_space<vmem>>
    %dma_start3A_20 = arith.constant 0 : i32
    %dma_start3A_21 = arith.constant 0 : i32
    %dma_start3A_22 = tpu.memref_slice %arg2[%dma_start3A_20, %dma_start3A_21] : memref<10112x64xf32, #tpu.memory_space<hbm>> -> memref<10112x64xf32, #tpu.memory_space<hbm>>
    tpu.enqueue_indirect_dma source(%dma_start3A_22 : memref<10112x64xf32, #tpu.memory_space<hbm>>) target(%arg17 : memref<128x64xf32, #tpu.memory_space<vmem>>) offsets(%dma_start3A_19 : memref<128xi32, #tpu.memory_space<vmem>>) semaphore(%arg22 : memref<!tpu.dma_semaphore, #tpu.memory_space<semaphore_mem>>)
    %dma_start3A_23 = arith.constant 3 : i32
    %dma_start3A_24 = arith.constant 0 : i32
    %dma_start3A_25 = tpu.memref_slice %arg14[%dma_start3A_23, %dma_start3A_24] : memref<80x128xi32, #tpu.memory_space<vmem>> -> memref<1x128xi32, #tpu.memory_space<vmem>>
    %dma_start3A_26 = tpu.memref_squeeze %dma_start3A_25 : memref<1x128xi32, #tpu.memory_space<vmem>> -> memref<128xi32, #tpu.memory_space<vmem>>
    %dma_start3A_27 = arith.constant 0 : i32
    %dma_start3A_28 = arith.constant 0 : i32
    %dma_start3A_29 = tpu.memref_slice %arg2[%dma_start3A_27, %dma_start3A_28] : memref<10112x64xf32, #tpu.memory_space<hbm>> -> memref<10112x64xf32, #tpu.memory_space<hbm>>
    tpu.enqueue_indirect_dma source(%dma_start3A_29 : memref<10112x64xf32, #tpu.memory_space<hbm>>) target(%arg18 : memref<128x64xf32, #tpu.memory_space<vmem>>) offsets(%dma_start3A_26 : memref<128xi32, #tpu.memory_space<vmem>>) semaphore(%arg23 : memref<!tpu.dma_semaphore, #tpu.memory_space<semaphore_mem>>)
    %scan3A = arith.constant 0 : i32
    %scan3A_30 = arith.constant 0 : i32
    %scan3A_31 = arith.constant 20 : i32
    %scan3A_32 = arith.addi %scan3A_30, %scan3A_31 : i32
    %scan3A_33 = arith.constant 1 : i32
    scf.for %scan3A_139 = %scan3A_30 to %scan3A_32 step %scan3A_33  : i32 {
      %mul3A_140 = arith.constant 4 : i32
      %mul3A_141 = arith.muli %mul3A_140, %scan3A_139 : i32
      %add3A_142 = arith.constant 0 : i32
      %add3A_143 = arith.addi %mul3A_141, %add3A_142 : i32
      %dma_wait3A_144 = arith.constant 0 : i32
      %dma_wait3A_145 = tpu.memref_slice %arg14[%add3A_143, %dma_wait3A_144] : memref<80x128xi32, #tpu.memory_space<vmem>> -> memref<1x128xi32, #tpu.memory_space<vmem>>
      %dma_wait3A_146 = tpu.memref_squeeze %dma_wait3A_145 : memref<1x128xi32, #tpu.memory_space<vmem>> -> memref<128xi32, #tpu.memory_space<vmem>>
      %dma_wait3A_147 = arith.constant 0 : i32
      %dma_wait3A_148 = arith.constant 0 : i32
      %dma_wait3A_149 = tpu.memref_slice %arg2[%dma_wait3A_147, %dma_wait3A_148] : memref<10112x64xf32, #tpu.memory_space<hbm>> -> memref<10112x64xf32, #tpu.memory_space<hbm>>
      tpu.wait_indirect_dma semaphore(%arg20 : memref<!tpu.dma_semaphore, #tpu.memory_space<semaphore_mem>>) src(%dma_wait3A_149 : memref<10112x64xf32, #tpu.memory_space<hbm>>) dst(%arg15 : memref<128x64xf32, #tpu.memory_space<vmem>>)
      "tpu.region"() ({
        %run_scoped3A = tpu.sem_alloc : memref<!tpu.dma_semaphore, #tpu.memory_space<semaphore_mem>>
        %dma_start3A_243 = arith.constant 0 : i32
        %dma_start3A_244 = tpu.memref_slice %arg13[%add3A_143, %dma_start3A_243] : memref<80x128xi32, #tpu.memory_space<vmem>> -> memref<1x128xi32, #tpu.memory_space<vmem>>
        %dma_start3A_245 = tpu.memref_squeeze %dma_start3A_244 : memref<1x128xi32, #tpu.memory_space<vmem>> -> memref<128xi32, #tpu.memory_space<vmem>>
        %dma_start3A_246 = arith.constant 0 : i32
        %dma_start3A_247 = arith.constant 0 : i32
        %dma_start3A_248 = tpu.memref_slice %arg25[%dma_start3A_246, %dma_start3A_247] : memref<10112x64xf32, #tpu.memory_space<vmem_shared>> -> memref<10112x64xf32, #tpu.memory_space<vmem_shared>>
        tpu.enqueue_indirect_dma source(%arg15 : memref<128x64xf32, #tpu.memory_space<vmem>>) target(%dma_start3A_248 : memref<10112x64xf32, #tpu.memory_space<vmem_shared>>) offsets(%dma_start3A_245 : memref<128xi32, #tpu.memory_space<vmem>>) semaphore(%run_scoped3A : memref<!tpu.dma_semaphore, #tpu.memory_space<semaphore_mem>>) {add = true}
        %dma_wait3A_249 = arith.constant 0 : i32
        %dma_wait3A_250 = tpu.memref_slice %arg13[%add3A_143, %dma_wait3A_249] : memref<80x128xi32, #tpu.memory_space<vmem>> -> memref<1x128xi32, #tpu.memory_space<vmem>>
        %dma_wait3A_251 = tpu.memref_squeeze %dma_wait3A_250 : memref<1x128xi32, #tpu.memory_space<vmem>> -> memref<128xi32, #tpu.memory_space<vmem>>
        %dma_wait3A_252 = arith.constant 0 : i32
        %dma_wait3A_253 = arith.constant 0 : i32
        %dma_wait3A_254 = tpu.memref_slice %arg25[%dma_wait3A_252, %dma_wait3A_253] : memref<10112x64xf32, #tpu.memory_space<vmem_shared>> -> memref<10112x64xf32, #tpu.memory_space<vmem_shared>>
        tpu.wait_indirect_dma semaphore(%run_scoped3A : memref<!tpu.dma_semaphore, #tpu.memory_space<semaphore_mem>>) src(%arg15 : memref<128x64xf32, #tpu.memory_space<vmem>>) dst(%dma_wait3A_254 : memref<10112x64xf32, #tpu.memory_space<vmem_shared>>)
        tpu.yield
      }) : () -> ()
      %dma_start3A_150 = arith.constant 0 : i32
      %dma_start3A_151 = tpu.memref_slice %arg13[%add3A_143, %dma_start3A_150] : memref<80x128xi32, #tpu.memory_space<vmem>> -> memref<1x128xi32, #tpu.memory_space<vmem>>
      %dma_start3A_152 = tpu.memref_squeeze %dma_start3A_151 : memref<1x128xi32, #tpu.memory_space<vmem>> -> memref<128xi32, #tpu.memory_space<vmem>>
      %dma_start3A_153 = arith.constant 0 : i32
      %dma_start3A_154 = arith.constant 0 : i32
      %dma_start3A_155 = tpu.memref_slice %arg26[%dma_start3A_153, %dma_start3A_154] : memref<10112x8xf32, #tpu.memory_space<vmem_shared>> -> memref<10112x8xf32, #tpu.memory_space<vmem_shared>>
      tpu.enqueue_indirect_dma source(%arg19 : memref<128x8xf32, #tpu.memory_space<vmem>>) target(%dma_start3A_155 : memref<10112x8xf32, #tpu.memory_space<vmem_shared>>) offsets(%dma_start3A_152 : memref<128xi32, #tpu.memory_space<vmem>>) semaphore(%arg24 : memref<!tpu.dma_semaphore, #tpu.memory_space<semaphore_mem>>) {add = true}
      %add3A_156 = arith.constant 4 : i32
      %add3A_157 = arith.addi %add3A_143, %add3A_156 : i32
      %min3A = arith.constant 79 : i32
      %min3A_158 = arith.minsi %add3A_157, %min3A : i32
      %dma_start3A_159 = arith.constant 0 : i32
      %dma_start3A_160 = tpu.memref_slice %arg14[%min3A_158, %dma_start3A_159] : memref<80x128xi32, #tpu.memory_space<vmem>> -> memref<1x128xi32, #tpu.memory_space<vmem>>
      %dma_start3A_161 = tpu.memref_squeeze %dma_start3A_160 : memref<1x128xi32, #tpu.memory_space<vmem>> -> memref<128xi32, #tpu.memory_space<vmem>>
      %dma_start3A_162 = arith.constant 0 : i32
      %dma_start3A_163 = arith.constant 0 : i32
      %dma_start3A_164 = tpu.memref_slice %arg2[%dma_start3A_162, %dma_start3A_163] : memref<10112x64xf32, #tpu.memory_space<hbm>> -> memref<10112x64xf32, #tpu.memory_space<hbm>>
      tpu.enqueue_indirect_dma source(%dma_start3A_164 : memref<10112x64xf32, #tpu.memory_space<hbm>>) target(%arg15 : memref<128x64xf32, #tpu.memory_space<vmem>>) offsets(%dma_start3A_161 : memref<128xi32, #tpu.memory_space<vmem>>) semaphore(%arg20 : memref<!tpu.dma_semaphore, #tpu.memory_space<semaphore_mem>>)
      %mul3A_165 = arith.constant 4 : i32
      %mul3A_166 = arith.muli %mul3A_165, %scan3A_139 : i32
      %add3A_167 = arith.constant 1 : i32
      %add3A_168 = arith.addi %mul3A_166, %add3A_167 : i32
      %dma_wait3A_169 = arith.constant 0 : i32
      %dma_wait3A_170 = tpu.memref_slice %arg14[%add3A_168, %dma_wait3A_169] : memref<80x128xi32, #tpu.memory_space<vmem>> -> memref<1x128xi32, #tpu.memory_space<vmem>>
      %dma_wait3A_171 = tpu.memref_squeeze %dma_wait3A_170 : memref<1x128xi32, #tpu.memory_space<vmem>> -> memref<128xi32, #tpu.memory_space<vmem>>
      %dma_wait3A_172 = arith.constant 0 : i32
      %dma_wait3A_173 = arith.constant 0 : i32
      %dma_wait3A_174 = tpu.memref_slice %arg2[%dma_wait3A_172, %dma_wait3A_173] : memref<10112x64xf32, #tpu.memory_space<hbm>> -> memref<10112x64xf32, #tpu.memory_space<hbm>>
      tpu.wait_indirect_dma semaphore(%arg21 : memref<!tpu.dma_semaphore, #tpu.memory_space<semaphore_mem>>) src(%dma_wait3A_174 : memref<10112x64xf32, #tpu.memory_space<hbm>>) dst(%arg16 : memref<128x64xf32, #tpu.memory_space<vmem>>)
      "tpu.region"() ({
        %run_scoped3A = tpu.sem_alloc : memref<!tpu.dma_semaphore, #tpu.memory_space<semaphore_mem>>
        %dma_start3A_243 = arith.constant 0 : i32
        %dma_start3A_244 = tpu.memref_slice %arg13[%add3A_168, %dma_start3A_243] : memref<80x128xi32, #tpu.memory_space<vmem>> -> memref<1x128xi32, #tpu.memory_space<vmem>>
        %dma_start3A_245 = tpu.memref_squeeze %dma_start3A_244 : memref<1x128xi32, #tpu.memory_space<vmem>> -> memref<128xi32, #tpu.memory_space<vmem>>
        %dma_start3A_246 = arith.constant 0 : i32
        %dma_start3A_247 = arith.constant 0 : i32
        %dma_start3A_248 = tpu.memref_slice %arg25[%dma_start3A_246, %dma_start3A_247] : memref<10112x64xf32, #tpu.memory_space<vmem_shared>> -> memref<10112x64xf32, #tpu.memory_space<vmem_shared>>
        tpu.enqueue_indirect_dma source(%arg16 : memref<128x64xf32, #tpu.memory_space<vmem>>) target(%dma_start3A_248 : memref<10112x64xf32, #tpu.memory_space<vmem_shared>>) offsets(%dma_start3A_245 : memref<128xi32, #tpu.memory_space<vmem>>) semaphore(%run_scoped3A : memref<!tpu.dma_semaphore, #tpu.memory_space<semaphore_mem>>) {add = true}
        %dma_wait3A_249 = arith.constant 0 : i32
        %dma_wait3A_250 = tpu.memref_slice %arg13[%add3A_168, %dma_wait3A_249] : memref<80x128xi32, #tpu.memory_space<vmem>> -> memref<1x128xi32, #tpu.memory_space<vmem>>
        %dma_wait3A_251 = tpu.memref_squeeze %dma_wait3A_250 : memref<1x128xi32, #tpu.memory_space<vmem>> -> memref<128xi32, #tpu.memory_space<vmem>>
        %dma_wait3A_252 = arith.constant 0 : i32
        %dma_wait3A_253 = arith.constant 0 : i32
        %dma_wait3A_254 = tpu.memref_slice %arg25[%dma_wait3A_252, %dma_wait3A_253] : memref<10112x64xf32, #tpu.memory_space<vmem_shared>> -> memref<10112x64xf32, #tpu.memory_space<vmem_shared>>
        tpu.wait_indirect_dma semaphore(%run_scoped3A : memref<!tpu.dma_semaphore, #tpu.memory_space<semaphore_mem>>) src(%arg16 : memref<128x64xf32, #tpu.memory_space<vmem>>) dst(%dma_wait3A_254 : memref<10112x64xf32, #tpu.memory_space<vmem_shared>>)
        tpu.yield
      }) : () -> ()
      %dma_start3A_175 = arith.constant 0 : i32
      %dma_start3A_176 = tpu.memref_slice %arg13[%add3A_168, %dma_start3A_175] : memref<80x128xi32, #tpu.memory_space<vmem>> -> memref<1x128xi32, #tpu.memory_space<vmem>>
      %dma_start3A_177 = tpu.memref_squeeze %dma_start3A_176 : memref<1x128xi32, #tpu.memory_space<vmem>> -> memref<128xi32, #tpu.memory_space<vmem>>
      %dma_start3A_178 = arith.constant 0 : i32
      %dma_start3A_179 = arith.constant 0 : i32
      %dma_start3A_180 = tpu.memref_slice %arg26[%dma_start3A_178, %dma_start3A_179] : memref<10112x8xf32, #tpu.memory_space<vmem_shared>> -> memref<10112x8xf32, #tpu.memory_space<vmem_shared>>
      tpu.enqueue_indirect_dma source(%arg19 : memref<128x8xf32, #tpu.memory_space<vmem>>) target(%dma_start3A_180 : memref<10112x8xf32, #tpu.memory_space<vmem_shared>>) offsets(%dma_start3A_177 : memref<128xi32, #tpu.memory_space<vmem>>) semaphore(%arg24 : memref<!tpu.dma_semaphore, #tpu.memory_space<semaphore_mem>>) {add = true}
      %add3A_181 = arith.constant 4 : i32
      %add3A_182 = arith.addi %add3A_168, %add3A_181 : i32
      %min3A_183 = arith.constant 79 : i32
      %min3A_184 = arith.minsi %add3A_182, %min3A_183 : i32
      %dma_start3A_185 = arith.constant 0 : i32
      %dma_start3A_186 = tpu.memref_slice %arg14[%min3A_184, %dma_start3A_185] : memref<80x128xi32, #tpu.memory_space<vmem>> -> memref<1x128xi32, #tpu.memory_space<vmem>>
      %dma_start3A_187 = tpu.memref_squeeze %dma_start3A_186 : memref<1x128xi32, #tpu.memory_space<vmem>> -> memref<128xi32, #tpu.memory_space<vmem>>
      %dma_start3A_188 = arith.constant 0 : i32
      %dma_start3A_189 = arith.constant 0 : i32
      %dma_start3A_190 = tpu.memref_slice %arg2[%dma_start3A_188, %dma_start3A_189] : memref<10112x64xf32, #tpu.memory_space<hbm>> -> memref<10112x64xf32, #tpu.memory_space<hbm>>
      tpu.enqueue_indirect_dma source(%dma_start3A_190 : memref<10112x64xf32, #tpu.memory_space<hbm>>) target(%arg16 : memref<128x64xf32, #tpu.memory_space<vmem>>) offsets(%dma_start3A_187 : memref<128xi32, #tpu.memory_space<vmem>>) semaphore(%arg21 : memref<!tpu.dma_semaphore, #tpu.memory_space<semaphore_mem>>)
      %mul3A_191 = arith.constant 4 : i32
      %mul3A_192 = arith.muli %mul3A_191, %scan3A_139 : i32
      %add3A_193 = arith.constant 2 : i32
      %add3A_194 = arith.addi %mul3A_192, %add3A_193 : i32
      %dma_wait3A_195 = arith.constant 0 : i32
      %dma_wait3A_196 = tpu.memref_slice %arg14[%add3A_194, %dma_wait3A_195] : memref<80x128xi32, #tpu.memory_space<vmem>> -> memref<1x128xi32, #tpu.memory_space<vmem>>
      %dma_wait3A_197 = tpu.memref_squeeze %dma_wait3A_196 : memref<1x128xi32, #tpu.memory_space<vmem>> -> memref<128xi32, #tpu.memory_space<vmem>>
      %dma_wait3A_198 = arith.constant 0 : i32
      %dma_wait3A_199 = arith.constant 0 : i32
      %dma_wait3A_200 = tpu.memref_slice %arg2[%dma_wait3A_198, %dma_wait3A_199] : memref<10112x64xf32, #tpu.memory_space<hbm>> -> memref<10112x64xf32, #tpu.memory_space<hbm>>
      tpu.wait_indirect_dma semaphore(%arg22 : memref<!tpu.dma_semaphore, #tpu.memory_space<semaphore_mem>>) src(%dma_wait3A_200 : memref<10112x64xf32, #tpu.memory_space<hbm>>) dst(%arg17 : memref<128x64xf32, #tpu.memory_space<vmem>>)
      "tpu.region"() ({
        %run_scoped3A = tpu.sem_alloc : memref<!tpu.dma_semaphore, #tpu.memory_space<semaphore_mem>>
        %dma_start3A_243 = arith.constant 0 : i32
        %dma_start3A_244 = tpu.memref_slice %arg13[%add3A_194, %dma_start3A_243] : memref<80x128xi32, #tpu.memory_space<vmem>> -> memref<1x128xi32, #tpu.memory_space<vmem>>
        %dma_start3A_245 = tpu.memref_squeeze %dma_start3A_244 : memref<1x128xi32, #tpu.memory_space<vmem>> -> memref<128xi32, #tpu.memory_space<vmem>>
        %dma_start3A_246 = arith.constant 0 : i32
        %dma_start3A_247 = arith.constant 0 : i32
        %dma_start3A_248 = tpu.memref_slice %arg25[%dma_start3A_246, %dma_start3A_247] : memref<10112x64xf32, #tpu.memory_space<vmem_shared>> -> memref<10112x64xf32, #tpu.memory_space<vmem_shared>>
        tpu.enqueue_indirect_dma source(%arg17 : memref<128x64xf32, #tpu.memory_space<vmem>>) target(%dma_start3A_248 : memref<10112x64xf32, #tpu.memory_space<vmem_shared>>) offsets(%dma_start3A_245 : memref<128xi32, #tpu.memory_space<vmem>>) semaphore(%run_scoped3A : memref<!tpu.dma_semaphore, #tpu.memory_space<semaphore_mem>>) {add = true}
        %dma_wait3A_249 = arith.constant 0 : i32
        %dma_wait3A_250 = tpu.memref_slice %arg13[%add3A_194, %dma_wait3A_249] : memref<80x128xi32, #tpu.memory_space<vmem>> -> memref<1x128xi32, #tpu.memory_space<vmem>>
        %dma_wait3A_251 = tpu.memref_squeeze %dma_wait3A_250 : memref<1x128xi32, #tpu.memory_space<vmem>> -> memref<128xi32, #tpu.memory_space<vmem>>
        %dma_wait3A_252 = arith.constant 0 : i32
        %dma_wait3A_253 = arith.constant 0 : i32
        %dma_wait3A_254 = tpu.memref_slice %arg25[%dma_wait3A_252, %dma_wait3A_253] : memref<10112x64xf32, #tpu.memory_space<vmem_shared>> -> memref<10112x64xf32, #tpu.memory_space<vmem_shared>>
        tpu.wait_indirect_dma semaphore(%run_scoped3A : memref<!tpu.dma_semaphore, #tpu.memory_space<semaphore_mem>>) src(%arg17 : memref<128x64xf32, #tpu.memory_space<vmem>>) dst(%dma_wait3A_254 : memref<10112x64xf32, #tpu.memory_space<vmem_shared>>)
        tpu.yield
      }) : () -> ()
      %dma_start3A_201 = arith.constant 0 : i32
      %dma_start3A_202 = tpu.memref_slice %arg13[%add3A_194, %dma_start3A_201] : memref<80x128xi32, #tpu.memory_space<vmem>> -> memref<1x128xi32, #tpu.memory_space<vmem>>
      %dma_start3A_203 = tpu.memref_squeeze %dma_start3A_202 : memref<1x128xi32, #tpu.memory_space<vmem>> -> memref<128xi32, #tpu.memory_space<vmem>>
      %dma_start3A_204 = arith.constant 0 : i32
      %dma_start3A_205 = arith.constant 0 : i32
      %dma_start3A_206 = tpu.memref_slice %arg26[%dma_start3A_204, %dma_start3A_205] : memref<10112x8xf32, #tpu.memory_space<vmem_shared>> -> memref<10112x8xf32, #tpu.memory_space<vmem_shared>>
      tpu.enqueue_indirect_dma source(%arg19 : memref<128x8xf32, #tpu.memory_space<vmem>>) target(%dma_start3A_206 : memref<10112x8xf32, #tpu.memory_space<vmem_shared>>) offsets(%dma_start3A_203 : memref<128xi32, #tpu.memory_space<vmem>>) semaphore(%arg24 : memref<!tpu.dma_semaphore, #tpu.memory_space<semaphore_mem>>) {add = true}
      %add3A_207 = arith.constant 4 : i32
      %add3A_208 = arith.addi %add3A_194, %add3A_207 : i32
      %min3A_209 = arith.constant 79 : i32
      %min3A_210 = arith.minsi %add3A_208, %min3A_209 : i32
      %dma_start3A_211 = arith.constant 0 : i32
      %dma_start3A_212 = tpu.memref_slice %arg14[%min3A_210, %dma_start3A_211] : memref<80x128xi32, #tpu.memory_space<vmem>> -> memref<1x128xi32, #tpu.memory_space<vmem>>
      %dma_start3A_213 = tpu.memref_squeeze %dma_start3A_212 : memref<1x128xi32, #tpu.memory_space<vmem>> -> memref<128xi32, #tpu.memory_space<vmem>>
      %dma_start3A_214 = arith.constant 0 : i32
      %dma_start3A_215 = arith.constant 0 : i32
      %dma_start3A_216 = tpu.memref_slice %arg2[%dma_start3A_214, %dma_start3A_215] : memref<10112x64xf32, #tpu.memory_space<hbm>> -> memref<10112x64xf32, #tpu.memory_space<hbm>>
      tpu.enqueue_indirect_dma source(%dma_start3A_216 : memref<10112x64xf32, #tpu.memory_space<hbm>>) target(%arg17 : memref<128x64xf32, #tpu.memory_space<vmem>>) offsets(%dma_start3A_213 : memref<128xi32, #tpu.memory_space<vmem>>) semaphore(%arg22 : memref<!tpu.dma_semaphore, #tpu.memory_space<semaphore_mem>>)
      %mul3A_217 = arith.constant 4 : i32
      %mul3A_218 = arith.muli %mul3A_217, %scan3A_139 : i32
      %add3A_219 = arith.constant 3 : i32
      %add3A_220 = arith.addi %mul3A_218, %add3A_219 : i32
      %dma_wait3A_221 = arith.constant 0 : i32
      %dma_wait3A_222 = tpu.memref_slice %arg14[%add3A_220, %dma_wait3A_221] : memref<80x128xi32, #tpu.memory_space<vmem>> -> memref<1x128xi32, #tpu.memory_space<vmem>>
      %dma_wait3A_223 = tpu.memref_squeeze %dma_wait3A_222 : memref<1x128xi32, #tpu.memory_space<vmem>> -> memref<128xi32, #tpu.memory_space<vmem>>
      %dma_wait3A_224 = arith.constant 0 : i32
      %dma_wait3A_225 = arith.constant 0 : i32
      %dma_wait3A_226 = tpu.memref_slice %arg2[%dma_wait3A_224, %dma_wait3A_225] : memref<10112x64xf32, #tpu.memory_space<hbm>> -> memref<10112x64xf32, #tpu.memory_space<hbm>>
      tpu.wait_indirect_dma semaphore(%arg23 : memref<!tpu.dma_semaphore, #tpu.memory_space<semaphore_mem>>) src(%dma_wait3A_226 : memref<10112x64xf32, #tpu.memory_space<hbm>>) dst(%arg18 : memref<128x64xf32, #tpu.memory_space<vmem>>)
      "tpu.region"() ({
        %run_scoped3A = tpu.sem_alloc : memref<!tpu.dma_semaphore, #tpu.memory_space<semaphore_mem>>
        %dma_start3A_243 = arith.constant 0 : i32
        %dma_start3A_244 = tpu.memref_slice %arg13[%add3A_220, %dma_start3A_243] : memref<80x128xi32, #tpu.memory_space<vmem>> -> memref<1x128xi32, #tpu.memory_space<vmem>>
        %dma_start3A_245 = tpu.memref_squeeze %dma_start3A_244 : memref<1x128xi32, #tpu.memory_space<vmem>> -> memref<128xi32, #tpu.memory_space<vmem>>
        %dma_start3A_246 = arith.constant 0 : i32
        %dma_start3A_247 = arith.constant 0 : i32
        %dma_start3A_248 = tpu.memref_slice %arg25[%dma_start3A_246, %dma_start3A_247] : memref<10112x64xf32, #tpu.memory_space<vmem_shared>> -> memref<10112x64xf32, #tpu.memory_space<vmem_shared>>
        tpu.enqueue_indirect_dma source(%arg18 : memref<128x64xf32, #tpu.memory_space<vmem>>) target(%dma_start3A_248 : memref<10112x64xf32, #tpu.memory_space<vmem_shared>>) offsets(%dma_start3A_245 : memref<128xi32, #tpu.memory_space<vmem>>) semaphore(%run_scoped3A : memref<!tpu.dma_semaphore, #tpu.memory_space<semaphore_mem>>) {add = true}
        %dma_wait3A_249 = arith.constant 0 : i32
        %dma_wait3A_250 = tpu.memref_slice %arg13[%add3A_220, %dma_wait3A_249] : memref<80x128xi32, #tpu.memory_space<vmem>> -> memref<1x128xi32, #tpu.memory_space<vmem>>
        %dma_wait3A_251 = tpu.memref_squeeze %dma_wait3A_250 : memref<1x128xi32, #tpu.memory_space<vmem>> -> memref<128xi32, #tpu.memory_space<vmem>>
        %dma_wait3A_252 = arith.constant 0 : i32
        %dma_wait3A_253 = arith.constant 0 : i32
        %dma_wait3A_254 = tpu.memref_slice %arg25[%dma_wait3A_252, %dma_wait3A_253] : memref<10112x64xf32, #tpu.memory_space<vmem_shared>> -> memref<10112x64xf32, #tpu.memory_space<vmem_shared>>
        tpu.wait_indirect_dma semaphore(%run_scoped3A : memref<!tpu.dma_semaphore, #tpu.memory_space<semaphore_mem>>) src(%arg18 : memref<128x64xf32, #tpu.memory_space<vmem>>) dst(%dma_wait3A_254 : memref<10112x64xf32, #tpu.memory_space<vmem_shared>>)
        tpu.yield
      }) : () -> ()
      %dma_start3A_227 = arith.constant 0 : i32
      %dma_start3A_228 = tpu.memref_slice %arg13[%add3A_220, %dma_start3A_227] : memref<80x128xi32, #tpu.memory_space<vmem>> -> memref<1x128xi32, #tpu.memory_space<vmem>>
      %dma_start3A_229 = tpu.memref_squeeze %dma_start3A_228 : memref<1x128xi32, #tpu.memory_space<vmem>> -> memref<128xi32, #tpu.memory_space<vmem>>
      %dma_start3A_230 = arith.constant 0 : i32
      %dma_start3A_231 = arith.constant 0 : i32
      %dma_start3A_232 = tpu.memref_slice %arg26[%dma_start3A_230, %dma_start3A_231] : memref<10112x8xf32, #tpu.memory_space<vmem_shared>> -> memref<10112x8xf32, #tpu.memory_space<vmem_shared>>
      tpu.enqueue_indirect_dma source(%arg19 : memref<128x8xf32, #tpu.memory_space<vmem>>) target(%dma_start3A_232 : memref<10112x8xf32, #tpu.memory_space<vmem_shared>>) offsets(%dma_start3A_229 : memref<128xi32, #tpu.memory_space<vmem>>) semaphore(%arg24 : memref<!tpu.dma_semaphore, #tpu.memory_space<semaphore_mem>>) {add = true}
      %add3A_233 = arith.constant 4 : i32
      %add3A_234 = arith.addi %add3A_220, %add3A_233 : i32
      %min3A_235 = arith.constant 79 : i32
      %min3A_236 = arith.minsi %add3A_234, %min3A_235 : i32
      %dma_start3A_237 = arith.constant 0 : i32
      %dma_start3A_238 = tpu.memref_slice %arg14[%min3A_236, %dma_start3A_237] : memref<80x128xi32, #tpu.memory_space<vmem>> -> memref<1x128xi32, #tpu.memory_space<vmem>>
      %dma_start3A_239 = tpu.memref_squeeze %dma_start3A_238 : memref<1x128xi32, #tpu.memory_space<vmem>> -> memref<128xi32, #tpu.memory_space<vmem>>
      %dma_start3A_240 = arith.constant 0 : i32
      %dma_start3A_241 = arith.constant 0 : i32
      %dma_start3A_242 = tpu.memref_slice %arg2[%dma_start3A_240, %dma_start3A_241] : memref<10112x64xf32, #tpu.memory_space<hbm>> -> memref<10112x64xf32, #tpu.memory_space<hbm>>
      tpu.enqueue_indirect_dma source(%dma_start3A_242 : memref<10112x64xf32, #tpu.memory_space<hbm>>) target(%arg18 : memref<128x64xf32, #tpu.memory_space<vmem>>) offsets(%dma_start3A_239 : memref<128xi32, #tpu.memory_space<vmem>>) semaphore(%arg23 : memref<!tpu.dma_semaphore, #tpu.memory_space<semaphore_mem>>)
    }
    %scan3A_34 = arith.constant 20 : i32
    %dma_wait3A = arith.constant 0 : i32
    %dma_wait3A_35 = arith.constant 0 : i32
    %dma_wait3A_36 = tpu.memref_slice %arg14[%dma_wait3A, %dma_wait3A_35] : memref<80x128xi32, #tpu.memory_space<vmem>> -> memref<1x128xi32, #tpu.memory_space<vmem>>
    %dma_wait3A_37 = tpu.memref_squeeze %dma_wait3A_36 : memref<1x128xi32, #tpu.memory_space<vmem>> -> memref<128xi32, #tpu.memory_space<vmem>>
    %dma_wait3A_38 = arith.constant 0 : i32
    %dma_wait3A_39 = arith.constant 0 : i32
    %dma_wait3A_40 = tpu.memref_slice %arg2[%dma_wait3A_38, %dma_wait3A_39] : memref<10112x64xf32, #tpu.memory_space<hbm>> -> memref<10112x64xf32, #tpu.memory_space<hbm>>
    tpu.wait_indirect_dma semaphore(%arg20 : memref<!tpu.dma_semaphore, #tpu.memory_space<semaphore_mem>>) src(%dma_wait3A_40 : memref<10112x64xf32, #tpu.memory_space<hbm>>) dst(%arg15 : memref<128x64xf32, #tpu.memory_space<vmem>>)
    %dma_wait3A_41 = arith.constant 0 : i32
    %dma_wait3A_42 = arith.constant 0 : i32
    %dma_wait3A_43 = tpu.memref_slice %arg14[%dma_wait3A_41, %dma_wait3A_42] : memref<80x128xi32, #tpu.memory_space<vmem>> -> memref<1x128xi32, #tpu.memory_space<vmem>>
    %dma_wait3A_44 = tpu.memref_squeeze %dma_wait3A_43 : memref<1x128xi32, #tpu.memory_space<vmem>> -> memref<128xi32, #tpu.memory_space<vmem>>
    %dma_wait3A_45 = arith.constant 0 : i32
    %dma_wait3A_46 = arith.constant 0 : i32
    %dma_wait3A_47 = tpu.memref_slice %arg2[%dma_wait3A_45, %dma_wait3A_46] : memref<10112x64xf32, #tpu.memory_space<hbm>> -> memref<10112x64xf32, #tpu.memory_space<hbm>>
    tpu.wait_indirect_dma semaphore(%arg21 : memref<!tpu.dma_semaphore, #tpu.memory_space<semaphore_mem>>) src(%dma_wait3A_47 : memref<10112x64xf32, #tpu.memory_space<hbm>>) dst(%arg16 : memref<128x64xf32, #tpu.memory_space<vmem>>)
    %dma_wait3A_48 = arith.constant 0 : i32
    %dma_wait3A_49 = arith.constant 0 : i32
    %dma_wait3A_50 = tpu.memref_slice %arg14[%dma_wait3A_48, %dma_wait3A_49] : memref<80x128xi32, #tpu.memory_space<vmem>> -> memref<1x128xi32, #tpu.memory_space<vmem>>
    %dma_wait3A_51 = tpu.memref_squeeze %dma_wait3A_50 : memref<1x128xi32, #tpu.memory_space<vmem>> -> memref<128xi32, #tpu.memory_space<vmem>>
    %dma_wait3A_52 = arith.constant 0 : i32
    %dma_wait3A_53 = arith.constant 0 : i32
    %dma_wait3A_54 = tpu.memref_slice %arg2[%dma_wait3A_52, %dma_wait3A_53] : memref<10112x64xf32, #tpu.memory_space<hbm>> -> memref<10112x64xf32, #tpu.memory_space<hbm>>
    tpu.wait_indirect_dma semaphore(%arg22 : memref<!tpu.dma_semaphore, #tpu.memory_space<semaphore_mem>>) src(%dma_wait3A_54 : memref<10112x64xf32, #tpu.memory_space<hbm>>) dst(%arg17 : memref<128x64xf32, #tpu.memory_space<vmem>>)
    %dma_wait3A_55 = arith.constant 0 : i32
    %dma_wait3A_56 = arith.constant 0 : i32
    %dma_wait3A_57 = tpu.memref_slice %arg14[%dma_wait3A_55, %dma_wait3A_56] : memref<80x128xi32, #tpu.memory_space<vmem>> -> memref<1x128xi32, #tpu.memory_space<vmem>>
    %dma_wait3A_58 = tpu.memref_squeeze %dma_wait3A_57 : memref<1x128xi32, #tpu.memory_space<vmem>> -> memref<128xi32, #tpu.memory_space<vmem>>
    %dma_wait3A_59 = arith.constant 0 : i32
    %dma_wait3A_60 = arith.constant 0 : i32
    %dma_wait3A_61 = tpu.memref_slice %arg2[%dma_wait3A_59, %dma_wait3A_60] : memref<10112x64xf32, #tpu.memory_space<hbm>> -> memref<10112x64xf32, #tpu.memory_space<hbm>>
    tpu.wait_indirect_dma semaphore(%arg23 : memref<!tpu.dma_semaphore, #tpu.memory_space<semaphore_mem>>) src(%dma_wait3A_61 : memref<10112x64xf32, #tpu.memory_space<hbm>>) dst(%arg18 : memref<128x64xf32, #tpu.memory_space<vmem>>)
    %scan3A_62 = arith.constant 0 : i32
    %scan3A_63 = arith.constant 0 : i32
    %scan3A_64 = arith.constant 80 : i32
    %scan3A_65 = arith.addi %scan3A_63, %scan3A_64 : i32
    %scan3A_66 = arith.constant 1 : i32
    scf.for %scan3A_139 = %scan3A_63 to %scan3A_65 step %scan3A_66  : i32 {
      %dma_wait3A_140 = arith.constant 0 : i32
      %dma_wait3A_141 = arith.constant 0 : i32
      %dma_wait3A_142 = tpu.memref_slice %arg13[%dma_wait3A_140, %dma_wait3A_141] : memref<80x128xi32, #tpu.memory_space<vmem>> -> memref<1x128xi32, #tpu.memory_space<vmem>>
      %dma_wait3A_143 = tpu.memref_squeeze %dma_wait3A_142 : memref<1x128xi32, #tpu.memory_space<vmem>> -> memref<128xi32, #tpu.memory_space<vmem>>
      %dma_wait3A_144 = arith.constant 0 : i32
      %dma_wait3A_145 = arith.constant 0 : i32
      %dma_wait3A_146 = tpu.memref_slice %arg26[%dma_wait3A_144, %dma_wait3A_145] : memref<10112x8xf32, #tpu.memory_space<vmem_shared>> -> memref<10112x8xf32, #tpu.memory_space<vmem_shared>>
      tpu.wait_indirect_dma semaphore(%arg24 : memref<!tpu.dma_semaphore, #tpu.memory_space<semaphore_mem>>) src(%arg19 : memref<128x8xf32, #tpu.memory_space<vmem>>) dst(%dma_wait3A_146 : memref<10112x8xf32, #tpu.memory_space<vmem_shared>>)
    }
    %scan3A_67 = arith.constant 80 : i32
    %barrier3A_68 = arith.constant 0 : index
    tpu.barrier barrier_id(%barrier3A_68)
    "tpu.region"() ({
      %run_scoped3A = tpu.sem_alloc : memref<!tpu.dma_semaphore, #tpu.memory_space<semaphore_mem>>
      %dma_start3A_139 = arith.constant 0 : i32
      %dma_start3A_140 = tpu.memref_slice %arg9[%arg0, %mul3A_2, %dma_start3A_139] : memref<2x10112x64xf32, #tpu.memory_space<hbm>> -> memref<1x632x64xf32, #tpu.memory_space<hbm>>
      %dma_start3A_141 = tpu.memref_squeeze %dma_start3A_140 : memref<1x632x64xf32, #tpu.memory_space<hbm>> -> memref<632x64xf32, #tpu.memory_space<hbm>>
      %dma_start3A_142 = arith.constant 0 : i32
      %dma_start3A_143 = tpu.memref_slice %arg25[%mul3A_2, %dma_start3A_142] : memref<10112x64xf32, #tpu.memory_space<vmem_shared>> -> memref<632x64xf32, #tpu.memory_space<vmem_shared>>
      tpu.enqueue_dma source(%dma_start3A_143 : memref<632x64xf32, #tpu.memory_space<vmem_shared>>) target(%dma_start3A_141 : memref<632x64xf32, #tpu.memory_space<hbm>>) target_semaphore(%run_scoped3A : memref<!tpu.dma_semaphore, #tpu.memory_space<semaphore_mem>>)
      %dma_wait3A_144 = arith.constant 0 : i32
      %dma_wait3A_145 = tpu.memref_slice %arg9[%arg0, %mul3A_2, %dma_wait3A_144] : memref<2x10112x64xf32, #tpu.memory_space<hbm>> -> memref<1x632x64xf32, #tpu.memory_space<hbm>>
      %dma_wait3A_146 = tpu.memref_squeeze %dma_wait3A_145 : memref<1x632x64xf32, #tpu.memory_space<hbm>> -> memref<632x64xf32, #tpu.memory_space<hbm>>
      %dma_wait3A_147 = arith.constant 0 : i32
      %dma_wait3A_148 = tpu.memref_slice %arg25[%mul3A_2, %dma_wait3A_147] : memref<10112x64xf32, #tpu.memory_space<vmem_shared>> -> memref<632x64xf32, #tpu.memory_space<vmem_shared>>
      tpu.wait_dma2 semaphore(%run_scoped3A : memref<!tpu.dma_semaphore, #tpu.memory_space<semaphore_mem>>) src(%dma_wait3A_148 : memref<632x64xf32, #tpu.memory_space<vmem_shared>>) dst(%dma_wait3A_146 : memref<632x64xf32, #tpu.memory_space<hbm>>)
      tpu.yield
    }) : () -> ()
    "tpu.region"() ({
      %run_scoped3A = tpu.sem_alloc : memref<!tpu.dma_semaphore, #tpu.memory_space<semaphore_mem>>
      %dma_start3A_139 = arith.constant 0 : i32
      %dma_start3A_140 = tpu.memref_slice %arg11[%arg0, %mul3A_2, %dma_start3A_139] : memref<2x10112x8xf32, #tpu.memory_space<hbm>> -> memref<1x632x8xf32, #tpu.memory_space<hbm>>
      %dma_start3A_141 = tpu.memref_squeeze %dma_start3A_140 : memref<1x632x8xf32, #tpu.memory_space<hbm>> -> memref<632x8xf32, #tpu.memory_space<hbm>>
      %dma_start3A_142 = arith.constant 0 : i32
      %dma_start3A_143 = tpu.memref_slice %arg26[%mul3A_2, %dma_start3A_142] : memref<10112x8xf32, #tpu.memory_space<vmem_shared>> -> memref<632x8xf32, #tpu.memory_space<vmem_shared>>
      tpu.enqueue_dma source(%dma_start3A_143 : memref<632x8xf32, #tpu.memory_space<vmem_shared>>) target(%dma_start3A_141 : memref<632x8xf32, #tpu.memory_space<hbm>>) target_semaphore(%run_scoped3A : memref<!tpu.dma_semaphore, #tpu.memory_space<semaphore_mem>>)
      %dma_wait3A_144 = arith.constant 0 : i32
      %dma_wait3A_145 = tpu.memref_slice %arg11[%arg0, %mul3A_2, %dma_wait3A_144] : memref<2x10112x8xf32, #tpu.memory_space<hbm>> -> memref<1x632x8xf32, #tpu.memory_space<hbm>>
      %dma_wait3A_146 = tpu.memref_squeeze %dma_wait3A_145 : memref<1x632x8xf32, #tpu.memory_space<hbm>> -> memref<632x8xf32, #tpu.memory_space<hbm>>
      %dma_wait3A_147 = arith.constant 0 : i32
      %dma_wait3A_148 = tpu.memref_slice %arg26[%mul3A_2, %dma_wait3A_147] : memref<10112x8xf32, #tpu.memory_space<vmem_shared>> -> memref<632x8xf32, #tpu.memory_space<vmem_shared>>
      tpu.wait_dma2 semaphore(%run_scoped3A : memref<!tpu.dma_semaphore, #tpu.memory_space<semaphore_mem>>) src(%dma_wait3A_148 : memref<632x8xf32, #tpu.memory_space<vmem_shared>>) dst(%dma_wait3A_146 : memref<632x8xf32, #tpu.memory_space<hbm>>)
      tpu.yield
    }) : () -> ()
    "tpu.region"() ({
      %run_scoped3A = tpu.sem_alloc : memref<!tpu.dma_semaphore, #tpu.memory_space<semaphore_mem>>
      %dma_start3A_139 = arith.constant 0 : i32
      %dma_start3A_140 = tpu.memref_slice %arg25[%mul3A_2, %dma_start3A_139] : memref<10112x64xf32, #tpu.memory_space<vmem_shared>> -> memref<632x64xf32, #tpu.memory_space<vmem_shared>>
      tpu.enqueue_dma source(%arg6 : memref<632x64xf32, #tpu.memory_space<hbm>>) target(%dma_start3A_140 : memref<632x64xf32, #tpu.memory_space<vmem_shared>>) target_semaphore(%run_scoped3A : memref<!tpu.dma_semaphore, #tpu.memory_space<semaphore_mem>>)
      %dma_wait3A_141 = arith.constant 0 : i32
      %dma_wait3A_142 = tpu.memref_slice %arg25[%mul3A_2, %dma_wait3A_141] : memref<10112x64xf32, #tpu.memory_space<vmem_shared>> -> memref<632x64xf32, #tpu.memory_space<vmem_shared>>
      tpu.wait_dma2 semaphore(%run_scoped3A : memref<!tpu.dma_semaphore, #tpu.memory_space<semaphore_mem>>) src(%arg6 : memref<632x64xf32, #tpu.memory_space<hbm>>) dst(%dma_wait3A_142 : memref<632x64xf32, #tpu.memory_space<vmem_shared>>)
      tpu.yield
    }) : () -> ()
    "tpu.region"() ({
      %run_scoped3A = tpu.sem_alloc : memref<!tpu.dma_semaphore, #tpu.memory_space<semaphore_mem>>
      %dma_start3A_139 = arith.constant 0 : i32
      %dma_start3A_140 = tpu.memref_slice %arg26[%mul3A_2, %dma_start3A_139] : memref<10112x8xf32, #tpu.memory_space<vmem_shared>> -> memref<632x8xf32, #tpu.memory_space<vmem_shared>>
      tpu.enqueue_dma source(%arg7 : memref<632x8xf32, #tpu.memory_space<hbm>>) target(%dma_start3A_140 : memref<632x8xf32, #tpu.memory_space<vmem_shared>>) target_semaphore(%run_scoped3A : memref<!tpu.dma_semaphore, #tpu.memory_space<semaphore_mem>>)
      %dma_wait3A_141 = arith.constant 0 : i32
      %dma_wait3A_142 = tpu.memref_slice %arg26[%mul3A_2, %dma_wait3A_141] : memref<10112x8xf32, #tpu.memory_space<vmem_shared>> -> memref<632x8xf32, #tpu.memory_space<vmem_shared>>
      tpu.wait_dma2 semaphore(%run_scoped3A : memref<!tpu.dma_semaphore, #tpu.memory_space<semaphore_mem>>) src(%arg7 : memref<632x8xf32, #tpu.memory_space<hbm>>) dst(%dma_wait3A_142 : memref<632x8xf32, #tpu.memory_space<vmem_shared>>)
      tpu.yield
    }) : () -> ()
    %barrier3A_69 = arith.constant 0 : index
    tpu.barrier barrier_id(%barrier3A_69)
    %dma_start3A_70 = arith.constant 0 : i32
    %dma_start3A_71 = arith.constant 0 : i32
    %dma_start3A_72 = tpu.memref_slice %arg14[%dma_start3A_70, %dma_start3A_71] : memref<80x128xi32, #tpu.memory_space<vmem>> -> memref<1x128xi32, #tpu.memory_space<vmem>>
    %dma_start3A_73 = tpu.memref_squeeze %dma_start3A_72 : memref<1x128xi32, #tpu.memory_space<vmem>> -> memref<128xi32, #tpu.memory_space<vmem>>
    %dma_start3A_74 = arith.constant 0 : i32
    %dma_start3A_75 = arith.constant 0 : i32
    %dma_start3A_76 = tpu.memref_slice %arg3[%dma_start3A_74, %dma_start3A_75] : memref<10112x64xf32, #tpu.memory_space<hbm>> -> memref<10112x64xf32, #tpu.memory_space<hbm>>
    tpu.enqueue_indirect_dma source(%dma_start3A_76 : memref<10112x64xf32, #tpu.memory_space<hbm>>) target(%arg15 : memref<128x64xf32, #tpu.memory_space<vmem>>) offsets(%dma_start3A_73 : memref<128xi32, #tpu.memory_space<vmem>>) semaphore(%arg20 : memref<!tpu.dma_semaphore, #tpu.memory_space<semaphore_mem>>)
    %dma_start3A_77 = arith.constant 1 : i32
    %dma_start3A_78 = arith.constant 0 : i32
    %dma_start3A_79 = tpu.memref_slice %arg14[%dma_start3A_77, %dma_start3A_78] : memref<80x128xi32, #tpu.memory_space<vmem>> -> memref<1x128xi32, #tpu.memory_space<vmem>>
    %dma_start3A_80 = tpu.memref_squeeze %dma_start3A_79 : memref<1x128xi32, #tpu.memory_space<vmem>> -> memref<128xi32, #tpu.memory_space<vmem>>
    %dma_start3A_81 = arith.constant 0 : i32
    %dma_start3A_82 = arith.constant 0 : i32
    %dma_start3A_83 = tpu.memref_slice %arg3[%dma_start3A_81, %dma_start3A_82] : memref<10112x64xf32, #tpu.memory_space<hbm>> -> memref<10112x64xf32, #tpu.memory_space<hbm>>
    tpu.enqueue_indirect_dma source(%dma_start3A_83 : memref<10112x64xf32, #tpu.memory_space<hbm>>) target(%arg16 : memref<128x64xf32, #tpu.memory_space<vmem>>) offsets(%dma_start3A_80 : memref<128xi32, #tpu.memory_space<vmem>>) semaphore(%arg21 : memref<!tpu.dma_semaphore, #tpu.memory_space<semaphore_mem>>)
    %dma_start3A_84 = arith.constant 2 : i32
    %dma_start3A_85 = arith.constant 0 : i32
    %dma_start3A_86 = tpu.memref_slice %arg14[%dma_start3A_84, %dma_start3A_85] : memref<80x128xi32, #tpu.memory_space<vmem>> -> memref<1x128xi32, #tpu.memory_space<vmem>>
    %dma_start3A_87 = tpu.memref_squeeze %dma_start3A_86 : memref<1x128xi32, #tpu.memory_space<vmem>> -> memref<128xi32, #tpu.memory_space<vmem>>
    %dma_start3A_88 = arith.constant 0 : i32
    %dma_start3A_89 = arith.constant 0 : i32
    %dma_start3A_90 = tpu.memref_slice %arg3[%dma_start3A_88, %dma_start3A_89] : memref<10112x64xf32, #tpu.memory_space<hbm>> -> memref<10112x64xf32, #tpu.memory_space<hbm>>
    tpu.enqueue_indirect_dma source(%dma_start3A_90 : memref<10112x64xf32, #tpu.memory_space<hbm>>) target(%arg17 : memref<128x64xf32, #tpu.memory_space<vmem>>) offsets(%dma_start3A_87 : memref<128xi32, #tpu.memory_space<vmem>>) semaphore(%arg22 : memref<!tpu.dma_semaphore, #tpu.memory_space<semaphore_mem>>)
    %dma_start3A_91 = arith.constant 3 : i32
    %dma_start3A_92 = arith.constant 0 : i32
    %dma_start3A_93 = tpu.memref_slice %arg14[%dma_start3A_91, %dma_start3A_92] : memref<80x128xi32, #tpu.memory_space<vmem>> -> memref<1x128xi32, #tpu.memory_space<vmem>>
    %dma_start3A_94 = tpu.memref_squeeze %dma_start3A_93 : memref<1x128xi32, #tpu.memory_space<vmem>> -> memref<128xi32, #tpu.memory_space<vmem>>
    %dma_start3A_95 = arith.constant 0 : i32
    %dma_start3A_96 = arith.constant 0 : i32
    %dma_start3A_97 = tpu.memref_slice %arg3[%dma_start3A_95, %dma_start3A_96] : memref<10112x64xf32, #tpu.memory_space<hbm>> -> memref<10112x64xf32, #tpu.memory_space<hbm>>
    tpu.enqueue_indirect_dma source(%dma_start3A_97 : memref<10112x64xf32, #tpu.memory_space<hbm>>) target(%arg18 : memref<128x64xf32, #tpu.memory_space<vmem>>) offsets(%dma_start3A_94 : memref<128xi32, #tpu.memory_space<vmem>>) semaphore(%arg23 : memref<!tpu.dma_semaphore, #tpu.memory_space<semaphore_mem>>)
    %scan3A_98 = arith.constant 0 : i32
    %scan3A_99 = arith.constant 0 : i32
    %scan3A_100 = arith.constant 20 : i32
    %scan3A_101 = arith.addi %scan3A_99, %scan3A_100 : i32
    %scan3A_102 = arith.constant 1 : i32
    scf.for %scan3A_139 = %scan3A_99 to %scan3A_101 step %scan3A_102  : i32 {
      %mul3A_140 = arith.constant 4 : i32
      %mul3A_141 = arith.muli %mul3A_140, %scan3A_139 : i32
      %add3A_142 = arith.constant 0 : i32
      %add3A_143 = arith.addi %mul3A_141, %add3A_142 : i32
      %dma_wait3A_144 = arith.constant 0 : i32
      %dma_wait3A_145 = tpu.memref_slice %arg14[%add3A_143, %dma_wait3A_144] : memref<80x128xi32, #tpu.memory_space<vmem>> -> memref<1x128xi32, #tpu.memory_space<vmem>>
      %dma_wait3A_146 = tpu.memref_squeeze %dma_wait3A_145 : memref<1x128xi32, #tpu.memory_space<vmem>> -> memref<128xi32, #tpu.memory_space<vmem>>
      %dma_wait3A_147 = arith.constant 0 : i32
      %dma_wait3A_148 = arith.constant 0 : i32
      %dma_wait3A_149 = tpu.memref_slice %arg3[%dma_wait3A_147, %dma_wait3A_148] : memref<10112x64xf32, #tpu.memory_space<hbm>> -> memref<10112x64xf32, #tpu.memory_space<hbm>>
      tpu.wait_indirect_dma semaphore(%arg20 : memref<!tpu.dma_semaphore, #tpu.memory_space<semaphore_mem>>) src(%dma_wait3A_149 : memref<10112x64xf32, #tpu.memory_space<hbm>>) dst(%arg15 : memref<128x64xf32, #tpu.memory_space<vmem>>)
      "tpu.region"() ({
        %run_scoped3A = tpu.sem_alloc : memref<!tpu.dma_semaphore, #tpu.memory_space<semaphore_mem>>
        %dma_start3A_243 = arith.constant 0 : i32
        %dma_start3A_244 = tpu.memref_slice %arg13[%add3A_143, %dma_start3A_243] : memref<80x128xi32, #tpu.memory_space<vmem>> -> memref<1x128xi32, #tpu.memory_space<vmem>>
        %dma_start3A_245 = tpu.memref_squeeze %dma_start3A_244 : memref<1x128xi32, #tpu.memory_space<vmem>> -> memref<128xi32, #tpu.memory_space<vmem>>
        %dma_start3A_246 = arith.constant 0 : i32
        %dma_start3A_247 = arith.constant 0 : i32
        %dma_start3A_248 = tpu.memref_slice %arg25[%dma_start3A_246, %dma_start3A_247] : memref<10112x64xf32, #tpu.memory_space<vmem_shared>> -> memref<10112x64xf32, #tpu.memory_space<vmem_shared>>
        tpu.enqueue_indirect_dma source(%arg15 : memref<128x64xf32, #tpu.memory_space<vmem>>) target(%dma_start3A_248 : memref<10112x64xf32, #tpu.memory_space<vmem_shared>>) offsets(%dma_start3A_245 : memref<128xi32, #tpu.memory_space<vmem>>) semaphore(%run_scoped3A : memref<!tpu.dma_semaphore, #tpu.memory_space<semaphore_mem>>) {add = true}
        %dma_wait3A_249 = arith.constant 0 : i32
        %dma_wait3A_250 = tpu.memref_slice %arg13[%add3A_143, %dma_wait3A_249] : memref<80x128xi32, #tpu.memory_space<vmem>> -> memref<1x128xi32, #tpu.memory_space<vmem>>
        %dma_wait3A_251 = tpu.memref_squeeze %dma_wait3A_250 : memref<1x128xi32, #tpu.memory_space<vmem>> -> memref<128xi32, #tpu.memory_space<vmem>>
        %dma_wait3A_252 = arith.constant 0 : i32
        %dma_wait3A_253 = arith.constant 0 : i32
        %dma_wait3A_254 = tpu.memref_slice %arg25[%dma_wait3A_252, %dma_wait3A_253] : memref<10112x64xf32, #tpu.memory_space<vmem_shared>> -> memref<10112x64xf32, #tpu.memory_space<vmem_shared>>
        tpu.wait_indirect_dma semaphore(%run_scoped3A : memref<!tpu.dma_semaphore, #tpu.memory_space<semaphore_mem>>) src(%arg15 : memref<128x64xf32, #tpu.memory_space<vmem>>) dst(%dma_wait3A_254 : memref<10112x64xf32, #tpu.memory_space<vmem_shared>>)
        tpu.yield
      }) : () -> ()
      %dma_start3A_150 = arith.constant 0 : i32
      %dma_start3A_151 = tpu.memref_slice %arg14[%add3A_143, %dma_start3A_150] : memref<80x128xi32, #tpu.memory_space<vmem>> -> memref<1x128xi32, #tpu.memory_space<vmem>>
      %dma_start3A_152 = tpu.memref_squeeze %dma_start3A_151 : memref<1x128xi32, #tpu.memory_space<vmem>> -> memref<128xi32, #tpu.memory_space<vmem>>
      %dma_start3A_153 = arith.constant 0 : i32
      %dma_start3A_154 = arith.constant 0 : i32
      %dma_start3A_155 = tpu.memref_slice %arg26[%dma_start3A_153, %dma_start3A_154] : memref<10112x8xf32, #tpu.memory_space<vmem_shared>> -> memref<10112x8xf32, #tpu.memory_space<vmem_shared>>
      tpu.enqueue_indirect_dma source(%arg19 : memref<128x8xf32, #tpu.memory_space<vmem>>) target(%dma_start3A_155 : memref<10112x8xf32, #tpu.memory_space<vmem_shared>>) offsets(%dma_start3A_152 : memref<128xi32, #tpu.memory_space<vmem>>) semaphore(%arg24 : memref<!tpu.dma_semaphore, #tpu.memory_space<semaphore_mem>>) {add = true}
      %add3A_156 = arith.constant 4 : i32
      %add3A_157 = arith.addi %add3A_143, %add3A_156 : i32
      %min3A = arith.constant 79 : i32
      %min3A_158 = arith.minsi %add3A_157, %min3A : i32
      %dma_start3A_159 = arith.constant 0 : i32
      %dma_start3A_160 = tpu.memref_slice %arg14[%min3A_158, %dma_start3A_159] : memref<80x128xi32, #tpu.memory_space<vmem>> -> memref<1x128xi32, #tpu.memory_space<vmem>>
      %dma_start3A_161 = tpu.memref_squeeze %dma_start3A_160 : memref<1x128xi32, #tpu.memory_space<vmem>> -> memref<128xi32, #tpu.memory_space<vmem>>
      %dma_start3A_162 = arith.constant 0 : i32
      %dma_start3A_163 = arith.constant 0 : i32
      %dma_start3A_164 = tpu.memref_slice %arg3[%dma_start3A_162, %dma_start3A_163] : memref<10112x64xf32, #tpu.memory_space<hbm>> -> memref<10112x64xf32, #tpu.memory_space<hbm>>
      tpu.enqueue_indirect_dma source(%dma_start3A_164 : memref<10112x64xf32, #tpu.memory_space<hbm>>) target(%arg15 : memref<128x64xf32, #tpu.memory_space<vmem>>) offsets(%dma_start3A_161 : memref<128xi32, #tpu.memory_space<vmem>>) semaphore(%arg20 : memref<!tpu.dma_semaphore, #tpu.memory_space<semaphore_mem>>)
      %mul3A_165 = arith.constant 4 : i32
      %mul3A_166 = arith.muli %mul3A_165, %scan3A_139 : i32
      %add3A_167 = arith.constant 1 : i32
      %add3A_168 = arith.addi %mul3A_166, %add3A_167 : i32
      %dma_wait3A_169 = arith.constant 0 : i32
      %dma_wait3A_170 = tpu.memref_slice %arg14[%add3A_168, %dma_wait3A_169] : memref<80x128xi32, #tpu.memory_space<vmem>> -> memref<1x128xi32, #tpu.memory_space<vmem>>
      %dma_wait3A_171 = tpu.memref_squeeze %dma_wait3A_170 : memref<1x128xi32, #tpu.memory_space<vmem>> -> memref<128xi32, #tpu.memory_space<vmem>>
      %dma_wait3A_172 = arith.constant 0 : i32
      %dma_wait3A_173 = arith.constant 0 : i32
      %dma_wait3A_174 = tpu.memref_slice %arg3[%dma_wait3A_172, %dma_wait3A_173] : memref<10112x64xf32, #tpu.memory_space<hbm>> -> memref<10112x64xf32, #tpu.memory_space<hbm>>
      tpu.wait_indirect_dma semaphore(%arg21 : memref<!tpu.dma_semaphore, #tpu.memory_space<semaphore_mem>>) src(%dma_wait3A_174 : memref<10112x64xf32, #tpu.memory_space<hbm>>) dst(%arg16 : memref<128x64xf32, #tpu.memory_space<vmem>>)
      "tpu.region"() ({
        %run_scoped3A = tpu.sem_alloc : memref<!tpu.dma_semaphore, #tpu.memory_space<semaphore_mem>>
        %dma_start3A_243 = arith.constant 0 : i32
        %dma_start3A_244 = tpu.memref_slice %arg13[%add3A_168, %dma_start3A_243] : memref<80x128xi32, #tpu.memory_space<vmem>> -> memref<1x128xi32, #tpu.memory_space<vmem>>
        %dma_start3A_245 = tpu.memref_squeeze %dma_start3A_244 : memref<1x128xi32, #tpu.memory_space<vmem>> -> memref<128xi32, #tpu.memory_space<vmem>>
        %dma_start3A_246 = arith.constant 0 : i32
        %dma_start3A_247 = arith.constant 0 : i32
        %dma_start3A_248 = tpu.memref_slice %arg25[%dma_start3A_246, %dma_start3A_247] : memref<10112x64xf32, #tpu.memory_space<vmem_shared>> -> memref<10112x64xf32, #tpu.memory_space<vmem_shared>>
        tpu.enqueue_indirect_dma source(%arg16 : memref<128x64xf32, #tpu.memory_space<vmem>>) target(%dma_start3A_248 : memref<10112x64xf32, #tpu.memory_space<vmem_shared>>) offsets(%dma_start3A_245 : memref<128xi32, #tpu.memory_space<vmem>>) semaphore(%run_scoped3A : memref<!tpu.dma_semaphore, #tpu.memory_space<semaphore_mem>>) {add = true}
        %dma_wait3A_249 = arith.constant 0 : i32
        %dma_wait3A_250 = tpu.memref_slice %arg13[%add3A_168, %dma_wait3A_249] : memref<80x128xi32, #tpu.memory_space<vmem>> -> memref<1x128xi32, #tpu.memory_space<vmem>>
        %dma_wait3A_251 = tpu.memref_squeeze %dma_wait3A_250 : memref<1x128xi32, #tpu.memory_space<vmem>> -> memref<128xi32, #tpu.memory_space<vmem>>
        %dma_wait3A_252 = arith.constant 0 : i32
        %dma_wait3A_253 = arith.constant 0 : i32
        %dma_wait3A_254 = tpu.memref_slice %arg25[%dma_wait3A_252, %dma_wait3A_253] : memref<10112x64xf32, #tpu.memory_space<vmem_shared>> -> memref<10112x64xf32, #tpu.memory_space<vmem_shared>>
        tpu.wait_indirect_dma semaphore(%run_scoped3A : memref<!tpu.dma_semaphore, #tpu.memory_space<semaphore_mem>>) src(%arg16 : memref<128x64xf32, #tpu.memory_space<vmem>>) dst(%dma_wait3A_254 : memref<10112x64xf32, #tpu.memory_space<vmem_shared>>)
        tpu.yield
      }) : () -> ()
      %dma_start3A_175 = arith.constant 0 : i32
      %dma_start3A_176 = tpu.memref_slice %arg14[%add3A_168, %dma_start3A_175] : memref<80x128xi32, #tpu.memory_space<vmem>> -> memref<1x128xi32, #tpu.memory_space<vmem>>
      %dma_start3A_177 = tpu.memref_squeeze %dma_start3A_176 : memref<1x128xi32, #tpu.memory_space<vmem>> -> memref<128xi32, #tpu.memory_space<vmem>>
      %dma_start3A_178 = arith.constant 0 : i32
      %dma_start3A_179 = arith.constant 0 : i32
      %dma_start3A_180 = tpu.memref_slice %arg26[%dma_start3A_178, %dma_start3A_179] : memref<10112x8xf32, #tpu.memory_space<vmem_shared>> -> memref<10112x8xf32, #tpu.memory_space<vmem_shared>>
      tpu.enqueue_indirect_dma source(%arg19 : memref<128x8xf32, #tpu.memory_space<vmem>>) target(%dma_start3A_180 : memref<10112x8xf32, #tpu.memory_space<vmem_shared>>) offsets(%dma_start3A_177 : memref<128xi32, #tpu.memory_space<vmem>>) semaphore(%arg24 : memref<!tpu.dma_semaphore, #tpu.memory_space<semaphore_mem>>) {add = true}
      %add3A_181 = arith.constant 4 : i32
      %add3A_182 = arith.addi %add3A_168, %add3A_181 : i32
      %min3A_183 = arith.constant 79 : i32
      %min3A_184 = arith.minsi %add3A_182, %min3A_183 : i32
      %dma_start3A_185 = arith.constant 0 : i32
      %dma_start3A_186 = tpu.memref_slice %arg14[%min3A_184, %dma_start3A_185] : memref<80x128xi32, #tpu.memory_space<vmem>> -> memref<1x128xi32, #tpu.memory_space<vmem>>
      %dma_start3A_187 = tpu.memref_squeeze %dma_start3A_186 : memref<1x128xi32, #tpu.memory_space<vmem>> -> memref<128xi32, #tpu.memory_space<vmem>>
      %dma_start3A_188 = arith.constant 0 : i32
      %dma_start3A_189 = arith.constant 0 : i32
      %dma_start3A_190 = tpu.memref_slice %arg3[%dma_start3A_188, %dma_start3A_189] : memref<10112x64xf32, #tpu.memory_space<hbm>> -> memref<10112x64xf32, #tpu.memory_space<hbm>>
      tpu.enqueue_indirect_dma source(%dma_start3A_190 : memref<10112x64xf32, #tpu.memory_space<hbm>>) target(%arg16 : memref<128x64xf32, #tpu.memory_space<vmem>>) offsets(%dma_start3A_187 : memref<128xi32, #tpu.memory_space<vmem>>) semaphore(%arg21 : memref<!tpu.dma_semaphore, #tpu.memory_space<semaphore_mem>>)
      %mul3A_191 = arith.constant 4 : i32
      %mul3A_192 = arith.muli %mul3A_191, %scan3A_139 : i32
      %add3A_193 = arith.constant 2 : i32
      %add3A_194 = arith.addi %mul3A_192, %add3A_193 : i32
      %dma_wait3A_195 = arith.constant 0 : i32
      %dma_wait3A_196 = tpu.memref_slice %arg14[%add3A_194, %dma_wait3A_195] : memref<80x128xi32, #tpu.memory_space<vmem>> -> memref<1x128xi32, #tpu.memory_space<vmem>>
      %dma_wait3A_197 = tpu.memref_squeeze %dma_wait3A_196 : memref<1x128xi32, #tpu.memory_space<vmem>> -> memref<128xi32, #tpu.memory_space<vmem>>
      %dma_wait3A_198 = arith.constant 0 : i32
      %dma_wait3A_199 = arith.constant 0 : i32
      %dma_wait3A_200 = tpu.memref_slice %arg3[%dma_wait3A_198, %dma_wait3A_199] : memref<10112x64xf32, #tpu.memory_space<hbm>> -> memref<10112x64xf32, #tpu.memory_space<hbm>>
      tpu.wait_indirect_dma semaphore(%arg22 : memref<!tpu.dma_semaphore, #tpu.memory_space<semaphore_mem>>) src(%dma_wait3A_200 : memref<10112x64xf32, #tpu.memory_space<hbm>>) dst(%arg17 : memref<128x64xf32, #tpu.memory_space<vmem>>)
      "tpu.region"() ({
        %run_scoped3A = tpu.sem_alloc : memref<!tpu.dma_semaphore, #tpu.memory_space<semaphore_mem>>
        %dma_start3A_243 = arith.constant 0 : i32
        %dma_start3A_244 = tpu.memref_slice %arg13[%add3A_194, %dma_start3A_243] : memref<80x128xi32, #tpu.memory_space<vmem>> -> memref<1x128xi32, #tpu.memory_space<vmem>>
        %dma_start3A_245 = tpu.memref_squeeze %dma_start3A_244 : memref<1x128xi32, #tpu.memory_space<vmem>> -> memref<128xi32, #tpu.memory_space<vmem>>
        %dma_start3A_246 = arith.constant 0 : i32
        %dma_start3A_247 = arith.constant 0 : i32
        %dma_start3A_248 = tpu.memref_slice %arg25[%dma_start3A_246, %dma_start3A_247] : memref<10112x64xf32, #tpu.memory_space<vmem_shared>> -> memref<10112x64xf32, #tpu.memory_space<vmem_shared>>
        tpu.enqueue_indirect_dma source(%arg17 : memref<128x64xf32, #tpu.memory_space<vmem>>) target(%dma_start3A_248 : memref<10112x64xf32, #tpu.memory_space<vmem_shared>>) offsets(%dma_start3A_245 : memref<128xi32, #tpu.memory_space<vmem>>) semaphore(%run_scoped3A : memref<!tpu.dma_semaphore, #tpu.memory_space<semaphore_mem>>) {add = true}
        %dma_wait3A_249 = arith.constant 0 : i32
        %dma_wait3A_250 = tpu.memref_slice %arg13[%add3A_194, %dma_wait3A_249] : memref<80x128xi32, #tpu.memory_space<vmem>> -> memref<1x128xi32, #tpu.memory_space<vmem>>
        %dma_wait3A_251 = tpu.memref_squeeze %dma_wait3A_250 : memref<1x128xi32, #tpu.memory_space<vmem>> -> memref<128xi32, #tpu.memory_space<vmem>>
        %dma_wait3A_252 = arith.constant 0 : i32
        %dma_wait3A_253 = arith.constant 0 : i32
        %dma_wait3A_254 = tpu.memref_slice %arg25[%dma_wait3A_252, %dma_wait3A_253] : memref<10112x64xf32, #tpu.memory_space<vmem_shared>> -> memref<10112x64xf32, #tpu.memory_space<vmem_shared>>
        tpu.wait_indirect_dma semaphore(%run_scoped3A : memref<!tpu.dma_semaphore, #tpu.memory_space<semaphore_mem>>) src(%arg17 : memref<128x64xf32, #tpu.memory_space<vmem>>) dst(%dma_wait3A_254 : memref<10112x64xf32, #tpu.memory_space<vmem_shared>>)
        tpu.yield
      }) : () -> ()
      %dma_start3A_201 = arith.constant 0 : i32
      %dma_start3A_202 = tpu.memref_slice %arg14[%add3A_194, %dma_start3A_201] : memref<80x128xi32, #tpu.memory_space<vmem>> -> memref<1x128xi32, #tpu.memory_space<vmem>>
      %dma_start3A_203 = tpu.memref_squeeze %dma_start3A_202 : memref<1x128xi32, #tpu.memory_space<vmem>> -> memref<128xi32, #tpu.memory_space<vmem>>
      %dma_start3A_204 = arith.constant 0 : i32
      %dma_start3A_205 = arith.constant 0 : i32
      %dma_start3A_206 = tpu.memref_slice %arg26[%dma_start3A_204, %dma_start3A_205] : memref<10112x8xf32, #tpu.memory_space<vmem_shared>> -> memref<10112x8xf32, #tpu.memory_space<vmem_shared>>
      tpu.enqueue_indirect_dma source(%arg19 : memref<128x8xf32, #tpu.memory_space<vmem>>) target(%dma_start3A_206 : memref<10112x8xf32, #tpu.memory_space<vmem_shared>>) offsets(%dma_start3A_203 : memref<128xi32, #tpu.memory_space<vmem>>) semaphore(%arg24 : memref<!tpu.dma_semaphore, #tpu.memory_space<semaphore_mem>>) {add = true}
      %add3A_207 = arith.constant 4 : i32
      %add3A_208 = arith.addi %add3A_194, %add3A_207 : i32
      %min3A_209 = arith.constant 79 : i32
      %min3A_210 = arith.minsi %add3A_208, %min3A_209 : i32
      %dma_start3A_211 = arith.constant 0 : i32
      %dma_start3A_212 = tpu.memref_slice %arg14[%min3A_210, %dma_start3A_211] : memref<80x128xi32, #tpu.memory_space<vmem>> -> memref<1x128xi32, #tpu.memory_space<vmem>>
      %dma_start3A_213 = tpu.memref_squeeze %dma_start3A_212 : memref<1x128xi32, #tpu.memory_space<vmem>> -> memref<128xi32, #tpu.memory_space<vmem>>
      %dma_start3A_214 = arith.constant 0 : i32
      %dma_start3A_215 = arith.constant 0 : i32
      %dma_start3A_216 = tpu.memref_slice %arg3[%dma_start3A_214, %dma_start3A_215] : memref<10112x64xf32, #tpu.memory_space<hbm>> -> memref<10112x64xf32, #tpu.memory_space<hbm>>
      tpu.enqueue_indirect_dma source(%dma_start3A_216 : memref<10112x64xf32, #tpu.memory_space<hbm>>) target(%arg17 : memref<128x64xf32, #tpu.memory_space<vmem>>) offsets(%dma_start3A_213 : memref<128xi32, #tpu.memory_space<vmem>>) semaphore(%arg22 : memref<!tpu.dma_semaphore, #tpu.memory_space<semaphore_mem>>)
      %mul3A_217 = arith.constant 4 : i32
      %mul3A_218 = arith.muli %mul3A_217, %scan3A_139 : i32
      %add3A_219 = arith.constant 3 : i32
      %add3A_220 = arith.addi %mul3A_218, %add3A_219 : i32
      %dma_wait3A_221 = arith.constant 0 : i32
      %dma_wait3A_222 = tpu.memref_slice %arg14[%add3A_220, %dma_wait3A_221] : memref<80x128xi32, #tpu.memory_space<vmem>> -> memref<1x128xi32, #tpu.memory_space<vmem>>
      %dma_wait3A_223 = tpu.memref_squeeze %dma_wait3A_222 : memref<1x128xi32, #tpu.memory_space<vmem>> -> memref<128xi32, #tpu.memory_space<vmem>>
      %dma_wait3A_224 = arith.constant 0 : i32
      %dma_wait3A_225 = arith.constant 0 : i32
      %dma_wait3A_226 = tpu.memref_slice %arg3[%dma_wait3A_224, %dma_wait3A_225] : memref<10112x64xf32, #tpu.memory_space<hbm>> -> memref<10112x64xf32, #tpu.memory_space<hbm>>
      tpu.wait_indirect_dma semaphore(%arg23 : memref<!tpu.dma_semaphore, #tpu.memory_space<semaphore_mem>>) src(%dma_wait3A_226 : memref<10112x64xf32, #tpu.memory_space<hbm>>) dst(%arg18 : memref<128x64xf32, #tpu.memory_space<vmem>>)
      "tpu.region"() ({
        %run_scoped3A = tpu.sem_alloc : memref<!tpu.dma_semaphore, #tpu.memory_space<semaphore_mem>>
        %dma_start3A_243 = arith.constant 0 : i32
        %dma_start3A_244 = tpu.memref_slice %arg13[%add3A_220, %dma_start3A_243] : memref<80x128xi32, #tpu.memory_space<vmem>> -> memref<1x128xi32, #tpu.memory_space<vmem>>
        %dma_start3A_245 = tpu.memref_squeeze %dma_start3A_244 : memref<1x128xi32, #tpu.memory_space<vmem>> -> memref<128xi32, #tpu.memory_space<vmem>>
        %dma_start3A_246 = arith.constant 0 : i32
        %dma_start3A_247 = arith.constant 0 : i32
        %dma_start3A_248 = tpu.memref_slice %arg25[%dma_start3A_246, %dma_start3A_247] : memref<10112x64xf32, #tpu.memory_space<vmem_shared>> -> memref<10112x64xf32, #tpu.memory_space<vmem_shared>>
        tpu.enqueue_indirect_dma source(%arg18 : memref<128x64xf32, #tpu.memory_space<vmem>>) target(%dma_start3A_248 : memref<10112x64xf32, #tpu.memory_space<vmem_shared>>) offsets(%dma_start3A_245 : memref<128xi32, #tpu.memory_space<vmem>>) semaphore(%run_scoped3A : memref<!tpu.dma_semaphore, #tpu.memory_space<semaphore_mem>>) {add = true}
        %dma_wait3A_249 = arith.constant 0 : i32
        %dma_wait3A_250 = tpu.memref_slice %arg13[%add3A_220, %dma_wait3A_249] : memref<80x128xi32, #tpu.memory_space<vmem>> -> memref<1x128xi32, #tpu.memory_space<vmem>>
        %dma_wait3A_251 = tpu.memref_squeeze %dma_wait3A_250 : memref<1x128xi32, #tpu.memory_space<vmem>> -> memref<128xi32, #tpu.memory_space<vmem>>
        %dma_wait3A_252 = arith.constant 0 : i32
        %dma_wait3A_253 = arith.constant 0 : i32
        %dma_wait3A_254 = tpu.memref_slice %arg25[%dma_wait3A_252, %dma_wait3A_253] : memref<10112x64xf32, #tpu.memory_space<vmem_shared>> -> memref<10112x64xf32, #tpu.memory_space<vmem_shared>>
        tpu.wait_indirect_dma semaphore(%run_scoped3A : memref<!tpu.dma_semaphore, #tpu.memory_space<semaphore_mem>>) src(%arg18 : memref<128x64xf32, #tpu.memory_space<vmem>>) dst(%dma_wait3A_254 : memref<10112x64xf32, #tpu.memory_space<vmem_shared>>)
        tpu.yield
      }) : () -> ()
      %dma_start3A_227 = arith.constant 0 : i32
      %dma_start3A_228 = tpu.memref_slice %arg14[%add3A_220, %dma_start3A_227] : memref<80x128xi32, #tpu.memory_space<vmem>> -> memref<1x128xi32, #tpu.memory_space<vmem>>
      %dma_start3A_229 = tpu.memref_squeeze %dma_start3A_228 : memref<1x128xi32, #tpu.memory_space<vmem>> -> memref<128xi32, #tpu.memory_space<vmem>>
      %dma_start3A_230 = arith.constant 0 : i32
      %dma_start3A_231 = arith.constant 0 : i32
      %dma_start3A_232 = tpu.memref_slice %arg26[%dma_start3A_230, %dma_start3A_231] : memref<10112x8xf32, #tpu.memory_space<vmem_shared>> -> memref<10112x8xf32, #tpu.memory_space<vmem_shared>>
      tpu.enqueue_indirect_dma source(%arg19 : memref<128x8xf32, #tpu.memory_space<vmem>>) target(%dma_start3A_232 : memref<10112x8xf32, #tpu.memory_space<vmem_shared>>) offsets(%dma_start3A_229 : memref<128xi32, #tpu.memory_space<vmem>>) semaphore(%arg24 : memref<!tpu.dma_semaphore, #tpu.memory_space<semaphore_mem>>) {add = true}
      %add3A_233 = arith.constant 4 : i32
      %add3A_234 = arith.addi %add3A_220, %add3A_233 : i32
      %min3A_235 = arith.constant 79 : i32
      %min3A_236 = arith.minsi %add3A_234, %min3A_235 : i32
      %dma_start3A_237 = arith.constant 0 : i32
      %dma_start3A_238 = tpu.memref_slice %arg14[%min3A_236, %dma_start3A_237] : memref<80x128xi32, #tpu.memory_space<vmem>> -> memref<1x128xi32, #tpu.memory_space<vmem>>
      %dma_start3A_239 = tpu.memref_squeeze %dma_start3A_238 : memref<1x128xi32, #tpu.memory_space<vmem>> -> memref<128xi32, #tpu.memory_space<vmem>>
      %dma_start3A_240 = arith.constant 0 : i32
      %dma_start3A_241 = arith.constant 0 : i32
      %dma_start3A_242 = tpu.memref_slice %arg3[%dma_start3A_240, %dma_start3A_241] : memref<10112x64xf32, #tpu.memory_space<hbm>> -> memref<10112x64xf32, #tpu.memory_space<hbm>>
      tpu.enqueue_indirect_dma source(%dma_start3A_242 : memref<10112x64xf32, #tpu.memory_space<hbm>>) target(%arg18 : memref<128x64xf32, #tpu.memory_space<vmem>>) offsets(%dma_start3A_239 : memref<128xi32, #tpu.memory_space<vmem>>) semaphore(%arg23 : memref<!tpu.dma_semaphore, #tpu.memory_space<semaphore_mem>>)
    }
    %scan3A_103 = arith.constant 20 : i32
    %dma_wait3A_104 = arith.constant 0 : i32
    %dma_wait3A_105 = arith.constant 0 : i32
    %dma_wait3A_106 = tpu.memref_slice %arg14[%dma_wait3A_104, %dma_wait3A_105] : memref<80x128xi32, #tpu.memory_space<vmem>> -> memref<1x128xi32, #tpu.memory_space<vmem>>
    %dma_wait3A_107 = tpu.memref_squeeze %dma_wait3A_106 : memref<1x128xi32, #tpu.memory_space<vmem>> -> memref<128xi32, #tpu.memory_space<vmem>>
    %dma_wait3A_108 = arith.constant 0 : i32
    %dma_wait3A_109 = arith.constant 0 : i32
    %dma_wait3A_110 = tpu.memref_slice %arg3[%dma_wait3A_108, %dma_wait3A_109] : memref<10112x64xf32, #tpu.memory_space<hbm>> -> memref<10112x64xf32, #tpu.memory_space<hbm>>
    tpu.wait_indirect_dma semaphore(%arg20 : memref<!tpu.dma_semaphore, #tpu.memory_space<semaphore_mem>>) src(%dma_wait3A_110 : memref<10112x64xf32, #tpu.memory_space<hbm>>) dst(%arg15 : memref<128x64xf32, #tpu.memory_space<vmem>>)
    %dma_wait3A_111 = arith.constant 0 : i32
    %dma_wait3A_112 = arith.constant 0 : i32
    %dma_wait3A_113 = tpu.memref_slice %arg14[%dma_wait3A_111, %dma_wait3A_112] : memref<80x128xi32, #tpu.memory_space<vmem>> -> memref<1x128xi32, #tpu.memory_space<vmem>>
    %dma_wait3A_114 = tpu.memref_squeeze %dma_wait3A_113 : memref<1x128xi32, #tpu.memory_space<vmem>> -> memref<128xi32, #tpu.memory_space<vmem>>
    %dma_wait3A_115 = arith.constant 0 : i32
    %dma_wait3A_116 = arith.constant 0 : i32
    %dma_wait3A_117 = tpu.memref_slice %arg3[%dma_wait3A_115, %dma_wait3A_116] : memref<10112x64xf32, #tpu.memory_space<hbm>> -> memref<10112x64xf32, #tpu.memory_space<hbm>>
    tpu.wait_indirect_dma semaphore(%arg21 : memref<!tpu.dma_semaphore, #tpu.memory_space<semaphore_mem>>) src(%dma_wait3A_117 : memref<10112x64xf32, #tpu.memory_space<hbm>>) dst(%arg16 : memref<128x64xf32, #tpu.memory_space<vmem>>)
    %dma_wait3A_118 = arith.constant 0 : i32
    %dma_wait3A_119 = arith.constant 0 : i32
    %dma_wait3A_120 = tpu.memref_slice %arg14[%dma_wait3A_118, %dma_wait3A_119] : memref<80x128xi32, #tpu.memory_space<vmem>> -> memref<1x128xi32, #tpu.memory_space<vmem>>
    %dma_wait3A_121 = tpu.memref_squeeze %dma_wait3A_120 : memref<1x128xi32, #tpu.memory_space<vmem>> -> memref<128xi32, #tpu.memory_space<vmem>>
    %dma_wait3A_122 = arith.constant 0 : i32
    %dma_wait3A_123 = arith.constant 0 : i32
    %dma_wait3A_124 = tpu.memref_slice %arg3[%dma_wait3A_122, %dma_wait3A_123] : memref<10112x64xf32, #tpu.memory_space<hbm>> -> memref<10112x64xf32, #tpu.memory_space<hbm>>
    tpu.wait_indirect_dma semaphore(%arg22 : memref<!tpu.dma_semaphore, #tpu.memory_space<semaphore_mem>>) src(%dma_wait3A_124 : memref<10112x64xf32, #tpu.memory_space<hbm>>) dst(%arg17 : memref<128x64xf32, #tpu.memory_space<vmem>>)
    %dma_wait3A_125 = arith.constant 0 : i32
    %dma_wait3A_126 = arith.constant 0 : i32
    %dma_wait3A_127 = tpu.memref_slice %arg14[%dma_wait3A_125, %dma_wait3A_126] : memref<80x128xi32, #tpu.memory_space<vmem>> -> memref<1x128xi32, #tpu.memory_space<vmem>>
    %dma_wait3A_128 = tpu.memref_squeeze %dma_wait3A_127 : memref<1x128xi32, #tpu.memory_space<vmem>> -> memref<128xi32, #tpu.memory_space<vmem>>
    %dma_wait3A_129 = arith.constant 0 : i32
    %dma_wait3A_130 = arith.constant 0 : i32
    %dma_wait3A_131 = tpu.memref_slice %arg3[%dma_wait3A_129, %dma_wait3A_130] : memref<10112x64xf32, #tpu.memory_space<hbm>> -> memref<10112x64xf32, #tpu.memory_space<hbm>>
    tpu.wait_indirect_dma semaphore(%arg23 : memref<!tpu.dma_semaphore, #tpu.memory_space<semaphore_mem>>) src(%dma_wait3A_131 : memref<10112x64xf32, #tpu.memory_space<hbm>>) dst(%arg18 : memref<128x64xf32, #tpu.memory_space<vmem>>)
    %scan3A_132 = arith.constant 0 : i32
    %scan3A_133 = arith.constant 0 : i32
    %scan3A_134 = arith.constant 80 : i32
    %scan3A_135 = arith.addi %scan3A_133, %scan3A_134 : i32
    %scan3A_136 = arith.constant 1 : i32
    scf.for %scan3A_139 = %scan3A_133 to %scan3A_135 step %scan3A_136  : i32 {
      %dma_wait3A_140 = arith.constant 0 : i32
      %dma_wait3A_141 = arith.constant 0 : i32
      %dma_wait3A_142 = tpu.memref_slice %arg13[%dma_wait3A_140, %dma_wait3A_141] : memref<80x128xi32, #tpu.memory_space<vmem>> -> memref<1x128xi32, #tpu.memory_space<vmem>>
      %dma_wait3A_143 = tpu.memref_squeeze %dma_wait3A_142 : memref<1x128xi32, #tpu.memory_space<vmem>> -> memref<128xi32, #tpu.memory_space<vmem>>
      %dma_wait3A_144 = arith.constant 0 : i32
      %dma_wait3A_145 = arith.constant 0 : i32
      %dma_wait3A_146 = tpu.memref_slice %arg26[%dma_wait3A_144, %dma_wait3A_145] : memref<10112x8xf32, #tpu.memory_space<vmem_shared>> -> memref<10112x8xf32, #tpu.memory_space<vmem_shared>>
      tpu.wait_indirect_dma semaphore(%arg24 : memref<!tpu.dma_semaphore, #tpu.memory_space<semaphore_mem>>) src(%arg19 : memref<128x8xf32, #tpu.memory_space<vmem>>) dst(%dma_wait3A_146 : memref<10112x8xf32, #tpu.memory_space<vmem_shared>>)
    }
    %scan3A_137 = arith.constant 80 : i32
    %barrier3A_138 = arith.constant 0 : index
    tpu.barrier barrier_id(%barrier3A_138)
    "tpu.region"() ({
      %run_scoped3A = tpu.sem_alloc : memref<!tpu.dma_semaphore, #tpu.memory_space<semaphore_mem>>
      %dma_start3A_139 = arith.constant 0 : i32
      %dma_start3A_140 = tpu.memref_slice %arg10[%arg0, %mul3A_2, %dma_start3A_139] : memref<2x10112x64xf32, #tpu.memory_space<hbm>> -> memref<1x632x64xf32, #tpu.memory_space<hbm>>
      %dma_start3A_141 = tpu.memref_squeeze %dma_start3A_140 : memref<1x632x64xf32, #tpu.memory_space<hbm>> -> memref<632x64xf32, #tpu.memory_space<hbm>>
      %dma_start3A_142 = arith.constant 0 : i32
      %dma_start3A_143 = tpu.memref_slice %arg25[%mul3A_2, %dma_start3A_142] : memref<10112x64xf32, #tpu.memory_space<vmem_shared>> -> memref<632x64xf32, #tpu.memory_space<vmem_shared>>
      tpu.enqueue_dma source(%dma_start3A_143 : memref<632x64xf32, #tpu.memory_space<vmem_shared>>) target(%dma_start3A_141 : memref<632x64xf32, #tpu.memory_space<hbm>>) target_semaphore(%run_scoped3A : memref<!tpu.dma_semaphore, #tpu.memory_space<semaphore_mem>>)
      %dma_wait3A_144 = arith.constant 0 : i32
      %dma_wait3A_145 = tpu.memref_slice %arg10[%arg0, %mul3A_2, %dma_wait3A_144] : memref<2x10112x64xf32, #tpu.memory_space<hbm>> -> memref<1x632x64xf32, #tpu.memory_space<hbm>>
      %dma_wait3A_146 = tpu.memref_squeeze %dma_wait3A_145 : memref<1x632x64xf32, #tpu.memory_space<hbm>> -> memref<632x64xf32, #tpu.memory_space<hbm>>
      %dma_wait3A_147 = arith.constant 0 : i32
      %dma_wait3A_148 = tpu.memref_slice %arg25[%mul3A_2, %dma_wait3A_147] : memref<10112x64xf32, #tpu.memory_space<vmem_shared>> -> memref<632x64xf32, #tpu.memory_space<vmem_shared>>
      tpu.wait_dma2 semaphore(%run_scoped3A : memref<!tpu.dma_semaphore, #tpu.memory_space<semaphore_mem>>) src(%dma_wait3A_148 : memref<632x64xf32, #tpu.memory_space<vmem_shared>>) dst(%dma_wait3A_146 : memref<632x64xf32, #tpu.memory_space<hbm>>)
      tpu.yield
    }) : () -> ()
    "tpu.region"() ({
      %run_scoped3A = tpu.sem_alloc : memref<!tpu.dma_semaphore, #tpu.memory_space<semaphore_mem>>
      %dma_start3A_139 = arith.constant 0 : i32
      %dma_start3A_140 = tpu.memref_slice %arg12[%arg0, %mul3A_2, %dma_start3A_139] : memref<2x10112x8xf32, #tpu.memory_space<hbm>> -> memref<1x632x8xf32, #tpu.memory_space<hbm>>
      %dma_start3A_141 = tpu.memref_squeeze %dma_start3A_140 : memref<1x632x8xf32, #tpu.memory_space<hbm>> -> memref<632x8xf32, #tpu.memory_space<hbm>>
      %dma_start3A_142 = arith.constant 0 : i32
      %dma_start3A_143 = tpu.memref_slice %arg26[%mul3A_2, %dma_start3A_142] : memref<10112x8xf32, #tpu.memory_space<vmem_shared>> -> memref<632x8xf32, #tpu.memory_space<vmem_shared>>
      tpu.enqueue_dma source(%dma_start3A_143 : memref<632x8xf32, #tpu.memory_space<vmem_shared>>) target(%dma_start3A_141 : memref<632x8xf32, #tpu.memory_space<hbm>>) target_semaphore(%run_scoped3A : memref<!tpu.dma_semaphore, #tpu.memory_space<semaphore_mem>>)
      %dma_wait3A_144 = arith.constant 0 : i32
      %dma_wait3A_145 = tpu.memref_slice %arg12[%arg0, %mul3A_2, %dma_wait3A_144] : memref<2x10112x8xf32, #tpu.memory_space<hbm>> -> memref<1x632x8xf32, #tpu.memory_space<hbm>>
      %dma_wait3A_146 = tpu.memref_squeeze %dma_wait3A_145 : memref<1x632x8xf32, #tpu.memory_space<hbm>> -> memref<632x8xf32, #tpu.memory_space<hbm>>
      %dma_wait3A_147 = arith.constant 0 : i32
      %dma_wait3A_148 = tpu.memref_slice %arg26[%mul3A_2, %dma_wait3A_147] : memref<10112x8xf32, #tpu.memory_space<vmem_shared>> -> memref<632x8xf32, #tpu.memory_space<vmem_shared>>
      tpu.wait_dma2 semaphore(%run_scoped3A : memref<!tpu.dma_semaphore, #tpu.memory_space<semaphore_mem>>) src(%dma_wait3A_148 : memref<632x8xf32, #tpu.memory_space<vmem_shared>>) dst(%dma_wait3A_146 : memref<632x8xf32, #tpu.memory_space<hbm>>)
      tpu.yield
    }) : () -> ()
    return
  }
}

#map = affine_map<(d0, d1) -> (0, 0)>
#map1 = affine_map<(d0, d1) -> (0, 0, 0)>
module attributes {stable_mosaic.version = 14 : i64} {
  func.func @_gcn_agg_kernel(%arg0: i32, %arg1: i32, %arg2: memref<10112x16xf32, #tpu.memory_space<hbm>>, %arg3: memref<32x80x128xi32, #tpu.memory_space<hbm>>, %arg4: memref<32x80x128xi32, #tpu.memory_space<hbm>>, %arg5: memref<632x16xf32, #tpu.memory_space<hbm>>, %arg6: memref<2x10112x16xf32, #tpu.memory_space<hbm>>, %arg7: memref<80x128xi32, #tpu.memory_space<vmem>>, %arg8: memref<80x128xi32, #tpu.memory_space<vmem>>, %arg9: memref<128x16xf32, #tpu.memory_space<vmem>>, %arg10: memref<128x16xf32, #tpu.memory_space<vmem>>, %arg11: memref<128x16xf32, #tpu.memory_space<vmem>>, %arg12: memref<128x16xf32, #tpu.memory_space<vmem>>, %arg13: memref<!tpu.dma_semaphore, #tpu.memory_space<semaphore_mem>>, %arg14: memref<!tpu.dma_semaphore, #tpu.memory_space<semaphore_mem>>, %arg15: memref<!tpu.dma_semaphore, #tpu.memory_space<semaphore_mem>>, %arg16: memref<!tpu.dma_semaphore, #tpu.memory_space<semaphore_mem>>, %arg17: memref<10112x16xf32, #tpu.memory_space<vmem_shared>>) attributes {dimension_semantics = [#tpu.dimension_semantics<core_parallel>, #tpu.dimension_semantics<subcore_parallel>], iteration_bounds = array<i64: 2, 16>, scalar_prefetch = 0 : i64, scratch_operands = 11 : i64, tpu.core_type = #tpu.core_type<sc_vector_subcore>, window_params = [{transform_indices = #map}, {transform_indices = #map1}, {transform_indices = #map1}, {transform_indices = #map}, {transform_indices = #map1}]} {
    %mul3A = arith.constant 2 : i32
    %mul3A_0 = arith.muli %arg1, %mul3A : i32
    %add3A = arith.addi %mul3A_0, %arg0 : i32
    %mul3A_1 = arith.constant 632 : i32
    %mul3A_2 = arith.muli %arg1, %mul3A_1 : i32
    "tpu.region"() ({
      %run_scoped3A = tpu.sem_alloc : memref<!tpu.dma_semaphore, #tpu.memory_space<semaphore_mem>>
      %dma_start3A_63 = arith.constant 0 : i32
      %dma_start3A_64 = tpu.memref_slice %arg17[%mul3A_2, %dma_start3A_63] : memref<10112x16xf32, #tpu.memory_space<vmem_shared>> -> memref<632x16xf32, #tpu.memory_space<vmem_shared>>
      tpu.enqueue_dma source(%arg5 : memref<632x16xf32, #tpu.memory_space<hbm>>) target(%dma_start3A_64 : memref<632x16xf32, #tpu.memory_space<vmem_shared>>) target_semaphore(%run_scoped3A : memref<!tpu.dma_semaphore, #tpu.memory_space<semaphore_mem>>)
      %dma_wait3A_65 = arith.constant 0 : i32
      %dma_wait3A_66 = tpu.memref_slice %arg17[%mul3A_2, %dma_wait3A_65] : memref<10112x16xf32, #tpu.memory_space<vmem_shared>> -> memref<632x16xf32, #tpu.memory_space<vmem_shared>>
      tpu.wait_dma2 semaphore(%run_scoped3A : memref<!tpu.dma_semaphore, #tpu.memory_space<semaphore_mem>>) src(%arg5 : memref<632x16xf32, #tpu.memory_space<hbm>>) dst(%dma_wait3A_66 : memref<632x16xf32, #tpu.memory_space<vmem_shared>>)
      tpu.yield
    }) : () -> ()
    "tpu.region"() ({
      %run_scoped3A = tpu.sem_alloc : memref<!tpu.dma_semaphore, #tpu.memory_space<semaphore_mem>>
      %dma_start3A_63 = arith.constant 0 : i32
      %dma_start3A_64 = arith.constant 0 : i32
      %dma_start3A_65 = tpu.memref_slice %arg3[%add3A, %dma_start3A_63, %dma_start3A_64] : memref<32x80x128xi32, #tpu.memory_space<hbm>> -> memref<1x80x128xi32, #tpu.memory_space<hbm>>
      %dma_start3A_66 = tpu.memref_squeeze %dma_start3A_65 : memref<1x80x128xi32, #tpu.memory_space<hbm>> -> memref<80x128xi32, #tpu.memory_space<hbm>>
      %dma_start3A_67 = arith.constant 0 : i32
      %dma_start3A_68 = arith.constant 0 : i32
      %dma_start3A_69 = tpu.memref_slice %arg3[%add3A, %dma_start3A_67, %dma_start3A_68] : memref<32x80x128xi32, #tpu.memory_space<hbm>> -> memref<1x80x128xi32, #tpu.memory_space<hbm>>
      %dma_start3A_70 = tpu.memref_squeeze %dma_start3A_69 : memref<1x80x128xi32, #tpu.memory_space<hbm>> -> memref<80x128xi32, #tpu.memory_space<hbm>>
      tpu.enqueue_dma source(%dma_start3A_70 : memref<80x128xi32, #tpu.memory_space<hbm>>) target(%arg7 : memref<80x128xi32, #tpu.memory_space<vmem>>) target_semaphore(%run_scoped3A : memref<!tpu.dma_semaphore, #tpu.memory_space<semaphore_mem>>)
      %dma_wait3A_71 = arith.constant 0 : i32
      %dma_wait3A_72 = arith.constant 0 : i32
      %dma_wait3A_73 = tpu.memref_slice %arg3[%add3A, %dma_wait3A_71, %dma_wait3A_72] : memref<32x80x128xi32, #tpu.memory_space<hbm>> -> memref<1x80x128xi32, #tpu.memory_space<hbm>>
      %dma_wait3A_74 = tpu.memref_squeeze %dma_wait3A_73 : memref<1x80x128xi32, #tpu.memory_space<hbm>> -> memref<80x128xi32, #tpu.memory_space<hbm>>
      %dma_wait3A_75 = arith.constant 0 : i32
      %dma_wait3A_76 = arith.constant 0 : i32
      %dma_wait3A_77 = tpu.memref_slice %arg3[%add3A, %dma_wait3A_75, %dma_wait3A_76] : memref<32x80x128xi32, #tpu.memory_space<hbm>> -> memref<1x80x128xi32, #tpu.memory_space<hbm>>
      %dma_wait3A_78 = tpu.memref_squeeze %dma_wait3A_77 : memref<1x80x128xi32, #tpu.memory_space<hbm>> -> memref<80x128xi32, #tpu.memory_space<hbm>>
      tpu.wait_dma2 semaphore(%run_scoped3A : memref<!tpu.dma_semaphore, #tpu.memory_space<semaphore_mem>>) src(%dma_wait3A_78 : memref<80x128xi32, #tpu.memory_space<hbm>>) dst(%arg7 : memref<80x128xi32, #tpu.memory_space<vmem>>)
      tpu.yield
    }) : () -> ()
    "tpu.region"() ({
      %run_scoped3A = tpu.sem_alloc : memref<!tpu.dma_semaphore, #tpu.memory_space<semaphore_mem>>
      %dma_start3A_63 = arith.constant 0 : i32
      %dma_start3A_64 = arith.constant 0 : i32
      %dma_start3A_65 = tpu.memref_slice %arg4[%add3A, %dma_start3A_63, %dma_start3A_64] : memref<32x80x128xi32, #tpu.memory_space<hbm>> -> memref<1x80x128xi32, #tpu.memory_space<hbm>>
      %dma_start3A_66 = tpu.memref_squeeze %dma_start3A_65 : memref<1x80x128xi32, #tpu.memory_space<hbm>> -> memref<80x128xi32, #tpu.memory_space<hbm>>
      %dma_start3A_67 = arith.constant 0 : i32
      %dma_start3A_68 = arith.constant 0 : i32
      %dma_start3A_69 = tpu.memref_slice %arg4[%add3A, %dma_start3A_67, %dma_start3A_68] : memref<32x80x128xi32, #tpu.memory_space<hbm>> -> memref<1x80x128xi32, #tpu.memory_space<hbm>>
      %dma_start3A_70 = tpu.memref_squeeze %dma_start3A_69 : memref<1x80x128xi32, #tpu.memory_space<hbm>> -> memref<80x128xi32, #tpu.memory_space<hbm>>
      tpu.enqueue_dma source(%dma_start3A_70 : memref<80x128xi32, #tpu.memory_space<hbm>>) target(%arg8 : memref<80x128xi32, #tpu.memory_space<vmem>>) target_semaphore(%run_scoped3A : memref<!tpu.dma_semaphore, #tpu.memory_space<semaphore_mem>>)
      %dma_wait3A_71 = arith.constant 0 : i32
      %dma_wait3A_72 = arith.constant 0 : i32
      %dma_wait3A_73 = tpu.memref_slice %arg4[%add3A, %dma_wait3A_71, %dma_wait3A_72] : memref<32x80x128xi32, #tpu.memory_space<hbm>> -> memref<1x80x128xi32, #tpu.memory_space<hbm>>
      %dma_wait3A_74 = tpu.memref_squeeze %dma_wait3A_73 : memref<1x80x128xi32, #tpu.memory_space<hbm>> -> memref<80x128xi32, #tpu.memory_space<hbm>>
      %dma_wait3A_75 = arith.constant 0 : i32
      %dma_wait3A_76 = arith.constant 0 : i32
      %dma_wait3A_77 = tpu.memref_slice %arg4[%add3A, %dma_wait3A_75, %dma_wait3A_76] : memref<32x80x128xi32, #tpu.memory_space<hbm>> -> memref<1x80x128xi32, #tpu.memory_space<hbm>>
      %dma_wait3A_78 = tpu.memref_squeeze %dma_wait3A_77 : memref<1x80x128xi32, #tpu.memory_space<hbm>> -> memref<80x128xi32, #tpu.memory_space<hbm>>
      tpu.wait_dma2 semaphore(%run_scoped3A : memref<!tpu.dma_semaphore, #tpu.memory_space<semaphore_mem>>) src(%dma_wait3A_78 : memref<80x128xi32, #tpu.memory_space<hbm>>) dst(%arg8 : memref<80x128xi32, #tpu.memory_space<vmem>>)
      tpu.yield
    }) : () -> ()
    %barrier3A = arith.constant 0 : index
    tpu.barrier barrier_id(%barrier3A)
    %dma_start3A = arith.constant 0 : i32
    %dma_start3A_3 = arith.constant 0 : i32
    %dma_start3A_4 = tpu.memref_slice %arg7[%dma_start3A, %dma_start3A_3] : memref<80x128xi32, #tpu.memory_space<vmem>> -> memref<1x128xi32, #tpu.memory_space<vmem>>
    %dma_start3A_5 = tpu.memref_squeeze %dma_start3A_4 : memref<1x128xi32, #tpu.memory_space<vmem>> -> memref<128xi32, #tpu.memory_space<vmem>>
    %dma_start3A_6 = arith.constant 0 : i32
    %dma_start3A_7 = arith.constant 0 : i32
    %dma_start3A_8 = tpu.memref_slice %arg2[%dma_start3A_6, %dma_start3A_7] : memref<10112x16xf32, #tpu.memory_space<hbm>> -> memref<10112x16xf32, #tpu.memory_space<hbm>>
    tpu.enqueue_indirect_dma source(%dma_start3A_8 : memref<10112x16xf32, #tpu.memory_space<hbm>>) target(%arg9 : memref<128x16xf32, #tpu.memory_space<vmem>>) offsets(%dma_start3A_5 : memref<128xi32, #tpu.memory_space<vmem>>) semaphore(%arg13 : memref<!tpu.dma_semaphore, #tpu.memory_space<semaphore_mem>>)
    %dma_start3A_9 = arith.constant 1 : i32
    %dma_start3A_10 = arith.constant 0 : i32
    %dma_start3A_11 = tpu.memref_slice %arg7[%dma_start3A_9, %dma_start3A_10] : memref<80x128xi32, #tpu.memory_space<vmem>> -> memref<1x128xi32, #tpu.memory_space<vmem>>
    %dma_start3A_12 = tpu.memref_squeeze %dma_start3A_11 : memref<1x128xi32, #tpu.memory_space<vmem>> -> memref<128xi32, #tpu.memory_space<vmem>>
    %dma_start3A_13 = arith.constant 0 : i32
    %dma_start3A_14 = arith.constant 0 : i32
    %dma_start3A_15 = tpu.memref_slice %arg2[%dma_start3A_13, %dma_start3A_14] : memref<10112x16xf32, #tpu.memory_space<hbm>> -> memref<10112x16xf32, #tpu.memory_space<hbm>>
    tpu.enqueue_indirect_dma source(%dma_start3A_15 : memref<10112x16xf32, #tpu.memory_space<hbm>>) target(%arg10 : memref<128x16xf32, #tpu.memory_space<vmem>>) offsets(%dma_start3A_12 : memref<128xi32, #tpu.memory_space<vmem>>) semaphore(%arg14 : memref<!tpu.dma_semaphore, #tpu.memory_space<semaphore_mem>>)
    %dma_start3A_16 = arith.constant 2 : i32
    %dma_start3A_17 = arith.constant 0 : i32
    %dma_start3A_18 = tpu.memref_slice %arg7[%dma_start3A_16, %dma_start3A_17] : memref<80x128xi32, #tpu.memory_space<vmem>> -> memref<1x128xi32, #tpu.memory_space<vmem>>
    %dma_start3A_19 = tpu.memref_squeeze %dma_start3A_18 : memref<1x128xi32, #tpu.memory_space<vmem>> -> memref<128xi32, #tpu.memory_space<vmem>>
    %dma_start3A_20 = arith.constant 0 : i32
    %dma_start3A_21 = arith.constant 0 : i32
    %dma_start3A_22 = tpu.memref_slice %arg2[%dma_start3A_20, %dma_start3A_21] : memref<10112x16xf32, #tpu.memory_space<hbm>> -> memref<10112x16xf32, #tpu.memory_space<hbm>>
    tpu.enqueue_indirect_dma source(%dma_start3A_22 : memref<10112x16xf32, #tpu.memory_space<hbm>>) target(%arg11 : memref<128x16xf32, #tpu.memory_space<vmem>>) offsets(%dma_start3A_19 : memref<128xi32, #tpu.memory_space<vmem>>) semaphore(%arg15 : memref<!tpu.dma_semaphore, #tpu.memory_space<semaphore_mem>>)
    %dma_start3A_23 = arith.constant 3 : i32
    %dma_start3A_24 = arith.constant 0 : i32
    %dma_start3A_25 = tpu.memref_slice %arg7[%dma_start3A_23, %dma_start3A_24] : memref<80x128xi32, #tpu.memory_space<vmem>> -> memref<1x128xi32, #tpu.memory_space<vmem>>
    %dma_start3A_26 = tpu.memref_squeeze %dma_start3A_25 : memref<1x128xi32, #tpu.memory_space<vmem>> -> memref<128xi32, #tpu.memory_space<vmem>>
    %dma_start3A_27 = arith.constant 0 : i32
    %dma_start3A_28 = arith.constant 0 : i32
    %dma_start3A_29 = tpu.memref_slice %arg2[%dma_start3A_27, %dma_start3A_28] : memref<10112x16xf32, #tpu.memory_space<hbm>> -> memref<10112x16xf32, #tpu.memory_space<hbm>>
    tpu.enqueue_indirect_dma source(%dma_start3A_29 : memref<10112x16xf32, #tpu.memory_space<hbm>>) target(%arg12 : memref<128x16xf32, #tpu.memory_space<vmem>>) offsets(%dma_start3A_26 : memref<128xi32, #tpu.memory_space<vmem>>) semaphore(%arg16 : memref<!tpu.dma_semaphore, #tpu.memory_space<semaphore_mem>>)
    %scan3A = arith.constant 0 : i32
    %scan3A_30 = arith.constant 0 : i32
    %scan3A_31 = arith.constant 20 : i32
    %scan3A_32 = arith.addi %scan3A_30, %scan3A_31 : i32
    %scan3A_33 = arith.constant 1 : i32
    scf.for %scan3A_63 = %scan3A_30 to %scan3A_32 step %scan3A_33  : i32 {
      %mul3A_64 = arith.constant 4 : i32
      %mul3A_65 = arith.muli %mul3A_64, %scan3A_63 : i32
      %add3A_66 = arith.constant 0 : i32
      %add3A_67 = arith.addi %mul3A_65, %add3A_66 : i32
      %dma_wait3A_68 = arith.constant 0 : i32
      %dma_wait3A_69 = tpu.memref_slice %arg7[%add3A_67, %dma_wait3A_68] : memref<80x128xi32, #tpu.memory_space<vmem>> -> memref<1x128xi32, #tpu.memory_space<vmem>>
      %dma_wait3A_70 = tpu.memref_squeeze %dma_wait3A_69 : memref<1x128xi32, #tpu.memory_space<vmem>> -> memref<128xi32, #tpu.memory_space<vmem>>
      %dma_wait3A_71 = arith.constant 0 : i32
      %dma_wait3A_72 = arith.constant 0 : i32
      %dma_wait3A_73 = tpu.memref_slice %arg2[%dma_wait3A_71, %dma_wait3A_72] : memref<10112x16xf32, #tpu.memory_space<hbm>> -> memref<10112x16xf32, #tpu.memory_space<hbm>>
      tpu.wait_indirect_dma semaphore(%arg13 : memref<!tpu.dma_semaphore, #tpu.memory_space<semaphore_mem>>) src(%dma_wait3A_73 : memref<10112x16xf32, #tpu.memory_space<hbm>>) dst(%arg9 : memref<128x16xf32, #tpu.memory_space<vmem>>)
      "tpu.region"() ({
        %run_scoped3A = tpu.sem_alloc : memref<!tpu.dma_semaphore, #tpu.memory_space<semaphore_mem>>
        %dma_start3A_143 = arith.constant 0 : i32
        %dma_start3A_144 = tpu.memref_slice %arg8[%add3A_67, %dma_start3A_143] : memref<80x128xi32, #tpu.memory_space<vmem>> -> memref<1x128xi32, #tpu.memory_space<vmem>>
        %dma_start3A_145 = tpu.memref_squeeze %dma_start3A_144 : memref<1x128xi32, #tpu.memory_space<vmem>> -> memref<128xi32, #tpu.memory_space<vmem>>
        %dma_start3A_146 = arith.constant 0 : i32
        %dma_start3A_147 = arith.constant 0 : i32
        %dma_start3A_148 = tpu.memref_slice %arg17[%dma_start3A_146, %dma_start3A_147] : memref<10112x16xf32, #tpu.memory_space<vmem_shared>> -> memref<10112x16xf32, #tpu.memory_space<vmem_shared>>
        tpu.enqueue_indirect_dma source(%arg9 : memref<128x16xf32, #tpu.memory_space<vmem>>) target(%dma_start3A_148 : memref<10112x16xf32, #tpu.memory_space<vmem_shared>>) offsets(%dma_start3A_145 : memref<128xi32, #tpu.memory_space<vmem>>) semaphore(%run_scoped3A : memref<!tpu.dma_semaphore, #tpu.memory_space<semaphore_mem>>) {add = true}
        %dma_wait3A_149 = arith.constant 0 : i32
        %dma_wait3A_150 = tpu.memref_slice %arg8[%add3A_67, %dma_wait3A_149] : memref<80x128xi32, #tpu.memory_space<vmem>> -> memref<1x128xi32, #tpu.memory_space<vmem>>
        %dma_wait3A_151 = tpu.memref_squeeze %dma_wait3A_150 : memref<1x128xi32, #tpu.memory_space<vmem>> -> memref<128xi32, #tpu.memory_space<vmem>>
        %dma_wait3A_152 = arith.constant 0 : i32
        %dma_wait3A_153 = arith.constant 0 : i32
        %dma_wait3A_154 = tpu.memref_slice %arg17[%dma_wait3A_152, %dma_wait3A_153] : memref<10112x16xf32, #tpu.memory_space<vmem_shared>> -> memref<10112x16xf32, #tpu.memory_space<vmem_shared>>
        tpu.wait_indirect_dma semaphore(%run_scoped3A : memref<!tpu.dma_semaphore, #tpu.memory_space<semaphore_mem>>) src(%arg9 : memref<128x16xf32, #tpu.memory_space<vmem>>) dst(%dma_wait3A_154 : memref<10112x16xf32, #tpu.memory_space<vmem_shared>>)
        tpu.yield
      }) : () -> ()
      %add3A_74 = arith.constant 4 : i32
      %add3A_75 = arith.addi %add3A_67, %add3A_74 : i32
      %min3A = arith.constant 79 : i32
      %min3A_76 = arith.minsi %add3A_75, %min3A : i32
      %dma_start3A_77 = arith.constant 0 : i32
      %dma_start3A_78 = tpu.memref_slice %arg7[%min3A_76, %dma_start3A_77] : memref<80x128xi32, #tpu.memory_space<vmem>> -> memref<1x128xi32, #tpu.memory_space<vmem>>
      %dma_start3A_79 = tpu.memref_squeeze %dma_start3A_78 : memref<1x128xi32, #tpu.memory_space<vmem>> -> memref<128xi32, #tpu.memory_space<vmem>>
      %dma_start3A_80 = arith.constant 0 : i32
      %dma_start3A_81 = arith.constant 0 : i32
      %dma_start3A_82 = tpu.memref_slice %arg2[%dma_start3A_80, %dma_start3A_81] : memref<10112x16xf32, #tpu.memory_space<hbm>> -> memref<10112x16xf32, #tpu.memory_space<hbm>>
      tpu.enqueue_indirect_dma source(%dma_start3A_82 : memref<10112x16xf32, #tpu.memory_space<hbm>>) target(%arg9 : memref<128x16xf32, #tpu.memory_space<vmem>>) offsets(%dma_start3A_79 : memref<128xi32, #tpu.memory_space<vmem>>) semaphore(%arg13 : memref<!tpu.dma_semaphore, #tpu.memory_space<semaphore_mem>>)
      %mul3A_83 = arith.constant 4 : i32
      %mul3A_84 = arith.muli %mul3A_83, %scan3A_63 : i32
      %add3A_85 = arith.constant 1 : i32
      %add3A_86 = arith.addi %mul3A_84, %add3A_85 : i32
      %dma_wait3A_87 = arith.constant 0 : i32
      %dma_wait3A_88 = tpu.memref_slice %arg7[%add3A_86, %dma_wait3A_87] : memref<80x128xi32, #tpu.memory_space<vmem>> -> memref<1x128xi32, #tpu.memory_space<vmem>>
      %dma_wait3A_89 = tpu.memref_squeeze %dma_wait3A_88 : memref<1x128xi32, #tpu.memory_space<vmem>> -> memref<128xi32, #tpu.memory_space<vmem>>
      %dma_wait3A_90 = arith.constant 0 : i32
      %dma_wait3A_91 = arith.constant 0 : i32
      %dma_wait3A_92 = tpu.memref_slice %arg2[%dma_wait3A_90, %dma_wait3A_91] : memref<10112x16xf32, #tpu.memory_space<hbm>> -> memref<10112x16xf32, #tpu.memory_space<hbm>>
      tpu.wait_indirect_dma semaphore(%arg14 : memref<!tpu.dma_semaphore, #tpu.memory_space<semaphore_mem>>) src(%dma_wait3A_92 : memref<10112x16xf32, #tpu.memory_space<hbm>>) dst(%arg10 : memref<128x16xf32, #tpu.memory_space<vmem>>)
      "tpu.region"() ({
        %run_scoped3A = tpu.sem_alloc : memref<!tpu.dma_semaphore, #tpu.memory_space<semaphore_mem>>
        %dma_start3A_143 = arith.constant 0 : i32
        %dma_start3A_144 = tpu.memref_slice %arg8[%add3A_86, %dma_start3A_143] : memref<80x128xi32, #tpu.memory_space<vmem>> -> memref<1x128xi32, #tpu.memory_space<vmem>>
        %dma_start3A_145 = tpu.memref_squeeze %dma_start3A_144 : memref<1x128xi32, #tpu.memory_space<vmem>> -> memref<128xi32, #tpu.memory_space<vmem>>
        %dma_start3A_146 = arith.constant 0 : i32
        %dma_start3A_147 = arith.constant 0 : i32
        %dma_start3A_148 = tpu.memref_slice %arg17[%dma_start3A_146, %dma_start3A_147] : memref<10112x16xf32, #tpu.memory_space<vmem_shared>> -> memref<10112x16xf32, #tpu.memory_space<vmem_shared>>
        tpu.enqueue_indirect_dma source(%arg10 : memref<128x16xf32, #tpu.memory_space<vmem>>) target(%dma_start3A_148 : memref<10112x16xf32, #tpu.memory_space<vmem_shared>>) offsets(%dma_start3A_145 : memref<128xi32, #tpu.memory_space<vmem>>) semaphore(%run_scoped3A : memref<!tpu.dma_semaphore, #tpu.memory_space<semaphore_mem>>) {add = true}
        %dma_wait3A_149 = arith.constant 0 : i32
        %dma_wait3A_150 = tpu.memref_slice %arg8[%add3A_86, %dma_wait3A_149] : memref<80x128xi32, #tpu.memory_space<vmem>> -> memref<1x128xi32, #tpu.memory_space<vmem>>
        %dma_wait3A_151 = tpu.memref_squeeze %dma_wait3A_150 : memref<1x128xi32, #tpu.memory_space<vmem>> -> memref<128xi32, #tpu.memory_space<vmem>>
        %dma_wait3A_152 = arith.constant 0 : i32
        %dma_wait3A_153 = arith.constant 0 : i32
        %dma_wait3A_154 = tpu.memref_slice %arg17[%dma_wait3A_152, %dma_wait3A_153] : memref<10112x16xf32, #tpu.memory_space<vmem_shared>> -> memref<10112x16xf32, #tpu.memory_space<vmem_shared>>
        tpu.wait_indirect_dma semaphore(%run_scoped3A : memref<!tpu.dma_semaphore, #tpu.memory_space<semaphore_mem>>) src(%arg10 : memref<128x16xf32, #tpu.memory_space<vmem>>) dst(%dma_wait3A_154 : memref<10112x16xf32, #tpu.memory_space<vmem_shared>>)
        tpu.yield
      }) : () -> ()
      %add3A_93 = arith.constant 4 : i32
      %add3A_94 = arith.addi %add3A_86, %add3A_93 : i32
      %min3A_95 = arith.constant 79 : i32
      %min3A_96 = arith.minsi %add3A_94, %min3A_95 : i32
      %dma_start3A_97 = arith.constant 0 : i32
      %dma_start3A_98 = tpu.memref_slice %arg7[%min3A_96, %dma_start3A_97] : memref<80x128xi32, #tpu.memory_space<vmem>> -> memref<1x128xi32, #tpu.memory_space<vmem>>
      %dma_start3A_99 = tpu.memref_squeeze %dma_start3A_98 : memref<1x128xi32, #tpu.memory_space<vmem>> -> memref<128xi32, #tpu.memory_space<vmem>>
      %dma_start3A_100 = arith.constant 0 : i32
      %dma_start3A_101 = arith.constant 0 : i32
      %dma_start3A_102 = tpu.memref_slice %arg2[%dma_start3A_100, %dma_start3A_101] : memref<10112x16xf32, #tpu.memory_space<hbm>> -> memref<10112x16xf32, #tpu.memory_space<hbm>>
      tpu.enqueue_indirect_dma source(%dma_start3A_102 : memref<10112x16xf32, #tpu.memory_space<hbm>>) target(%arg10 : memref<128x16xf32, #tpu.memory_space<vmem>>) offsets(%dma_start3A_99 : memref<128xi32, #tpu.memory_space<vmem>>) semaphore(%arg14 : memref<!tpu.dma_semaphore, #tpu.memory_space<semaphore_mem>>)
      %mul3A_103 = arith.constant 4 : i32
      %mul3A_104 = arith.muli %mul3A_103, %scan3A_63 : i32
      %add3A_105 = arith.constant 2 : i32
      %add3A_106 = arith.addi %mul3A_104, %add3A_105 : i32
      %dma_wait3A_107 = arith.constant 0 : i32
      %dma_wait3A_108 = tpu.memref_slice %arg7[%add3A_106, %dma_wait3A_107] : memref<80x128xi32, #tpu.memory_space<vmem>> -> memref<1x128xi32, #tpu.memory_space<vmem>>
      %dma_wait3A_109 = tpu.memref_squeeze %dma_wait3A_108 : memref<1x128xi32, #tpu.memory_space<vmem>> -> memref<128xi32, #tpu.memory_space<vmem>>
      %dma_wait3A_110 = arith.constant 0 : i32
      %dma_wait3A_111 = arith.constant 0 : i32
      %dma_wait3A_112 = tpu.memref_slice %arg2[%dma_wait3A_110, %dma_wait3A_111] : memref<10112x16xf32, #tpu.memory_space<hbm>> -> memref<10112x16xf32, #tpu.memory_space<hbm>>
      tpu.wait_indirect_dma semaphore(%arg15 : memref<!tpu.dma_semaphore, #tpu.memory_space<semaphore_mem>>) src(%dma_wait3A_112 : memref<10112x16xf32, #tpu.memory_space<hbm>>) dst(%arg11 : memref<128x16xf32, #tpu.memory_space<vmem>>)
      "tpu.region"() ({
        %run_scoped3A = tpu.sem_alloc : memref<!tpu.dma_semaphore, #tpu.memory_space<semaphore_mem>>
        %dma_start3A_143 = arith.constant 0 : i32
        %dma_start3A_144 = tpu.memref_slice %arg8[%add3A_106, %dma_start3A_143] : memref<80x128xi32, #tpu.memory_space<vmem>> -> memref<1x128xi32, #tpu.memory_space<vmem>>
        %dma_start3A_145 = tpu.memref_squeeze %dma_start3A_144 : memref<1x128xi32, #tpu.memory_space<vmem>> -> memref<128xi32, #tpu.memory_space<vmem>>
        %dma_start3A_146 = arith.constant 0 : i32
        %dma_start3A_147 = arith.constant 0 : i32
        %dma_start3A_148 = tpu.memref_slice %arg17[%dma_start3A_146, %dma_start3A_147] : memref<10112x16xf32, #tpu.memory_space<vmem_shared>> -> memref<10112x16xf32, #tpu.memory_space<vmem_shared>>
        tpu.enqueue_indirect_dma source(%arg11 : memref<128x16xf32, #tpu.memory_space<vmem>>) target(%dma_start3A_148 : memref<10112x16xf32, #tpu.memory_space<vmem_shared>>) offsets(%dma_start3A_145 : memref<128xi32, #tpu.memory_space<vmem>>) semaphore(%run_scoped3A : memref<!tpu.dma_semaphore, #tpu.memory_space<semaphore_mem>>) {add = true}
        %dma_wait3A_149 = arith.constant 0 : i32
        %dma_wait3A_150 = tpu.memref_slice %arg8[%add3A_106, %dma_wait3A_149] : memref<80x128xi32, #tpu.memory_space<vmem>> -> memref<1x128xi32, #tpu.memory_space<vmem>>
        %dma_wait3A_151 = tpu.memref_squeeze %dma_wait3A_150 : memref<1x128xi32, #tpu.memory_space<vmem>> -> memref<128xi32, #tpu.memory_space<vmem>>
        %dma_wait3A_152 = arith.constant 0 : i32
        %dma_wait3A_153 = arith.constant 0 : i32
        %dma_wait3A_154 = tpu.memref_slice %arg17[%dma_wait3A_152, %dma_wait3A_153] : memref<10112x16xf32, #tpu.memory_space<vmem_shared>> -> memref<10112x16xf32, #tpu.memory_space<vmem_shared>>
        tpu.wait_indirect_dma semaphore(%run_scoped3A : memref<!tpu.dma_semaphore, #tpu.memory_space<semaphore_mem>>) src(%arg11 : memref<128x16xf32, #tpu.memory_space<vmem>>) dst(%dma_wait3A_154 : memref<10112x16xf32, #tpu.memory_space<vmem_shared>>)
        tpu.yield
      }) : () -> ()
      %add3A_113 = arith.constant 4 : i32
      %add3A_114 = arith.addi %add3A_106, %add3A_113 : i32
      %min3A_115 = arith.constant 79 : i32
      %min3A_116 = arith.minsi %add3A_114, %min3A_115 : i32
      %dma_start3A_117 = arith.constant 0 : i32
      %dma_start3A_118 = tpu.memref_slice %arg7[%min3A_116, %dma_start3A_117] : memref<80x128xi32, #tpu.memory_space<vmem>> -> memref<1x128xi32, #tpu.memory_space<vmem>>
      %dma_start3A_119 = tpu.memref_squeeze %dma_start3A_118 : memref<1x128xi32, #tpu.memory_space<vmem>> -> memref<128xi32, #tpu.memory_space<vmem>>
      %dma_start3A_120 = arith.constant 0 : i32
      %dma_start3A_121 = arith.constant 0 : i32
      %dma_start3A_122 = tpu.memref_slice %arg2[%dma_start3A_120, %dma_start3A_121] : memref<10112x16xf32, #tpu.memory_space<hbm>> -> memref<10112x16xf32, #tpu.memory_space<hbm>>
      tpu.enqueue_indirect_dma source(%dma_start3A_122 : memref<10112x16xf32, #tpu.memory_space<hbm>>) target(%arg11 : memref<128x16xf32, #tpu.memory_space<vmem>>) offsets(%dma_start3A_119 : memref<128xi32, #tpu.memory_space<vmem>>) semaphore(%arg15 : memref<!tpu.dma_semaphore, #tpu.memory_space<semaphore_mem>>)
      %mul3A_123 = arith.constant 4 : i32
      %mul3A_124 = arith.muli %mul3A_123, %scan3A_63 : i32
      %add3A_125 = arith.constant 3 : i32
      %add3A_126 = arith.addi %mul3A_124, %add3A_125 : i32
      %dma_wait3A_127 = arith.constant 0 : i32
      %dma_wait3A_128 = tpu.memref_slice %arg7[%add3A_126, %dma_wait3A_127] : memref<80x128xi32, #tpu.memory_space<vmem>> -> memref<1x128xi32, #tpu.memory_space<vmem>>
      %dma_wait3A_129 = tpu.memref_squeeze %dma_wait3A_128 : memref<1x128xi32, #tpu.memory_space<vmem>> -> memref<128xi32, #tpu.memory_space<vmem>>
      %dma_wait3A_130 = arith.constant 0 : i32
      %dma_wait3A_131 = arith.constant 0 : i32
      %dma_wait3A_132 = tpu.memref_slice %arg2[%dma_wait3A_130, %dma_wait3A_131] : memref<10112x16xf32, #tpu.memory_space<hbm>> -> memref<10112x16xf32, #tpu.memory_space<hbm>>
      tpu.wait_indirect_dma semaphore(%arg16 : memref<!tpu.dma_semaphore, #tpu.memory_space<semaphore_mem>>) src(%dma_wait3A_132 : memref<10112x16xf32, #tpu.memory_space<hbm>>) dst(%arg12 : memref<128x16xf32, #tpu.memory_space<vmem>>)
      "tpu.region"() ({
        %run_scoped3A = tpu.sem_alloc : memref<!tpu.dma_semaphore, #tpu.memory_space<semaphore_mem>>
        %dma_start3A_143 = arith.constant 0 : i32
        %dma_start3A_144 = tpu.memref_slice %arg8[%add3A_126, %dma_start3A_143] : memref<80x128xi32, #tpu.memory_space<vmem>> -> memref<1x128xi32, #tpu.memory_space<vmem>>
        %dma_start3A_145 = tpu.memref_squeeze %dma_start3A_144 : memref<1x128xi32, #tpu.memory_space<vmem>> -> memref<128xi32, #tpu.memory_space<vmem>>
        %dma_start3A_146 = arith.constant 0 : i32
        %dma_start3A_147 = arith.constant 0 : i32
        %dma_start3A_148 = tpu.memref_slice %arg17[%dma_start3A_146, %dma_start3A_147] : memref<10112x16xf32, #tpu.memory_space<vmem_shared>> -> memref<10112x16xf32, #tpu.memory_space<vmem_shared>>
        tpu.enqueue_indirect_dma source(%arg12 : memref<128x16xf32, #tpu.memory_space<vmem>>) target(%dma_start3A_148 : memref<10112x16xf32, #tpu.memory_space<vmem_shared>>) offsets(%dma_start3A_145 : memref<128xi32, #tpu.memory_space<vmem>>) semaphore(%run_scoped3A : memref<!tpu.dma_semaphore, #tpu.memory_space<semaphore_mem>>) {add = true}
        %dma_wait3A_149 = arith.constant 0 : i32
        %dma_wait3A_150 = tpu.memref_slice %arg8[%add3A_126, %dma_wait3A_149] : memref<80x128xi32, #tpu.memory_space<vmem>> -> memref<1x128xi32, #tpu.memory_space<vmem>>
        %dma_wait3A_151 = tpu.memref_squeeze %dma_wait3A_150 : memref<1x128xi32, #tpu.memory_space<vmem>> -> memref<128xi32, #tpu.memory_space<vmem>>
        %dma_wait3A_152 = arith.constant 0 : i32
        %dma_wait3A_153 = arith.constant 0 : i32
        %dma_wait3A_154 = tpu.memref_slice %arg17[%dma_wait3A_152, %dma_wait3A_153] : memref<10112x16xf32, #tpu.memory_space<vmem_shared>> -> memref<10112x16xf32, #tpu.memory_space<vmem_shared>>
        tpu.wait_indirect_dma semaphore(%run_scoped3A : memref<!tpu.dma_semaphore, #tpu.memory_space<semaphore_mem>>) src(%arg12 : memref<128x16xf32, #tpu.memory_space<vmem>>) dst(%dma_wait3A_154 : memref<10112x16xf32, #tpu.memory_space<vmem_shared>>)
        tpu.yield
      }) : () -> ()
      %add3A_133 = arith.constant 4 : i32
      %add3A_134 = arith.addi %add3A_126, %add3A_133 : i32
      %min3A_135 = arith.constant 79 : i32
      %min3A_136 = arith.minsi %add3A_134, %min3A_135 : i32
      %dma_start3A_137 = arith.constant 0 : i32
      %dma_start3A_138 = tpu.memref_slice %arg7[%min3A_136, %dma_start3A_137] : memref<80x128xi32, #tpu.memory_space<vmem>> -> memref<1x128xi32, #tpu.memory_space<vmem>>
      %dma_start3A_139 = tpu.memref_squeeze %dma_start3A_138 : memref<1x128xi32, #tpu.memory_space<vmem>> -> memref<128xi32, #tpu.memory_space<vmem>>
      %dma_start3A_140 = arith.constant 0 : i32
      %dma_start3A_141 = arith.constant 0 : i32
      %dma_start3A_142 = tpu.memref_slice %arg2[%dma_start3A_140, %dma_start3A_141] : memref<10112x16xf32, #tpu.memory_space<hbm>> -> memref<10112x16xf32, #tpu.memory_space<hbm>>
      tpu.enqueue_indirect_dma source(%dma_start3A_142 : memref<10112x16xf32, #tpu.memory_space<hbm>>) target(%arg12 : memref<128x16xf32, #tpu.memory_space<vmem>>) offsets(%dma_start3A_139 : memref<128xi32, #tpu.memory_space<vmem>>) semaphore(%arg16 : memref<!tpu.dma_semaphore, #tpu.memory_space<semaphore_mem>>)
    }
    %scan3A_34 = arith.constant 20 : i32
    %dma_wait3A = arith.constant 0 : i32
    %dma_wait3A_35 = arith.constant 0 : i32
    %dma_wait3A_36 = tpu.memref_slice %arg7[%dma_wait3A, %dma_wait3A_35] : memref<80x128xi32, #tpu.memory_space<vmem>> -> memref<1x128xi32, #tpu.memory_space<vmem>>
    %dma_wait3A_37 = tpu.memref_squeeze %dma_wait3A_36 : memref<1x128xi32, #tpu.memory_space<vmem>> -> memref<128xi32, #tpu.memory_space<vmem>>
    %dma_wait3A_38 = arith.constant 0 : i32
    %dma_wait3A_39 = arith.constant 0 : i32
    %dma_wait3A_40 = tpu.memref_slice %arg2[%dma_wait3A_38, %dma_wait3A_39] : memref<10112x16xf32, #tpu.memory_space<hbm>> -> memref<10112x16xf32, #tpu.memory_space<hbm>>
    tpu.wait_indirect_dma semaphore(%arg13 : memref<!tpu.dma_semaphore, #tpu.memory_space<semaphore_mem>>) src(%dma_wait3A_40 : memref<10112x16xf32, #tpu.memory_space<hbm>>) dst(%arg9 : memref<128x16xf32, #tpu.memory_space<vmem>>)
    %dma_wait3A_41 = arith.constant 0 : i32
    %dma_wait3A_42 = arith.constant 0 : i32
    %dma_wait3A_43 = tpu.memref_slice %arg7[%dma_wait3A_41, %dma_wait3A_42] : memref<80x128xi32, #tpu.memory_space<vmem>> -> memref<1x128xi32, #tpu.memory_space<vmem>>
    %dma_wait3A_44 = tpu.memref_squeeze %dma_wait3A_43 : memref<1x128xi32, #tpu.memory_space<vmem>> -> memref<128xi32, #tpu.memory_space<vmem>>
    %dma_wait3A_45 = arith.constant 0 : i32
    %dma_wait3A_46 = arith.constant 0 : i32
    %dma_wait3A_47 = tpu.memref_slice %arg2[%dma_wait3A_45, %dma_wait3A_46] : memref<10112x16xf32, #tpu.memory_space<hbm>> -> memref<10112x16xf32, #tpu.memory_space<hbm>>
    tpu.wait_indirect_dma semaphore(%arg14 : memref<!tpu.dma_semaphore, #tpu.memory_space<semaphore_mem>>) src(%dma_wait3A_47 : memref<10112x16xf32, #tpu.memory_space<hbm>>) dst(%arg10 : memref<128x16xf32, #tpu.memory_space<vmem>>)
    %dma_wait3A_48 = arith.constant 0 : i32
    %dma_wait3A_49 = arith.constant 0 : i32
    %dma_wait3A_50 = tpu.memref_slice %arg7[%dma_wait3A_48, %dma_wait3A_49] : memref<80x128xi32, #tpu.memory_space<vmem>> -> memref<1x128xi32, #tpu.memory_space<vmem>>
    %dma_wait3A_51 = tpu.memref_squeeze %dma_wait3A_50 : memref<1x128xi32, #tpu.memory_space<vmem>> -> memref<128xi32, #tpu.memory_space<vmem>>
    %dma_wait3A_52 = arith.constant 0 : i32
    %dma_wait3A_53 = arith.constant 0 : i32
    %dma_wait3A_54 = tpu.memref_slice %arg2[%dma_wait3A_52, %dma_wait3A_53] : memref<10112x16xf32, #tpu.memory_space<hbm>> -> memref<10112x16xf32, #tpu.memory_space<hbm>>
    tpu.wait_indirect_dma semaphore(%arg15 : memref<!tpu.dma_semaphore, #tpu.memory_space<semaphore_mem>>) src(%dma_wait3A_54 : memref<10112x16xf32, #tpu.memory_space<hbm>>) dst(%arg11 : memref<128x16xf32, #tpu.memory_space<vmem>>)
    %dma_wait3A_55 = arith.constant 0 : i32
    %dma_wait3A_56 = arith.constant 0 : i32
    %dma_wait3A_57 = tpu.memref_slice %arg7[%dma_wait3A_55, %dma_wait3A_56] : memref<80x128xi32, #tpu.memory_space<vmem>> -> memref<1x128xi32, #tpu.memory_space<vmem>>
    %dma_wait3A_58 = tpu.memref_squeeze %dma_wait3A_57 : memref<1x128xi32, #tpu.memory_space<vmem>> -> memref<128xi32, #tpu.memory_space<vmem>>
    %dma_wait3A_59 = arith.constant 0 : i32
    %dma_wait3A_60 = arith.constant 0 : i32
    %dma_wait3A_61 = tpu.memref_slice %arg2[%dma_wait3A_59, %dma_wait3A_60] : memref<10112x16xf32, #tpu.memory_space<hbm>> -> memref<10112x16xf32, #tpu.memory_space<hbm>>
    tpu.wait_indirect_dma semaphore(%arg16 : memref<!tpu.dma_semaphore, #tpu.memory_space<semaphore_mem>>) src(%dma_wait3A_61 : memref<10112x16xf32, #tpu.memory_space<hbm>>) dst(%arg12 : memref<128x16xf32, #tpu.memory_space<vmem>>)
    %barrier3A_62 = arith.constant 0 : index
    tpu.barrier barrier_id(%barrier3A_62)
    "tpu.region"() ({
      %run_scoped3A = tpu.sem_alloc : memref<!tpu.dma_semaphore, #tpu.memory_space<semaphore_mem>>
      %dma_start3A_63 = arith.constant 0 : i32
      %dma_start3A_64 = tpu.memref_slice %arg6[%arg0, %mul3A_2, %dma_start3A_63] : memref<2x10112x16xf32, #tpu.memory_space<hbm>> -> memref<1x632x16xf32, #tpu.memory_space<hbm>>
      %dma_start3A_65 = tpu.memref_squeeze %dma_start3A_64 : memref<1x632x16xf32, #tpu.memory_space<hbm>> -> memref<632x16xf32, #tpu.memory_space<hbm>>
      %dma_start3A_66 = arith.constant 0 : i32
      %dma_start3A_67 = tpu.memref_slice %arg17[%mul3A_2, %dma_start3A_66] : memref<10112x16xf32, #tpu.memory_space<vmem_shared>> -> memref<632x16xf32, #tpu.memory_space<vmem_shared>>
      tpu.enqueue_dma source(%dma_start3A_67 : memref<632x16xf32, #tpu.memory_space<vmem_shared>>) target(%dma_start3A_65 : memref<632x16xf32, #tpu.memory_space<hbm>>) target_semaphore(%run_scoped3A : memref<!tpu.dma_semaphore, #tpu.memory_space<semaphore_mem>>)
      %dma_wait3A_68 = arith.constant 0 : i32
      %dma_wait3A_69 = tpu.memref_slice %arg6[%arg0, %mul3A_2, %dma_wait3A_68] : memref<2x10112x16xf32, #tpu.memory_space<hbm>> -> memref<1x632x16xf32, #tpu.memory_space<hbm>>
      %dma_wait3A_70 = tpu.memref_squeeze %dma_wait3A_69 : memref<1x632x16xf32, #tpu.memory_space<hbm>> -> memref<632x16xf32, #tpu.memory_space<hbm>>
      %dma_wait3A_71 = arith.constant 0 : i32
      %dma_wait3A_72 = tpu.memref_slice %arg17[%mul3A_2, %dma_wait3A_71] : memref<10112x16xf32, #tpu.memory_space<vmem_shared>> -> memref<632x16xf32, #tpu.memory_space<vmem_shared>>
      tpu.wait_dma2 semaphore(%run_scoped3A : memref<!tpu.dma_semaphore, #tpu.memory_space<semaphore_mem>>) src(%dma_wait3A_72 : memref<632x16xf32, #tpu.memory_space<vmem_shared>>) dst(%dma_wait3A_70 : memref<632x16xf32, #tpu.memory_space<hbm>>)
      tpu.yield
    }) : () -> ()
    return
  }
}

module attributes {stable_mosaic.version = 14 : i64} {
  func.func @_dense_body(%arg0: i32, %arg1: memref<1000x128xf32, #tpu.memory_space<vmem>>, %arg2: memref<2x1000x64xf32, #tpu.memory_space<vmem>>, %arg3: memref<2x1000x64xf32, #tpu.memory_space<vmem>>, %arg4: memref<2x1000x8xf32, #tpu.memory_space<vmem>>, %arg5: memref<2x1000x8xf32, #tpu.memory_space<vmem>>, %arg6: memref<1x128xf32, #tpu.memory_space<vmem>>, %arg7: memref<128x128xf32, #tpu.memory_space<vmem>>, %arg8: memref<1x128xf32, #tpu.memory_space<vmem>>, %arg9: memref<64x128xf32, #tpu.memory_space<vmem>>, %arg10: memref<1x64xf32, #tpu.memory_space<vmem>>, %arg11: memref<64x128xf32, #tpu.memory_space<vmem>>, %arg12: memref<1x64xf32, #tpu.memory_space<vmem>>, %arg13: memref<1x1xf32, #tpu.memory_space<vmem>>, %arg14: memref<1x1xf32, #tpu.memory_space<vmem>>, %arg15: memref<1x128xf32, #tpu.memory_space<vmem>>, %arg16: memref<1x128xf32, #tpu.memory_space<vmem>>, %arg17: memref<2x128xf32, #tpu.memory_space<vmem>>, %arg18: memref<1000x16xf32, #tpu.memory_space<vmem>>, %arg19: memref<1000x16xf32, #tpu.memory_space<vmem>>) attributes {dimension_semantics = [#tpu.dimension_semantics<arbitrary>], iteration_bounds = array<i64: 10>, scalar_prefetch = 0 : i64, scratch_operands = 0 : i64, tpu.core_type = #tpu.core_type<tc>, window_params = [{transform_indices = @transform_0, window_bounds = array<i64: 1000, 128>}, {transform_indices = @transform_1, window_bounds = array<i64: 2, 1000, 64>}, {transform_indices = @transform_2, window_bounds = array<i64: 2, 1000, 64>}, {transform_indices = @transform_3, window_bounds = array<i64: 2, 1000, 8>}, {transform_indices = @transform_4, window_bounds = array<i64: 2, 1000, 8>}, {pipeline_mode = #tpu.pipeline_mode<synchronous>, transform_indices = @transform_5, window_bounds = array<i64: 1, 128>}, {pipeline_mode = #tpu.pipeline_mode<synchronous>, transform_indices = @transform_6, window_bounds = array<i64: 128, 128>}, {pipeline_mode = #tpu.pipeline_mode<synchronous>, transform_indices = @transform_7, window_bounds = array<i64: 1, 128>}, {pipeline_mode = #tpu.pipeline_mode<synchronous>, transform_indices = @transform_8, window_bounds = array<i64: 64, 128>}, {pipeline_mode = #tpu.pipeline_mode<synchronous>, transform_indices = @transform_9, window_bounds = array<i64: 1, 64>}, {pipeline_mode = #tpu.pipeline_mode<synchronous>, transform_indices = @transform_10, window_bounds = array<i64: 64, 128>}, {pipeline_mode = #tpu.pipeline_mode<synchronous>, transform_indices = @transform_11, window_bounds = array<i64: 1, 64>}, {pipeline_mode = #tpu.pipeline_mode<synchronous>, transform_indices = @transform_12, window_bounds = array<i64: 1, 1>}, {pipeline_mode = #tpu.pipeline_mode<synchronous>, transform_indices = @transform_13, window_bounds = array<i64: 1, 1>}, {pipeline_mode = #tpu.pipeline_mode<synchronous>, transform_indices = @transform_14, window_bounds = array<i64: 1, 128>}, {pipeline_mode = #tpu.pipeline_mode<synchronous>, transform_indices = @transform_15, window_bounds = array<i64: 1, 128>}, {pipeline_mode = #tpu.pipeline_mode<synchronous>, transform_indices = @transform_16, window_bounds = array<i64: 2, 128>}, {transform_indices = @transform_17, window_bounds = array<i64: 1000, 16>}, {transform_indices = @transform_18, window_bounds = array<i64: 1000, 16>}]} {
    %get3A = arith.constant 0 : index
    %get3A_0 = arith.constant 0 : index
    %get3A_1 = vector.load %arg6[%get3A, %get3A_0] : memref<1x128xf32, #tpu.memory_space<vmem>>, vector<1x128xf32>
    %logistic3A = arith.negf %get3A_1 : vector<1x128xf32>
    %logistic3A_2 = math.exp %logistic3A : vector<1x128xf32>
    %logistic3A_3 = arith.constant 1.000000e+00 : f32
    %logistic3A_4 = vector.broadcast %logistic3A_3 : f32 to vector<1x128xf32>
    %logistic3A_5 = arith.addf %logistic3A_4, %logistic3A_2 : vector<1x128xf32>
    %logistic3A_6 = arith.divf %logistic3A_4, %logistic3A_5 : vector<1x128xf32>
    %get3A_7 = arith.constant 0 : index
    %get3A_8 = arith.constant 0 : index
    %get3A_9 = vector.load %arg1[%get3A_7, %get3A_8] : memref<1000x128xf32, #tpu.memory_space<vmem>>, vector<1000x128xf32>
    %mul3A = vector.broadcast %logistic3A_6 : vector<1x128xf32> to vector<1000x128xf32>
    %mul3A_10 = arith.mulf %get3A_9, %mul3A : vector<1000x128xf32>
    %get3A_11 = arith.constant 0 : index
    %get3A_12 = arith.constant 0 : index
    %get3A_13 = arith.constant 0 : index
    %get3A_14 = vector.load %arg2[%get3A_11, %get3A_12, %get3A_13] : memref<2x1000x64xf32, #tpu.memory_space<vmem>>, vector<1x1000x64xf32>
    %get3A_15 = vector.shape_cast %get3A_14 : vector<1x1000x64xf32> to vector<1000x64xf32>
    %get3A_16 = arith.constant 1 : index
    %get3A_17 = arith.constant 0 : index
    %get3A_18 = arith.constant 0 : index
    %get3A_19 = vector.load %arg2[%get3A_16, %get3A_17, %get3A_18] : memref<2x1000x64xf32, #tpu.memory_space<vmem>>, vector<1x1000x64xf32>
    %get3A_20 = vector.shape_cast %get3A_19 : vector<1x1000x64xf32> to vector<1000x64xf32>
    %add3A = arith.addf %get3A_15, %get3A_20 : vector<1000x64xf32>
    %get3A_21 = arith.constant 0 : index
    %get3A_22 = arith.constant 0 : index
    %get3A_23 = arith.constant 0 : index
    %get3A_24 = vector.load %arg3[%get3A_21, %get3A_22, %get3A_23] : memref<2x1000x64xf32, #tpu.memory_space<vmem>>, vector<1x1000x64xf32>
    %get3A_25 = vector.shape_cast %get3A_24 : vector<1x1000x64xf32> to vector<1000x64xf32>
    %get3A_26 = arith.constant 1 : index
    %get3A_27 = arith.constant 0 : index
    %get3A_28 = arith.constant 0 : index
    %get3A_29 = vector.load %arg3[%get3A_26, %get3A_27, %get3A_28] : memref<2x1000x64xf32, #tpu.memory_space<vmem>>, vector<1x1000x64xf32>
    %get3A_30 = vector.shape_cast %get3A_29 : vector<1x1000x64xf32> to vector<1000x64xf32>
    %add3A_31 = arith.addf %get3A_25, %get3A_30 : vector<1000x64xf32>
    %concatenate3A = tpu.concatenate %add3A, %add3A_31 in 1 : vector<1000x64xf32>, vector<1000x64xf32> -> vector<1000x128xf32>
    %mul3A_32 = vector.broadcast %logistic3A_6 : vector<1x128xf32> to vector<1000x128xf32>
    %mul3A_33 = arith.mulf %concatenate3A, %mul3A_32 : vector<1000x128xf32>
    %get3A_34 = arith.constant 0 : index
    %get3A_35 = arith.constant 0 : index
    %get3A_36 = arith.constant 0 : index
    %get3A_37 = vector.load %arg4[%get3A_34, %get3A_35, %get3A_36] : memref<2x1000x8xf32, #tpu.memory_space<vmem>>, vector<1x1000x1xf32>
    %get3A_38 = vector.shape_cast %get3A_37 : vector<1x1000x1xf32> to vector<1000x1xf32>
    %get3A_39 = arith.constant 1 : index
    %get3A_40 = arith.constant 0 : index
    %get3A_41 = arith.constant 0 : index
    %get3A_42 = vector.load %arg4[%get3A_39, %get3A_40, %get3A_41] : memref<2x1000x8xf32, #tpu.memory_space<vmem>>, vector<1x1000x1xf32>
    %get3A_43 = vector.shape_cast %get3A_42 : vector<1x1000x1xf32> to vector<1000x1xf32>
    %add3A_44 = arith.addf %get3A_38, %get3A_43 : vector<1000x1xf32>
    %max3A = arith.constant 1.000000e+00 : f32
    %max3A_45 = vector.broadcast %max3A : f32 to vector<1000x1xf32>
    %max3A_46 = arith.maximumf %add3A_44, %max3A_45 : vector<1000x1xf32>
    %div3A = vector.broadcast %max3A_46 : vector<1000x1xf32> to vector<1000x128xf32>
    %div3A_47 = arith.divf %mul3A_33, %div3A : vector<1000x128xf32>
    %mul3A_48 = arith.mulf %mul3A_10, %mul3A_10 : vector<1000x128xf32>
    %reduce_sum3A = arith.constant dense<0.000000e+00> : vector<1000xf32>
    %reduce_sum3A_49 = vector.multi_reduction <add>, %mul3A_48, %reduce_sum3A [1] : vector<1000x128xf32> to vector<1000xf32>
    %broadcast_in_dim3A = vector.shape_cast %reduce_sum3A_49 : vector<1000xf32> to vector<1000x1xf32>
    %sqrt3A = math.sqrt %broadcast_in_dim3A : vector<1000x1xf32>
    %max3A_50 = arith.constant 9.99999996E-13 : f32
    %max3A_51 = vector.broadcast %max3A_50 : f32 to vector<1000x1xf32>
    %max3A_52 = arith.maximumf %sqrt3A, %max3A_51 : vector<1000x1xf32>
    %div3A_53 = vector.broadcast %max3A_52 : vector<1000x1xf32> to vector<1000x128xf32>
    %div3A_54 = arith.divf %mul3A_10, %div3A_53 : vector<1000x128xf32>
    %mul3A_55 = arith.mulf %div3A_47, %div3A_47 : vector<1000x128xf32>
    %reduce_sum3A_56 = arith.constant dense<0.000000e+00> : vector<1000xf32>
    %reduce_sum3A_57 = vector.multi_reduction <add>, %mul3A_55, %reduce_sum3A_56 [1] : vector<1000x128xf32> to vector<1000xf32>
    %broadcast_in_dim3A_58 = vector.shape_cast %reduce_sum3A_57 : vector<1000xf32> to vector<1000x1xf32>
    %sqrt3A_59 = math.sqrt %broadcast_in_dim3A_58 : vector<1000x1xf32>
    %max3A_60 = arith.constant 9.99999996E-13 : f32
    %max3A_61 = vector.broadcast %max3A_60 : f32 to vector<1000x1xf32>
    %max3A_62 = arith.maximumf %sqrt3A_59, %max3A_61 : vector<1000x1xf32>
    %div3A_63 = vector.broadcast %max3A_62 : vector<1000x1xf32> to vector<1000x128xf32>
    %div3A_64 = arith.divf %div3A_47, %div3A_63 : vector<1000x128xf32>
    %mul3A_65 = arith.mulf %div3A_54, %div3A_64 : vector<1000x128xf32>
    %reduce_sum3A_66 = arith.constant dense<0.000000e+00> : vector<1000xf32>
    %reduce_sum3A_67 = vector.multi_reduction <add>, %mul3A_65, %reduce_sum3A_66 [1] : vector<1000x128xf32> to vector<1000xf32>
    %broadcast_in_dim3A_68 = vector.shape_cast %reduce_sum3A_67 : vector<1000xf32> to vector<1000x1xf32>
    %gt3A = arith.constant 0.000000e+00 : f32
    %gt3A_69 = vector.broadcast %gt3A : f32 to vector<1000x1xf32>
    %gt3A_70 = arith.cmpf ogt, %add3A_44, %gt3A_69 : vector<1000x1xf32>
    %jit3A = arith.constant 1.000000e+00 : f32
    %broadcast_in_dim3A_71 = vector.broadcast %jit3A : f32 to vector<1000x1xf32>
    %select_n3A = arith.select %gt3A_70, %broadcast_in_dim3A_68, %broadcast_in_dim3A_71 : vector<1000x1xi1>, vector<1000x1xf32>
    %sub3A = arith.constant 1.000000e+00 : f32
    %sub3A_72 = vector.broadcast %sub3A : f32 to vector<1000x1xf32>
    %sub3A_73 = arith.subf %sub3A_72, %select_n3A : vector<1000x1xf32>
    %mul3A_74 = arith.mulf %add3A_44, %sub3A_73 : vector<1000x1xf32>
    %div3A_75 = arith.constant 1.000000e+01 : f32
    %div3A_76 = vector.broadcast %div3A_75 : f32 to vector<1000x1xf32>
    %div3A_77 = arith.divf %mul3A_74, %div3A_76 : vector<1000x1xf32>
    %sub3A_78 = arith.constant 5.000000e-01 : f32
    %sub3A_79 = vector.broadcast %sub3A_78 : f32 to vector<1000x1xf32>
    %sub3A_80 = arith.subf %div3A_77, %sub3A_79 : vector<1000x1xf32>
    %logistic3A_81 = arith.negf %sub3A_80 : vector<1000x1xf32>
    %logistic3A_82 = math.exp %logistic3A_81 : vector<1000x1xf32>
    %logistic3A_83 = arith.constant 1.000000e+00 : f32
    %logistic3A_84 = vector.broadcast %logistic3A_83 : f32 to vector<1000x1xf32>
    %logistic3A_85 = arith.addf %logistic3A_84, %logistic3A_82 : vector<1000x1xf32>
    %logistic3A_86 = arith.divf %logistic3A_84, %logistic3A_85 : vector<1000x1xf32>
    %add3A_87 = arith.addf %mul3A_10, %div3A_47 : vector<1000x128xf32>
    %mul3A_88 = arith.constant 5.000000e-01 : f32
    %mul3A_89 = vector.broadcast %mul3A_88 : f32 to vector<1000x128xf32>
    %mul3A_90 = arith.mulf %add3A_87, %mul3A_89 : vector<1000x128xf32>
    %get3A_91 = arith.constant 0 : index
    %get3A_92 = arith.constant 0 : index
    %get3A_93 = vector.load %arg7[%get3A_91, %get3A_92] : memref<128x128xf32, #tpu.memory_space<vmem>>, vector<128x128xf32>
    %dot_general3A = arith.constant dense<0.000000e+00> : vector<1000x128xf32>
    %dot_general3A_94 = tpu.matmul %mul3A_90, %get3A_93, %dot_general3A {dimension_numbers = #tpu.dot_dimension_numbers<[1], [1], [0], [0], [0, 0, 1, 0], [], []>, transpose_lhs_hint = false} : vector<1000x128xf32>, vector<128x128xf32>, vector<1000x128xf32> -> vector<1000x128xf32>
    %get3A_95 = arith.constant 0 : index
    %get3A_96 = arith.constant 0 : index
    %get3A_97 = vector.load %arg8[%get3A_95, %get3A_96] : memref<1x128xf32, #tpu.memory_space<vmem>>, vector<1x128xf32>
    %add3A_98 = vector.broadcast %get3A_97 : vector<1x128xf32> to vector<1000x128xf32>
    %add3A_99 = arith.addf %dot_general3A_94, %add3A_98 : vector<1000x128xf32>
    %get3A_100 = arith.constant 0 : index
    %get3A_101 = arith.constant 0 : index
    %get3A_102 = vector.load %arg9[%get3A_100, %get3A_101] : memref<64x128xf32, #tpu.memory_space<vmem>>, vector<64x128xf32>
    %dot_general3A_103 = arith.constant dense<0.000000e+00> : vector<1000x64xf32>
    %dot_general3A_104 = tpu.matmul %mul3A_10, %get3A_102, %dot_general3A_103 {dimension_numbers = #tpu.dot_dimension_numbers<[1], [1], [0], [0], [0, 0, 1, 0], [], []>, transpose_lhs_hint = false} : vector<1000x128xf32>, vector<64x128xf32>, vector<1000x64xf32> -> vector<1000x64xf32>
    %get3A_105 = arith.constant 0 : index
    %get3A_106 = arith.constant 0 : index
    %get3A_107 = vector.load %arg10[%get3A_105, %get3A_106] : memref<1x64xf32, #tpu.memory_space<vmem>>, vector<1x64xf32>
    %add3A_108 = vector.broadcast %get3A_107 : vector<1x64xf32> to vector<1000x64xf32>
    %add3A_109 = arith.addf %dot_general3A_104, %add3A_108 : vector<1000x64xf32>
    %get3A_110 = arith.constant 0 : index
    %get3A_111 = arith.constant 0 : index
    %get3A_112 = vector.load %arg11[%get3A_110, %get3A_111] : memref<64x128xf32, #tpu.memory_space<vmem>>, vector<64x128xf32>
    %dot_general3A_113 = arith.constant dense<0.000000e+00> : vector<1000x64xf32>
    %dot_general3A_114 = tpu.matmul %div3A_47, %get3A_112, %dot_general3A_113 {dimension_numbers = #tpu.dot_dimension_numbers<[1], [1], [0], [0], [0, 0, 1, 0], [], []>, transpose_lhs_hint = false} : vector<1000x128xf32>, vector<64x128xf32>, vector<1000x64xf32> -> vector<1000x64xf32>
    %get3A_115 = arith.constant 0 : index
    %get3A_116 = arith.constant 0 : index
    %get3A_117 = vector.load %arg12[%get3A_115, %get3A_116] : memref<1x64xf32, #tpu.memory_space<vmem>>, vector<1x64xf32>
    %add3A_118 = vector.broadcast %get3A_117 : vector<1x64xf32> to vector<1000x64xf32>
    %add3A_119 = arith.addf %dot_general3A_114, %add3A_118 : vector<1000x64xf32>
    %concatenate3A_120 = tpu.concatenate %add3A_109, %add3A_119 in 1 : vector<1000x64xf32>, vector<1000x64xf32> -> vector<1000x128xf32>
    %get3A_121 = arith.constant 0 : index
    %get3A_122 = arith.constant 0 : index
    %get3A_123 = vector.load %arg13[%get3A_121, %get3A_122] : memref<1x1xf32, #tpu.memory_space<vmem>>, vector<1x1xf32>
    %get3A_124 = vector.extract %get3A_123[0, 0] : f32 from vector<1x1xf32>
    %mul3A_125 = vector.broadcast %get3A_124 : f32 to vector<1000x1xf32>
    %mul3A_126 = arith.mulf %mul3A_125, %logistic3A_86 : vector<1000x1xf32>
    %get3A_127 = arith.constant 0 : index
    %get3A_128 = arith.constant 0 : index
    %get3A_129 = vector.load %arg14[%get3A_127, %get3A_128] : memref<1x1xf32, #tpu.memory_space<vmem>>, vector<1x1xf32>
    %get3A_130 = vector.extract %get3A_129[0, 0] : f32 from vector<1x1xf32>
    %add3A_131 = vector.broadcast %get3A_130 : f32 to vector<1000x1xf32>
    %add3A_132 = arith.addf %mul3A_126, %add3A_131 : vector<1000x1xf32>
    %logistic3A_133 = arith.negf %add3A_132 : vector<1000x1xf32>
    %logistic3A_134 = math.exp %logistic3A_133 : vector<1000x1xf32>
    %logistic3A_135 = arith.constant 1.000000e+00 : f32
    %logistic3A_136 = vector.broadcast %logistic3A_135 : f32 to vector<1000x1xf32>
    %logistic3A_137 = arith.addf %logistic3A_136, %logistic3A_134 : vector<1000x1xf32>
    %logistic3A_138 = arith.divf %logistic3A_136, %logistic3A_137 : vector<1000x1xf32>
    %sub3A_139 = arith.constant 1.000000e+00 : f32
    %sub3A_140 = vector.broadcast %sub3A_139 : f32 to vector<1000x1xf32>
    %sub3A_141 = arith.subf %sub3A_140, %logistic3A_138 : vector<1000x1xf32>
    %mul3A_142 = vector.broadcast %sub3A_141 : vector<1000x1xf32> to vector<1000x128xf32>
    %mul3A_143 = arith.mulf %mul3A_142, %add3A_99 : vector<1000x128xf32>
    %mul3A_144 = vector.broadcast %logistic3A_138 : vector<1000x1xf32> to vector<1000x128xf32>
    %mul3A_145 = arith.mulf %mul3A_144, %concatenate3A_120 : vector<1000x128xf32>
    %add3A_146 = arith.addf %mul3A_143, %mul3A_145 : vector<1000x128xf32>
    %sqrt3A_147 = arith.constant 1.000010e+00 : f32
    %sqrt3A_148 = math.sqrt %sqrt3A_147 : f32
    %div3A_149 = arith.constant 1.000000e+00 : f32
    %div3A_150 = arith.divf %div3A_149, %sqrt3A_148 : f32
    %mul3A_151 = vector.broadcast %div3A_150 : f32 to vector<1000x128xf32>
    %mul3A_152 = arith.mulf %add3A_146, %mul3A_151 : vector<1000x128xf32>
    %get3A_153 = arith.constant 0 : index
    %get3A_154 = arith.constant 0 : index
    %get3A_155 = vector.load %arg15[%get3A_153, %get3A_154] : memref<1x128xf32, #tpu.memory_space<vmem>>, vector<1x128xf32>
    %mul3A_156 = vector.broadcast %get3A_155 : vector<1x128xf32> to vector<1000x128xf32>
    %mul3A_157 = arith.mulf %mul3A_152, %mul3A_156 : vector<1000x128xf32>
    %get3A_158 = arith.constant 0 : index
    %get3A_159 = arith.constant 0 : index
    %get3A_160 = vector.load %arg16[%get3A_158, %get3A_159] : memref<1x128xf32, #tpu.memory_space<vmem>>, vector<1x128xf32>
    %add3A_161 = vector.broadcast %get3A_160 : vector<1x128xf32> to vector<1000x128xf32>
    %add3A_162 = arith.addf %mul3A_157, %add3A_161 : vector<1000x128xf32>
    %max3A_163 = arith.constant 0.000000e+00 : f32
    %max3A_164 = vector.broadcast %max3A_163 : f32 to vector<1000x128xf32>
    %max3A_165 = arith.maximumf %add3A_162, %max3A_164 : vector<1000x128xf32>
    %get3A_166 = arith.constant 0 : index
    %get3A_167 = arith.constant 0 : index
    %get3A_168 = vector.load %arg17[%get3A_166, %get3A_167] : memref<2x128xf32, #tpu.memory_space<vmem>>, vector<2x128xf32>
    %dot_general3A_169 = arith.constant dense<0.000000e+00> : vector<1000x2xf32>
    %dot_general3A_170 = tpu.matmul %max3A_165, %get3A_168, %dot_general3A_169 {dimension_numbers = #tpu.dot_dimension_numbers<[1], [1], [0], [0], [0, 0, 1, 0], [], []>, transpose_lhs_hint = false} : vector<1000x128xf32>, vector<2x128xf32>, vector<1000x2xf32> -> vector<1000x2xf32>
    %get3A_171 = arith.constant 0 : index
    %get3A_172 = arith.constant 0 : index
    %get3A_173 = arith.constant 0 : index
    %get3A_174 = vector.load %arg5[%get3A_171, %get3A_172, %get3A_173] : memref<2x1000x8xf32, #tpu.memory_space<vmem>>, vector<1x1000x1xf32>
    %get3A_175 = vector.shape_cast %get3A_174 : vector<1x1000x1xf32> to vector<1000x1xf32>
    %get3A_176 = arith.constant 1 : index
    %get3A_177 = arith.constant 0 : index
    %get3A_178 = arith.constant 0 : index
    %get3A_179 = vector.load %arg5[%get3A_176, %get3A_177, %get3A_178] : memref<2x1000x8xf32, #tpu.memory_space<vmem>>, vector<1x1000x1xf32>
    %get3A_180 = vector.shape_cast %get3A_179 : vector<1x1000x1xf32> to vector<1000x1xf32>
    %add3A_181 = arith.addf %get3A_175, %get3A_180 : vector<1000x1xf32>
    %add3A_182 = arith.constant 1.000000e+00 : f32
    %add3A_183 = vector.broadcast %add3A_182 : f32 to vector<1000x1xf32>
    %add3A_184 = arith.addf %add3A_181, %add3A_183 : vector<1000x1xf32>
    %sqrt3A_185 = math.sqrt %add3A_184 : vector<1000x1xf32>
    %div3A_186 = arith.constant 1.000000e+00 : f32
    %div3A_187 = vector.broadcast %div3A_186 : f32 to vector<1000x1xf32>
    %div3A_188 = arith.divf %div3A_187, %sqrt3A_185 : vector<1000x1xf32>
    %mul3A_189 = vector.broadcast %div3A_188 : vector<1000x1xf32> to vector<1000x2xf32>
    %mul3A_190 = arith.mulf %mul3A_189, %dot_general3A_170 : vector<1000x2xf32>
    %broadcast_in_dim3A_191 = arith.constant 0.000000e+00 : f32
    %broadcast_in_dim3A_192 = vector.broadcast %broadcast_in_dim3A_191 : f32 to vector<1000x14xf32>
    %concatenate3A_193 = tpu.concatenate %mul3A_190, %broadcast_in_dim3A_192 in 1 : vector<1000x2xf32>, vector<1000x14xf32> -> vector<1000x16xf32>
    %swap3A = arith.constant 0 : index
    %swap3A_194 = arith.constant 0 : index
    %swap3A_195 = vector.load %arg18[%swap3A, %swap3A_194] : memref<1000x16xf32, #tpu.memory_space<vmem>>, vector<1000x16xf32>
    tpu.vector_store %arg18[%swap3A, %swap3A_194], %concatenate3A_193 {strides = array<i32>} : memref<1000x16xf32, #tpu.memory_space<vmem>>, vector<1000x16xf32>,
    %broadcast_in_dim3A_196 = arith.constant 0.000000e+00 : f32
    %broadcast_in_dim3A_197 = vector.broadcast %broadcast_in_dim3A_196 : f32 to vector<1000x1xf32>
    %mul3A_198 = vector.broadcast %div3A_188 : vector<1000x1xf32> to vector<1000x2xf32>
    %mul3A_199 = arith.mulf %mul3A_198, %mul3A_190 : vector<1000x2xf32>
    %broadcast_in_dim3A_200 = arith.constant 0.000000e+00 : f32
    %broadcast_in_dim3A_201 = vector.broadcast %broadcast_in_dim3A_200 : f32 to vector<1000x12xf32>
    %concatenate3A_202 = tpu.concatenate %div3A_188, %broadcast_in_dim3A_197, %mul3A_199, %broadcast_in_dim3A_201 in 1 : vector<1000x1xf32>, vector<1000x1xf32>, vector<1000x2xf32>, vector<1000x12xf32> -> vector<1000x16xf32>
    %swap3A_203 = arith.constant 0 : index
    %swap3A_204 = arith.constant 0 : index
    %swap3A_205 = vector.load %arg19[%swap3A_203, %swap3A_204] : memref<1000x16xf32, #tpu.memory_space<vmem>>, vector<1000x16xf32>
    tpu.vector_store %arg19[%swap3A_203, %swap3A_204], %concatenate3A_202 {strides = array<i32>} : memref<1000x16xf32, #tpu.memory_space<vmem>>, vector<1000x16xf32>,
    return
  }
  func.func @transform_0(%arg0: i32) -> (i32, i32) {
    %c0_i32 = arith.constant 0 : i32
    %c0_i32_0 = arith.constant 0 : i32
    return %arg0, %c0_i32 : i32, i32
  }
  func.func @transform_1(%arg0: i32) -> (i32, i32, i32) {
    %c0_i32 = arith.constant 0 : i32
    %c0_i32_0 = arith.constant 0 : i32
    %c0_i32_1 = arith.constant 0 : i32
    return %c0_i32, %arg0, %c0_i32_0 : i32, i32, i32
  }
  func.func @transform_2(%arg0: i32) -> (i32, i32, i32) {
    %c0_i32 = arith.constant 0 : i32
    %c0_i32_0 = arith.constant 0 : i32
    %c0_i32_1 = arith.constant 0 : i32
    return %c0_i32, %arg0, %c0_i32_0 : i32, i32, i32
  }
  func.func @transform_3(%arg0: i32) -> (i32, i32, i32) {
    %c0_i32 = arith.constant 0 : i32
    %c0_i32_0 = arith.constant 0 : i32
    %c0_i32_1 = arith.constant 0 : i32
    return %c0_i32, %arg0, %c0_i32_0 : i32, i32, i32
  }
  func.func @transform_4(%arg0: i32) -> (i32, i32, i32) {
    %c0_i32 = arith.constant 0 : i32
    %c0_i32_0 = arith.constant 0 : i32
    %c0_i32_1 = arith.constant 0 : i32
    return %c0_i32, %arg0, %c0_i32_0 : i32, i32, i32
  }
  func.func @transform_5(%arg0: i32) -> (i32, i32) {
    %c0_i32 = arith.constant 0 : i32
    %c0_i32_0 = arith.constant 0 : i32
    %c0_i32_1 = arith.constant 0 : i32
    return %c0_i32, %c0_i32_0 : i32, i32
  }
  func.func @transform_6(%arg0: i32) -> (i32, i32) {
    %c0_i32 = arith.constant 0 : i32
    %c0_i32_0 = arith.constant 0 : i32
    %c0_i32_1 = arith.constant 0 : i32
    return %c0_i32, %c0_i32_0 : i32, i32
  }
  func.func @transform_7(%arg0: i32) -> (i32, i32) {
    %c0_i32 = arith.constant 0 : i32
    %c0_i32_0 = arith.constant 0 : i32
    %c0_i32_1 = arith.constant 0 : i32
    return %c0_i32, %c0_i32_0 : i32, i32
  }
  func.func @transform_8(%arg0: i32) -> (i32, i32) {
    %c0_i32 = arith.constant 0 : i32
    %c0_i32_0 = arith.constant 0 : i32
    %c0_i32_1 = arith.constant 0 : i32
    return %c0_i32, %c0_i32_0 : i32, i32
  }
  func.func @transform_9(%arg0: i32) -> (i32, i32) {
    %c0_i32 = arith.constant 0 : i32
    %c0_i32_0 = arith.constant 0 : i32
    %c0_i32_1 = arith.constant 0 : i32
    return %c0_i32, %c0_i32_0 : i32, i32
  }
  func.func @transform_10(%arg0: i32) -> (i32, i32) {
    %c0_i32 = arith.constant 0 : i32
    %c0_i32_0 = arith.constant 0 : i32
    %c0_i32_1 = arith.constant 0 : i32
    return %c0_i32, %c0_i32_0 : i32, i32
  }
  func.func @transform_11(%arg0: i32) -> (i32, i32) {
    %c0_i32 = arith.constant 0 : i32
    %c0_i32_0 = arith.constant 0 : i32
    %c0_i32_1 = arith.constant 0 : i32
    return %c0_i32, %c0_i32_0 : i32, i32
  }
  func.func @transform_12(%arg0: i32) -> (i32, i32) {
    %c0_i32 = arith.constant 0 : i32
    %c0_i32_0 = arith.constant 0 : i32
    %c0_i32_1 = arith.constant 0 : i32
    return %c0_i32, %c0_i32_0 : i32, i32
  }
  func.func @transform_13(%arg0: i32) -> (i32, i32) {
    %c0_i32 = arith.constant 0 : i32
    %c0_i32_0 = arith.constant 0 : i32
    %c0_i32_1 = arith.constant 0 : i32
    return %c0_i32, %c0_i32_0 : i32, i32
  }
  func.func @transform_14(%arg0: i32) -> (i32, i32) {
    %c0_i32 = arith.constant 0 : i32
    %c0_i32_0 = arith.constant 0 : i32
    %c0_i32_1 = arith.constant 0 : i32
    return %c0_i32, %c0_i32_0 : i32, i32
  }
  func.func @transform_15(%arg0: i32) -> (i32, i32) {
    %c0_i32 = arith.constant 0 : i32
    %c0_i32_0 = arith.constant 0 : i32
    %c0_i32_1 = arith.constant 0 : i32
    return %c0_i32, %c0_i32_0 : i32, i32
  }
  func.func @transform_16(%arg0: i32) -> (i32, i32) {
    %c0_i32 = arith.constant 0 : i32
    %c0_i32_0 = arith.constant 0 : i32
    %c0_i32_1 = arith.constant 0 : i32
    return %c0_i32, %c0_i32_0 : i32, i32
  }
  func.func @transform_17(%arg0: i32) -> (i32, i32) {
    %c0_i32 = arith.constant 0 : i32
    %c0_i32_0 = arith.constant 0 : i32
    return %arg0, %c0_i32 : i32, i32
  }
  func.func @transform_18(%arg0: i32) -> (i32, i32) {
    %c0_i32 = arith.constant 0 : i32
    %c0_i32_0 = arith.constant 0 : i32
    return %arg0, %c0_i32 : i32, i32
  }
}

module attributes {stable_mosaic.version = 14 : i64} {
  func.func @_final_body(%arg0: i32, %arg1: memref<2x1000x16xf32, #tpu.memory_space<vmem>>, %arg2: memref<1000x16xf32, #tpu.memory_space<vmem>>, %arg3: memref<1x2xf32, #tpu.memory_space<vmem>>, %arg4: memref<1000x2xf32, #tpu.memory_space<vmem>>) attributes {dimension_semantics = [#tpu.dimension_semantics<arbitrary>], iteration_bounds = array<i64: 10>, scalar_prefetch = 0 : i64, scratch_operands = 0 : i64, tpu.core_type = #tpu.core_type<tc>, window_params = [{transform_indices = @transform_0, window_bounds = array<i64: 2, 1000, 16>}, {transform_indices = @transform_1, window_bounds = array<i64: 1000, 16>}, {pipeline_mode = #tpu.pipeline_mode<synchronous>, transform_indices = @transform_2, window_bounds = array<i64: 1, 2>}, {transform_indices = @transform_3, window_bounds = array<i64: 1000, 2>}]} {
    %get3A = arith.constant 0 : index
    %get3A_0 = arith.constant 0 : index
    %get3A_1 = arith.constant 0 : index
    %get3A_2 = vector.load %arg1[%get3A, %get3A_0, %get3A_1] : memref<2x1000x16xf32, #tpu.memory_space<vmem>>, vector<1x1000x16xf32>
    %get3A_3 = vector.shape_cast %get3A_2 : vector<1x1000x16xf32> to vector<1000x16xf32>
    %get3A_4 = arith.constant 1 : index
    %get3A_5 = arith.constant 0 : index
    %get3A_6 = arith.constant 0 : index
    %get3A_7 = vector.load %arg1[%get3A_4, %get3A_5, %get3A_6] : memref<2x1000x16xf32, #tpu.memory_space<vmem>>, vector<1x1000x16xf32>
    %get3A_8 = vector.shape_cast %get3A_7 : vector<1x1000x16xf32> to vector<1000x16xf32>
    %add3A = arith.addf %get3A_3, %get3A_8 : vector<1000x16xf32>
    %get3A_9 = arith.constant 0 : index
    %get3A_10 = arith.constant 0 : index
    %get3A_11 = vector.load %arg2[%get3A_9, %get3A_10] : memref<1000x16xf32, #tpu.memory_space<vmem>>, vector<1000x1xf32>
    %slice3A = vector.extract_strided_slice %add3A {offsets = [0, 0], sizes = [1000, 2], strides = [1, 1]} : vector<1000x16xf32> to vector<1000x2xf32>
    %mul3A = vector.broadcast %get3A_11 : vector<1000x1xf32> to vector<1000x2xf32>
    %mul3A_12 = arith.mulf %mul3A, %slice3A : vector<1000x2xf32>
    %get3A_13 = arith.constant 0 : index
    %get3A_14 = arith.constant 2 : index
    %get3A_15 = vector.load %arg2[%get3A_13, %get3A_14] : memref<1000x16xf32, #tpu.memory_space<vmem>>, vector<1000x2xf32>
    %add3A_16 = arith.addf %mul3A_12, %get3A_15 : vector<1000x2xf32>
    %get3A_17 = arith.constant 0 : index
    %get3A_18 = arith.constant 0 : index
    %get3A_19 = vector.load %arg3[%get3A_17, %get3A_18] : memref<1x2xf32, #tpu.memory_space<vmem>>, vector<1x2xf32>
    %add3A_20 = vector.broadcast %get3A_19 : vector<1x2xf32> to vector<1000x2xf32>
    %add3A_21 = arith.addf %add3A_16, %add3A_20 : vector<1000x2xf32>
    %swap3A = arith.constant 0 : index
    %swap3A_22 = arith.constant 0 : index
    %swap3A_23 = vector.load %arg4[%swap3A, %swap3A_22] : memref<1000x2xf32, #tpu.memory_space<vmem>>, vector<1000x2xf32>
    tpu.vector_store %arg4[%swap3A, %swap3A_22], %add3A_21 {strides = array<i32>} : memref<1000x2xf32, #tpu.memory_space<vmem>>, vector<1000x2xf32>,
    return
  }
  func.func @transform_0(%arg0: i32) -> (i32, i32, i32) {
    %c0_i32 = arith.constant 0 : i32
    %c0_i32_0 = arith.constant 0 : i32
    %c0_i32_1 = arith.constant 0 : i32
    return %c0_i32, %arg0, %c0_i32_0 : i32, i32, i32
  }
  func.func @transform_1(%arg0: i32) -> (i32, i32) {
    %c0_i32 = arith.constant 0 : i32
    %c0_i32_0 = arith.constant 0 : i32
    return %arg0, %c0_i32 : i32, i32
  }
  func.func @transform_2(%arg0: i32) -> (i32, i32) {
    %c0_i32 = arith.constant 0 : i32
    %c0_i32_0 = arith.constant 0 : i32
    %c0_i32_1 = arith.constant 0 : i32
    return %c0_i32, %c0_i32_0 : i32, i32
  }
  func.func @transform_3(%arg0: i32) -> (i32, i32) {
    %c0_i32 = arith.constant 0 : i32
    %c0_i32_0 = arith.constant 0 : i32
    return %arg0, %c0_i32 : i32, i32
  }
}

</mosaic_0001>

<sc_bundles>
// kernel: kernel.6.cloned.1.call-start
scs
__scs_entry_jumppad:
0x0: {  	(pc) =	sbr.rel $0x88, $3  }
0x1: {  	(tag) =	ssettag $0x0;
	lr =	simm.s32 $0x1  }
0x2: {  	[smem:$0x3F92] =	sst lr;
	_ =	strace $0xD0000000  }
0x3: {  	_ = 	snop  }
0x4: {  	_ = 	snop  }
0x5: {  	_ = 	snop  }
0x6: {  	_ = 	snop  }
0x7: {  	_ = 	snop  }
__scs_overlays_trampoline_lowered:
0x8: {  	[smem:$0x3FA1] =	sst s0  }
0x9: {  	[smem:$0x3FA2] =	sst s1  }
0xa: {  	[smem:$0x3FA3] =	sst s2  }
0xb: {  	[smem:$0x3FA4] =	sst s3  }
0xc: {  	[smem:$0x3FA5] =	sst s4  }
0xd: {  	[smem:$0x3FA6] =	sst s5  }
0xe: {  	[smem:$0x3FA7] =	sst s6  }
0xf: {  	[smem:$0x3FA8] =	sst s7  }
0x10: {  	[smem:$0x3FA9] =	sst s8  }
0x11: {  	[smem:$0x3FAA] =	sst s9;
	s0 =	simm.s32 @!p0 $0x0  }
0x12: {  	s1 =	sld [smem:$0x3F90];
	s0 =	simm.s32 @p0 $0x1  }
0x13: {  	[smem:$0x3FAB] =	sst s0;
	s0 =	simm.s32 @!p1 $0x0  }
0x14: {  	s2 =	sld [smem:$0x3F8F];
	s0 =	simm.s32 @p1 $0x1  }
0x15: {  	[smem:$0x3FAC] =	sst s0;
	s0 =	simm.s32 @!p2 $0x0  }
0x16: {  	s3 =	sld [smem:$0x3FDB];
	s0 =	simm.s32 @p2 $0x1  }
0x17: {  	s4 =	simm.s32 $0x1BF5;
	[smem:$0x3FAE] =	sst s0  }
0x18: {  	s0 =	sld [smem:$0x3F91];
	_ =	swait.ge [sflag:s4], $0x0  }
0x19: {  	s7 =	sld [smem:$0x3F92]  }
0x1a: {  	s8 =	sadd.s32 $0xFFFFE003, lr  }
0x1b: {  	s9 =	sadd.s32 $0xFFFFFEF7, lr;
	s5 =	simm.s32 $0xFFFFFFFF;
	p2 =	slt.u32 s8, $0xFFFFF086  }
0x1c: {  	p1 =	slt.u32 s9, $0xF7A;
	s5 =	simm.s32 @!p2 $0x0  }
0x1d: {  	s5 =	simm.s32 @p1 $0x1;
	p0 =	seq.s32 s7, s2  }
0x1e: {  	s7 =	smul.u32 @!p0 $0xF7A, s2;
	p2 =	seq.s32 @!p0 s5, $0x0  }
0x1f: {  	s9 =	smul.u32 $0xF7A, s1;
	s8 =	simm.s32 @!p0 $0x1BF5;
	p2 =	por !p2, p0  }
0x20: {  	[sflag:s8] =	ssyncset.s32 @!p0 $0xFFFFF086;
	s6 =	sadd.s32 @!p0 s3, s7;
	s7 =	simm.s32 @!p0 $0x108  }
0x21: {  	s3 =	sadd.s32 s3, s9;
	s6 =	sadd.s32 @!p0 $0x88, s6;
	s7 =	simm.s32 @p2 $0x1082  }
0x22: {  	[simem:s7], [sflag:s8] =	dma.local @!p0 [hbm:s6], $0xF7A  }
0x23: {  	s9 =	sor.u32 $0xD0000000, s2;
	s6 =	simm.s32 $0x108;
	_ =	swait.ge @!p0 [sflag:s8], $0x0  }
0x24: {  	s3 =	sadd.s32 $0x88, s3;
	s6 =	simm.s32 @!p1 $0x1082;
	[sflag:s4] =	ssyncset.s32 $0xFFFFF086  }
0x25: {  	[simem:s6], [sflag:s4] =	dma.local [hbm:s3], $0xF7A  }
0x26: {  	[smem:$0x3F92] =	sst s1;
	(tag) =	ssettag s2;
	_ =	strace s9  }
0x27: {  	s1 =	sld [smem:$0x3FA2]  }
0x28: {  	s2 =	sld [smem:$0x3FA3]  }
0x29: {  	s4 =	sld [smem:$0x3FA5]  }
0x2a: {  	p0 =	seq.s32 s5, $0x0;
	s5 =	sld [smem:$0x3FA6]  }
0x2b: {  	s6 =	sld [smem:$0x3FA7]  }
0x2c: {  	s7 =	sld [smem:$0x3FA8]  }
0x2d: {  	s3 =	simm.s32 $0x108;
	s8 =	sld [smem:$0x3FA9]  }
0x2e: {  	s3 =	simm.s32 @!p0 $0x1082;
	s9 =	sld [smem:$0x3FAA]  }
0x2f: {  	lr =	sadd.s32 s0, s3;
	s0 =	sld [smem:$0x3FA1]  }
0x30: {  	s3 =	sld [smem:$0x3FA4]  }
0x31: {  	[smem:$0x3FAD] =	sst s10  }
0x32: {  	s10 =	sld [smem:$0x3FAB];
	_ =	sdelay $0x3  }
0x33: {  	p0 =	seq.s32 s10, $0x1;
	s10 =	sld [smem:$0x3FAD];
	_ =	sdelay $0x3  }
0x34: {  	[smem:$0x3FAD] =	sst s10  }
0x35: {  	s10 =	sld [smem:$0x3FAC];
	_ =	sdelay $0x3  }
0x36: {  	p1 =	seq.s32 s10, $0x1;
	s10 =	sld [smem:$0x3FAD];
	_ =	sdelay $0x3  }
0x37: {  	[smem:$0x3FAD] =	sst s10  }
0x38: {  	s10 =	sld [smem:$0x3FAE]  }
0x39: {  	_ = 	snop;
	(pc) =	sbr.ind lr, $3  }
0x3a: {  	_ = 	snop  }
0x3b: {  	_ = 	snop  }
0x3c: {  	p2 =	seq.s32 s10, $0x1;
	s10 =	sld [smem:$0x3FAD]  }
0x3d: {  	_ =	shalt  }
0x3e: {  	_ =	shalt  }
0x3f: {  	_ =	shalt  }
0x40: {  	_ =	shalt  }
0x41: {  	_ =	shalt  }
0x42: {  	_ =	shalt  }
0x43: {  	_ =	shalt  }
0x44: {  	_ =	shalt  }
0x45: {  	_ =	shalt  }
0x46: {  	_ =	shalt  }
0x47: {  	_ =	shalt  }
0x48: {  	_ =	shalt  }
0x49: {  	_ =	shalt  }
0x4a: {  	_ =	shalt  }
0x4b: {  	_ =	shalt  }
0x4c: {  	_ =	shalt  }
0x4d: {  	_ =	shalt  }
0x4e: {  	_ =	shalt  }
0x4f: {  	_ =	shalt  }
0x50: {  	_ =	shalt  }
0x51: {  	_ =	shalt  }
0x52: {  	_ =	shalt  }
0x53: {  	_ =	shalt  }
0x54: {  	_ =	shalt  }
0x55: {  	_ =	shalt  }
0x56: {  	_ =	shalt  }
0x57: {  	_ =	shalt  }
0x58: {  	_ =	shalt  }
0x59: {  	_ =	shalt  }
0x5a: {  	_ =	shalt  }
0x5b: {  	_ =	shalt  }
0x5c: {  	_ =	shalt  }
0x5d: {  	_ =	shalt  }
0x5e: {  	_ =	shalt  }
0x5f: {  	_ =	shalt  }
0x60: {  	_ =	shalt  }
0x61: {  	_ =	shalt  }
0x62: {  	_ =	shalt  }
0x63: {  	_ =	shalt  }
0x64: {  	_ =	shalt  }
0x65: {  	_ =	shalt  }
0x66: {  	_ =	shalt  }
0x67: {  	_ =	shalt  }
0x68: {  	_ =	shalt  }
0x69: {  	_ =	shalt  }
0x6a: {  	_ =	shalt  }
0x6b: {  	_ =	shalt  }
0x6c: {  	_ =	shalt  }
0x6d: {  	_ =	shalt  }
0x6e: {  	_ =	shalt  }
0x6f: {  	_ =	shalt  }
0x70: {  	_ =	shalt  }
0x71: {  	_ =	shalt  }
0x72: {  	_ =	shalt  }
0x73: {  	_ =	shalt  }
0x74: {  	_ =	shalt  }
0x75: {  	_ =	shalt  }
0x76: {  	_ =	shalt  }
0x77: {  	_ =	shalt  }
0x78: {  	_ =	shalt  }
0x79: {  	_ =	shalt  }
0x7a: {  	_ =	shalt  }
0x7b: {  	_ =	shalt  }
0x7c: {  	_ =	shalt  }
0x7d: {  	_ =	shalt  }
0x7e: {  	_ =	shalt  }
0x7f: {  	_ =	shalt  }
0x80: {  	_ =	shalt  }
0x81: {  	_ =	shalt  }
0x82: {  	_ =	shalt  }
0x83: {  	_ =	shalt  }
0x84: {  	_ =	shalt  }
0x85: {  	_ =	shalt  }
0x86: {  	_ =	shalt  }
0x87: {  	_ =	shalt  }
.Lfunc_end0:
.L_simem_size_0:
called_computation_lowered:
.L_overlay_start_0:
0x88: {  	s2 =	sld [smem:$0x3FD9]  }
0x89: {  	s3 =	sld [smem:$0x3FFE];
	_ =	sdelay $0x1  }
0x8a: {  	s1 =	srdreg.scid  }
0x8b: {  	s0 =	sand.u32 $0x1, s1  }
0x8c: {  	s17 =	sshll.u32 s0, $0xA;
	s2 =	sadd.s32 s3, s2  }
0x8d: {  	s2 =	sadd.s32 s2, s17  }
0x8e: {  	[smem:$0x3FB9] =	sst s2  }
0x8f: {  	_ = 	snop  }
0x90: {  	s2 =	sld [smem:$0x3FD0];
	(tm) =	ssettm $0x1  }
0x91: {  	s18 =	sld [smem:$0x3FFB];
	_ =	sdelay $0x3  }
0x92: {  	_ =	strace s18  }
0x93: {  	s3 =	sld [smem:$0x3FFC];
	_ =	sdelay $0x3  }
0x94: {  	_ =	strace s3  }
0x95: {  	s3 =	sld [smem:$0x3FFD];
	_ =	sdelay $0x3  }
0x96: {  	_ =	strace s3  }
0x97: {  	_ =	strace $0x8FFFFFFF  }
0x98: {  	s19 =	sld [smem:$0x3FDB];
	_ =	sdelay $0x1  }
0x99: {  	s4 =	simm.s32 $_scs_section_size  }
0x9a: {  	s5 =	simm.s32 $_size__tile_overlayer_lowered;
	s6 =	simm.s32 $_tile_overlayer_lowered  }
0x9b: {  	s22 =	simm.s32 $0x1BFF;
	s21 =	sshll.u32 s6, $0x1;
	s3 =	sadd.s32 s4, s19  }
0x9c: {  	s7 =	simm.s32 $0x0;
	s20 =	sshll.u32 s5, $0x1;
	s5 =	sadd.s32 s21, s3  }
0x9d: {  	[timem:s7], [sflag:s22] =	dma.local [hbm:s5], s20  }
0x9e: {  	_ =	swait.ge [sflag:s22], s20  }
0x9f: {  	s4 =	ssub.s32 $0x0, s20;
	[sflag:s22] =	ssyncset.done $0x0  }
0xa0: {  	[sflag:s22] =	ssyncadd.s32 s4;
	_ =	sdelay $0x1  }
0xa1: {  	s23 =	simm.s32 $0x1B8B  }
0xa2: {  	_ =	swait.ge [sflag:s23], $0x1  }
0xa3: {  	[sflag:s23] =	ssyncset.done $0x0  }
0xa4: {  	s25 =	simm.s32 $0x1B8E;
	s24 =	sld [smem:$0x3FFE];
	[sflag:s23] =	ssyncadd.s32 $0xFFFFFFFF  }
0xa5: {  	s26 =	simm.s32 $execute0_lowered;
	[smem:$0x3FD2] =	sst s25  }
0xa6: {  	s5 =	sshll.u32 s26, $0x1;
	_ =	strace $0x80000046;
	[dreg:$0x1] =	wrdreg $0xFFFFFFFF  }
0xa7: {  	s28 =	simm.s32 $_size_execute0_lowered;
	s3 =	sadd.s32 s3, s5;
	[dreg:$0x0] =	wrdreg $0x0  }
0xa8: {  	s5 =	sshll.u32 s28, $0x1;
	[dreg:$0x2] =	wrdreg s3  }
0xa9: {  	[dreg:$0x3] =	wrdreg s5  }
0xaa: {  	[dreg:$0x4] =	wrdreg $0xC0  }
0xab: {  	_ =	task [dreg:s7], $0x5FFFF  }
0xac: {  	[dreg:$0x1] =	wrdreg $0xFFFFFFFF  }
0xad: {  	[dreg:$0x0] =	wrdreg $0x60  }
0xae: {  	[dreg:$0x2] =	wrdreg s24  }
0xaf: {  	[dreg:$0x3] =	wrdreg s2  }
0xb0: {  	[dreg:$0x4] =	wrdreg $0xD4000  }
0xb1: {  	[dreg:$0x5] =	wrdreg $0x172000  }
0xb2: {  	[dreg:$0x6] =	wrdreg $0x9  }
0xb3: {  	_ =	task.clear_ibuf [dreg:s7], $0x7FFFF;
	_ =	strace $0x90000046  }
0xb4: {  	s29 =	simm.s32 $0x9;
	_ =	strace $0x80000048  }
0xb5: {  	_ =	swait.ge [sflag:s29], $0x1  }
0xb6: {  	[sflag:s29] =	ssyncadd.s32 $0xFFFFFFFF  }
0xb7: {  	_ =	strace $0x90000048  }
0xb8: {  	_ =	sfence  }
0xb9: {  	s30 =	sld [smem:$0x0];
	_ =	sdelay $0x2  }
0xba: {  	s31 =	sshll.u32 s1, $0xD;
	s1 =	sshrl.u32 s1, $0x2  }
0xbb: {  	s3 =	sand.u32 $0x4000, s31;
	s1 =	sadd.s32 s1, s30  }
0xbc: {  	s0 =	sor.u32 s3, s0;
	s1 =	sshll.u32 s1, $0x11  }
0xbd: {  	s0 =	sor.u32 s1, s0  }
0xbe: {  	s0 =	sadd.s32 $0x8F2B, s0  }
0xbf: {  	[sflag:s0] =	ssyncadd.remote.s32 $0x1  }
0xc0: {  	_ =	sfence.sel $0xFFFF  }
0xc1: {  	[dreg:$0x0] =	wrdreg $0xFFFFFFFF;
	(pc) =	sbr.abs _section_cstart, $3  }
0xc2: {  	[dreg:$0x1] =	wrdreg $0xFFFFFFFF  }
0xc3: {  	_ =	task.clear_ibuf [dreg:s7], $0x2FFFF;
	_ =	strace $0x9FFFFFFF  }
0xc4: {  	(tm) =	ssettm $0x7FFFFFFF  }
0xc5: {  	_ =	shalt  }
tec
execute0_lowered:
.L_overlay_start_1:
0x0: {  	(tag) =	ssettag $0x1  }
0x1: {  	s0 =	rddreg [dreg:$0x0]  }
0x2: {  	s1 =	srdreg.scid;
	s3 =	rddreg [dreg:$0x2]  }
0x3: {  	s13 =	stileid.u32;
	s4 =	rddreg [dreg:$0x3];
	s6 =	simm.s32 $0x0  }
0x4: {  	s19 =	simm.s32 $0x6;
	s29 =	simm.s32 $0x9000;
	s31 =	simm.s32 $0xB000  }
0x5: {  	s28 =	simm.s32 $0x4E00;
	s30 =	simm.s32 $0x4E80;
	s17 =	simm.s32 $0x4F80  }
0x6: {  	s16 =	simm.s32 $0x2400;
	s1 =	sand.u32 $0x1, s1;
	s2 =	sshll.u32 s13, $0x1  }
0x7: {  	s5 =	smul.u32 $0x9E00, s13;
	[smem:$0x7FF] =	sst s6;
	s6 =	sadd.s32 $0x16400, s0  }
0x8: {  	s11 =	smul.u32 $0x13C0, s13;
	s7 =	sadd.s32 $0x2800, s0;
	s8 =	sadd.s32 $0x3E000, s0  }
0x9: {  	s12 =	sadd.s32 $0x3F400, s0;
	s21 =	sshll.u32 s13, $0x6;
	s2 =	sor.u32 s1, s2  }
0xa: {  	s9 =	smul.u32 $0x9E000, s1;
	_ =	strace $0x80000047;
	[dreg:$0xd] =	wrdreg s8  }
0xb: {  	s10 =	smul.u32 $0x13C00, s1;
	[dreg:$0x5] =	wrdreg s12;
	s1 =	ssub.s32 $0x2, s1  }
0xc: {  	s12 =	simm.s32 $0x0;
	s2 =	smul.u32 $0x500, s2;
	s20 =	sshrl.u32 s1, $0x1  }
0xd: {  	s9 =	sadd.s32 s5, s9;
	s10 =	sadd.s32 s11, s10;
	s1 =	ssub.s32 s1, s20  }
0xe: {  	s5 =	sadd.s32 s5, s3;
	s11 =	sadd.s32 s11, s4;
	s2 =	sadd.s32 s2, s0  }
0xf: {  	s9 =	sshrl.u32 s9, $0x3;
	s10 =	sshrl.u32 s10, $0x3;
	s26 =	smax.u32 s1, $0x1  }
0x10: {  	s18 =	sshrl.u32 s5, $0x3;
	s20 =	sshrl.u32 s11, $0x3;
	s1 =	simm.s32 $0x3  }
0x11: {  	s5 =	simm.s32 $0x4F00;
	s11 =	simm.s32 $0x5;
	s9 =	sadd.s32 s9, s0  }
0x12: {  	s0 =	sadd.s32 s10, s0;
	s22 =	sadd.s32 $0x34000, s2;
	[dreg:$0xc] =	wrdreg s26  }
0x13: {  	s10 =	sor.u32 $0x1C06, s21;
	s2 =	sadd.s32 $0x2A000, s2;
	[dreg:$0x6] =	wrdreg s22  }
0x14: {  	s26 =	simm.s32 $0x7000;
	[dreg:$0x7] =	wrdreg s2;
	s23 =	sadd.s32 $0x70E00, s9  }
0x15: {  	s21 =	simm.s32 $0x2600;
	s24 =	sadd.s32 $0x44600, s0;
	[dreg:$0x8] =	wrdreg s23  }
0x16: {  	s25 =	sadd.s32 $0x49600, s9;
	s0 =	sadd.s32 $0x3F600, s0;
	[dreg:$0x9] =	wrdreg s24  }
0x17: {  	s22 =	simm.s32 $0xD000;
	s2 =	simm.s32 $0x1;
	[dreg:$0xa] =	wrdreg s25  }
0x18: {  	s9 =	simm.s32 $0x4;
	[dreg:$0xb] =	wrdreg s0;
	s23 =	simm.s32 $0x80  }
0x19: {  	s24 =	simm.s32 $0x5000;
	s0 =	simm.s32 $0x2;
	s25 =	simm.s32 $0x2800  }
.LBB2_1:
0x1a: {  	s8 =	rddreg [dreg:$0xd]  }
0x1b: {  	[spmem:s18], [sflag:s10] =	dma.local [hbm:s8], $0x13C0  }
0x1c: {  	_ =	swait.ge [sflag:s19], $0x13C0  }
0x1d: {  	[sflag:s19] =	ssyncset.done $0x0  }
0x1e: {  	[sflag:s19] =	ssyncadd.s32 $0xFFFFEC40  }
0x1f: {  	s13 =	rddreg [dreg:$0x1]  }
0x20: {  	[spmem:s20], [sflag:s10] =	dma.local [hbm:s13], $0x278  }
0x21: {  	_ =	swait.ge [sflag:s19], $0x278  }
0x22: {  	[sflag:s19] =	ssyncset.done $0x0  }
0x23: {  	s13 =	simm.s32 $0x0;
	s14 =	rddreg [dreg:$0x6];
	[sflag:s19] =	ssyncadd.s32 $0xFFFFFD88  }
0x24: {  	[tilespmem:s13], [sflag:$0x6] =	stream.linear.gather [hbm4b:s14+s13], $0x2800, $0x38;
	[tilespmem:$0x185C0] =	vst v63  }
0x25: {  	_ =	swait.ge [sflag:s19], $0x2800  }
0x26: {  	[sflag:s19] =	ssyncset.done $0x0  }
0x27: {  	s15 =	simm.s32 $0x2800;
	s8 =	rddreg [dreg:$0x7];
	[sflag:s19] =	ssyncadd.s32 $0xFFFFD800  }
0x28: {  	[tilespmem:s15], [sflag:$0x6] =	stream.linear.gather [hbm4b:s8+s13], $0x2800, $0x38;
	[tilespmem:$0x185C0] =	vst v63  }
0x29: {  	_ =	swait.ge [sflag:s19], $0x2800  }
0x2a: {  	[sflag:s19] =	ssyncset.done $0x0  }
0x2b: {  	s8 =	rddreg [dreg:$0x5];
	[sflag:s19] =	ssyncadd.s32 $0xFFFFD800  }
0x2c: {  	[tilespmem:s22], [sflag:$0x6] =	stream.linear.gather [hbm4b:s8+s13], $0x400, $0x38;
	[tilespmem:$0x185C0] =	vst v63  }
0x2d: {  	_ =	swait.ge [sflag:s19], $0x400  }
0x2e: {  	[sflag:s19] =	ssyncset.done $0x0  }
0x2f: {  	[sflag:s19] =	ssyncadd.s32 $0xFFFFFC00  }
0x30: {  	[bflag:$0x0] =	sbarrier.arrive $0xFFFF  }
0x31: {  	[tilespmem:s24], [sflag:$0x1] =	stream.indirect.gather [hbm4b:s6+s23], $0x40, s15, s23, $0xb8;
	[tilespmem:$0x185C0] =	vst v63  }
0x32: {  	s15 =	simm.s32 $0x2880  }
0x33: {  	[tilespmem:s26], [sflag:$0x2] =	stream.indirect.gather [hbm4b:s6+s23], $0x40, s15, s23, $0xb8;
	[tilespmem:$0x185C0] =	vst v63  }
0x34: {  	s8 =	simm.s32 $0x2900  }
0x35: {  	[tilespmem:s29], [sflag:$0x3] =	stream.indirect.gather [hbm4b:s6+s23], $0x40, s8, s23, $0xb8;
	[tilespmem:$0x185C0] =	vst v63  }
0x36: {  	s14 =	simm.s32 $0x2980  }
0x37: {  	[tilespmem:s31], [sflag:$0x4] =	stream.indirect.gather [hbm4b:s6+s23], $0x40, s14, s23, $0xb8;
	[tilespmem:$0x185C0] =	vst v63  }
0x38: {  	_ =	swait.ge [sflag:s2], $0x2000  }
0x39: {  	[sflag:s2] =	ssyncset.done $0x0  }
0x3a: {  	s15 =	simm.s32 $0x0;
	[sflag:s2] =	ssyncadd.s32 $0xFFFFE000  }
0x3b: {  	[spmem:s3] =	stream.indirect.scatter.add.f32 [tilespmem:s24], [sflag:$0x6], $0x40, s15, s23, $0xb8;
	[tilespmem:$0x185C0] =	vst v63  }
0x3c: {  	_ =	swait.ge [sflag:s19], $0x2000  }
0x3d: {  	[sflag:s19] =	ssyncset.done $0x0  }
0x3e: {  	[sflag:s19] =	ssyncadd.s32 $0xFFFFE000  }
0x3f: {  	[spmem:s4] =	stream.indirect.scatter.add.f32 [tilespmem:s22], [sflag:$0x5], $0x8, s15, s23, $0xb8;
	[tilespmem:$0x185C0] =	vst v63  }
0x40: {  	s8 =	simm.s32 $0x2A00  }
0x41: {  	[tilespmem:s24], [sflag:$0x1] =	stream.indirect.gather [hbm4b:s6+s23], $0x40, s8, s23, $0xb8;
	[tilespmem:$0x185C0] =	vst v63  }
0x42: {  	_ =	swait.ge [sflag:s0], $0x2000  }
0x43: {  	[sflag:s0] =	ssyncset.done $0x0  }
0x44: {  	s14 =	simm.s32 $0x80;
	[sflag:s0] =	ssyncadd.s32 $0xFFFFE000  }
0x45: {  	[spmem:s3] =	stream.indirect.scatter.add.f32 [tilespmem:s26], [sflag:$0x6], $0x40, s14, s23, $0xb8;
	[tilespmem:$0x185C0] =	vst v63  }
0x46: {  	_ =	swait.ge [sflag:s19], $0x2000  }
0x47: {  	[sflag:s19] =	ssyncset.done $0x0  }
0x48: {  	[sflag:s19] =	ssyncadd.s32 $0xFFFFE000  }
0x49: {  	[spmem:s4] =	stream.indirect.scatter.add.f32 [tilespmem:s22], [sflag:$0x5], $0x8, s14, s23, $0xb8;
	[tilespmem:$0x185C0] =	vst v63  }
0x4a: {  	s15 =	simm.s32 $0x2A80  }
0x4b: {  	[tilespmem:s26], [sflag:$0x2] =	stream.indirect.gather [hbm4b:s6+s23], $0x40, s15, s23, $0xb8;
	[tilespmem:$0x185C0] =	vst v63  }
0x4c: {  	_ =	swait.ge [sflag:s1], $0x2000  }
0x4d: {  	[sflag:s1] =	ssyncset.done $0x0  }
0x4e: {  	s8 =	simm.s32 $0x100;
	[sflag:s1] =	ssyncadd.s32 $0xFFFFE000  }
0x4f: {  	[spmem:s3] =	stream.indirect.scatter.add.f32 [tilespmem:s29], [sflag:$0x6], $0x40, s8, s23, $0xb8;
	[tilespmem:$0x185C0] =	vst v63  }
0x50: {  	_ =	swait.ge [sflag:s19], $0x2000  }
0x51: {  	[sflag:s19] =	ssyncset.done $0x0  }
0x52: {  	[sflag:s19] =	ssyncadd.s32 $0xFFFFE000  }
0x53: {  	[spmem:s4] =	stream.indirect.scatter.add.f32 [tilespmem:s22], [sflag:$0x5], $0x8, s8, s23, $0xb8;
	[tilespmem:$0x185C0] =	vst v63  }
0x54: {  	s14 =	simm.s32 $0x2B00  }
0x55: {  	[tilespmem:s29], [sflag:$0x3] =	stream.indirect.gather [hbm4b:s6+s23], $0x40, s14, s23, $0xb8;
	[tilespmem:$0x185C0] =	vst v63  }
0x56: {  	_ =	swait.ge [sflag:s9], $0x2000  }
0x57: {  	[sflag:s9] =	ssyncset.done $0x0  }
0x58: {  	s15 =	simm.s32 $0x180;
	[sflag:s9] =	ssyncadd.s32 $0xFFFFE000  }
0x59: {  	[spmem:s3] =	stream.indirect.scatter.add.f32 [tilespmem:s31], [sflag:$0x6], $0x40, s15, s23, $0xb8;
	[tilespmem:$0x185C0] =	vst v63  }
0x5a: {  	_ =	swait.ge [sflag:s19], $0x2000  }
0x5b: {  	[sflag:s19] =	ssyncset.done $0x0  }
0x5c: {  	s13 =	simm.s32 $0x800;
	s14 =	simm.s32 $0x2B80;
	[sflag:s19] =	ssyncadd.s32 $0xFFFFE000  }
0x5d: {  	[spmem:s4] =	stream.indirect.scatter.add.f32 [tilespmem:s22], [sflag:$0x5], $0x8, s15, s23, $0xb8;
	[tilespmem:$0x185C0] =	vst v63  }
.LBB2_2:
0x5e: {  	[tilespmem:s31], [sflag:$0x4] =	stream.indirect.gather [hbm4b:s6+s23], $0x40, s14, s23, $0xb8;
	[tilespmem:$0x185C0] =	vst v63  }
0x5f: {  	s14 =	smov.u32 s13  }
0x60: {  	p0 =	sne.s32 s13, $0x8800;
	s13 =	sadd.s32 $0x800, s13;
	_ =	swait.ge [sflag:s2], $0x2000  }
0x61: {  	[sflag:s2] =	ssyncset.done $0x0  }
0x62: {  	s14 =	sshra.s32 s14, $0x2;
	[sflag:s2] =	ssyncadd.s32 $0xFFFFE000  }
0x63: {  	[spmem:s3] =	stream.indirect.scatter.add.f32 [tilespmem:s24], [sflag:$0x6], $0x40, s14, s23, $0xb8;
	[tilespmem:$0x185C0] =	vst v63  }
0x64: {  	_ =	swait.ge [sflag:s19], $0x2000  }
0x65: {  	[sflag:s19] =	ssyncset.done $0x0  }
0x66: {  	[sflag:s19] =	ssyncadd.s32 $0xFFFFE000  }
0x67: {  	[spmem:s4] =	stream.indirect.scatter.add.f32 [tilespmem:s22], [sflag:$0x5], $0x8, s14, s23, $0xb8;
	[tilespmem:$0x185C0] =	vst v63  }
0x68: {  	s15 =	sadd.s32 $0x2A00, s14  }
0x69: {  	[tilespmem:s24], [sflag:$0x1] =	stream.indirect.gather [hbm4b:s6+s23], $0x40, s15, s23, $0xb8;
	[tilespmem:$0x185C0] =	vst v63  }
0x6a: {  	_ =	swait.ge [sflag:s0], $0x2000  }
0x6b: {  	[sflag:s0] =	ssyncset.done $0x0  }
0x6c: {  	s15 =	sadd.s32 $0x80, s14;
	[sflag:s0] =	ssyncadd.s32 $0xFFFFE000  }
0x6d: {  	[spmem:s3] =	stream.indirect.scatter.add.f32 [tilespmem:s26], [sflag:$0x6], $0x40, s15, s23, $0xb8;
	[tilespmem:$0x185C0] =	vst v63  }
0x6e: {  	_ =	swait.ge [sflag:s19], $0x2000  }
0x6f: {  	[sflag:s19] =	ssyncset.done $0x0  }
0x70: {  	[sflag:s19] =	ssyncadd.s32 $0xFFFFE000  }
0x71: {  	[spmem:s4] =	stream.indirect.scatter.add.f32 [tilespmem:s22], [sflag:$0x5], $0x8, s15, s23, $0xb8;
	[tilespmem:$0x185C0] =	vst v63  }
0x72: {  	s15 =	sadd.s32 $0x2A80, s14  }
0x73: {  	[tilespmem:s26], [sflag:$0x2] =	stream.indirect.gather [hbm4b:s6+s23], $0x40, s15, s23, $0xb8;
	[tilespmem:$0x185C0] =	vst v63  }
0x74: {  	_ =	swait.ge [sflag:s1], $0x2000  }
0x75: {  	[sflag:s1] =	ssyncset.done $0x0  }
0x76: {  	s15 =	sadd.s32 $0x100, s14;
	[sflag:s1] =	ssyncadd.s32 $0xFFFFE000  }
0x77: {  	[spmem:s3] =	stream.indirect.scatter.add.f32 [tilespmem:s29], [sflag:$0x6], $0x40, s15, s23, $0xb8;
	[tilespmem:$0x185C0] =	vst v63  }
0x78: {  	_ =	swait.ge [sflag:s19], $0x2000  }
0x79: {  	[sflag:s19] =	ssyncset.done $0x0  }
0x7a: {  	[sflag:s19] =	ssyncadd.s32 $0xFFFFE000  }
0x7b: {  	[spmem:s4] =	stream.indirect.scatter.add.f32 [tilespmem:s22], [sflag:$0x5], $0x8, s15, s23, $0xb8;
	[tilespmem:$0x185C0] =	vst v63  }
0x7c: {  	s15 =	sadd.s32 $0x2B00, s14  }
0x7d: {  	[tilespmem:s29], [sflag:$0x3] =	stream.indirect.gather [hbm4b:s6+s23], $0x40, s15, s23, $0xb8;
	[tilespmem:$0x185C0] =	vst v63  }
0x7e: {  	_ =	swait.ge [sflag:s9], $0x2000  }
0x7f: {  	[sflag:s9] =	ssyncset.done $0x0  }
0x80: {  	s15 =	sadd.s32 $0x180, s14;
	[sflag:s9] =	ssyncadd.s32 $0xFFFFE000  }
0x81: {  	[spmem:s3] =	stream.indirect.scatter.add.f32 [tilespmem:s31], [sflag:$0x6], $0x40, s15, s23, $0xb8;
	[tilespmem:$0x185C0] =	vst v63  }
.Ltmp0:
0x82: {  	_ =	swait.ge [sflag:s19], $0x2000;
	(pc) =	sbr.rel @p0 .LBB2_2-.Ltmp0, $4  }
0x83: {  	[sflag:s19] =	ssyncset.done $0x0  }
0x84: {  	[sflag:s19] =	ssyncadd.s32 $0xFFFFE000  }
0x85: {  	[spmem:s4] =	stream.indirect.scatter.add.f32 [tilespmem:s22], [sflag:$0x5], $0x8, s15, s23, $0xb8;
	[tilespmem:$0x185C0] =	vst v63  }
0x86: {  	s14 =	sadd.s32 $0x2B80, s14  }
0x87: {  	[tilespmem:s31], [sflag:$0x4] =	stream.indirect.gather [hbm4b:s6+s23], $0x40, s14, s23, $0xb8;
	[tilespmem:$0x185C0] =	vst v63  }
0x88: {  	_ =	swait.ge [sflag:s2], $0x2000  }
0x89: {  	[sflag:s2] =	ssyncset.done $0x0  }
0x8a: {  	s13 =	simm.s32 $0x2400;
	[sflag:s2] =	ssyncadd.s32 $0xFFFFE000  }
0x8b: {  	[spmem:s3] =	stream.indirect.scatter.add.f32 [tilespmem:s24], [sflag:$0x6], $0x40, s13, s23, $0xb8;
	[tilespmem:$0x185C0] =	vst v63  }
0x8c: {  	_ =	swait.ge [sflag:s19], $0x2000  }
0x8d: {  	[sflag:s19] =	ssyncset.done $0x0  }
0x8e: {  	[sflag:s19] =	ssyncadd.s32 $0xFFFFE000  }
0x8f: {  	[spmem:s4] =	stream.indirect.scatter.add.f32 [tilespmem:s22], [sflag:$0x5], $0x8, s13, s23, $0xb8;
	[tilespmem:$0x185C0] =	vst v63  }
0x90: {  	_ = 	snop  }
0x91: {  	[tilespmem:s24], [sflag:$0x1] =	stream.indirect.gather [hbm4b:s6+s23], $0x40, s28, s23, $0xb8;
	[tilespmem:$0x185C0] =	vst v63  }
0x92: {  	_ =	swait.ge [sflag:s0], $0x2000  }
0x93: {  	[sflag:s0] =	ssyncset.done $0x0  }
0x94: {  	s14 =	simm.s32 $0x2480;
	[sflag:s0] =	ssyncadd.s32 $0xFFFFE000  }
0x95: {  	[spmem:s3] =	stream.indirect.scatter.add.f32 [tilespmem:s26], [sflag:$0x6], $0x40, s14, s23, $0xb8;
	[tilespmem:$0x185C0] =	vst v63  }
0x96: {  	_ =	swait.ge [sflag:s19], $0x2000  }
0x97: {  	[sflag:s19] =	ssyncset.done $0x0  }
0x98: {  	[sflag:s19] =	ssyncadd.s32 $0xFFFFE000  }
0x99: {  	[spmem:s4] =	stream.indirect.scatter.add.f32 [tilespmem:s22], [sflag:$0x5], $0x8, s14, s23, $0xb8;
	[tilespmem:$0x185C0] =	vst v63  }
0x9a: {  	_ = 	snop  }
0x9b: {  	[tilespmem:s26], [sflag:$0x2] =	stream.indirect.gather [hbm4b:s6+s23], $0x40, s30, s23, $0xb8;
	[tilespmem:$0x185C0] =	vst v63  }
0x9c: {  	_ =	swait.ge [sflag:s1], $0x2000  }
0x9d: {  	[sflag:s1] =	ssyncset.done $0x0  }
0x9e: {  	s15 =	simm.s32 $0x2500;
	[sflag:s1] =	ssyncadd.s32 $0xFFFFE000  }
0x9f: {  	[spmem:s3] =	stream.indirect.scatter.add.f32 [tilespmem:s29], [sflag:$0x6], $0x40, s15, s23, $0xb8;
	[tilespmem:$0x185C0] =	vst v63  }
0xa0: {  	_ =	swait.ge [sflag:s19], $0x2000  }
0xa1: {  	[sflag:s19] =	ssyncset.done $0x0  }
0xa2: {  	[sflag:s19] =	ssyncadd.s32 $0xFFFFE000  }
0xa3: {  	[spmem:s4] =	stream.indirect.scatter.add.f32 [tilespmem:s22], [sflag:$0x5], $0x8, s15, s23, $0xb8;
	[tilespmem:$0x185C0] =	vst v63  }
0xa4: {  	_ = 	snop  }
0xa5: {  	[tilespmem:s29], [sflag:$0x3] =	stream.indirect.gather [hbm4b:s6+s23], $0x40, s5, s23, $0xb8;
	[tilespmem:$0x185C0] =	vst v63  }
0xa6: {  	_ =	swait.ge [sflag:s9], $0x2000  }
0xa7: {  	[sflag:s9] =	ssyncset.done $0x0  }
0xa8: {  	s8 =	simm.s32 $0x2580;
	[sflag:s9] =	ssyncadd.s32 $0xFFFFE000  }
0xa9: {  	[spmem:s3] =	stream.indirect.scatter.add.f32 [tilespmem:s31], [sflag:$0x6], $0x40, s8, s23, $0xb8;
	[tilespmem:$0x185C0] =	vst v63  }
0xaa: {  	_ =	swait.ge [sflag:s19], $0x2000  }
0xab: {  	[sflag:s19] =	ssyncset.done $0x0  }
0xac: {  	[sflag:s19] =	ssyncadd.s32 $0xFFFFE000  }
0xad: {  	[spmem:s4] =	stream.indirect.scatter.add.f32 [tilespmem:s22], [sflag:$0x5], $0x8, s8, s23, $0xb8;
	[tilespmem:$0x185C0] =	vst v63  }
0xae: {  	_ = 	snop  }
0xaf: {  	[tilespmem:s31], [sflag:$0x4] =	stream.indirect.gather [hbm4b:s6+s23], $0x40, s17, s23, $0xb8;
	[tilespmem:$0x185C0] =	vst v63  }
0xb0: {  	_ =	swait.ge [sflag:s2], $0x2000  }
0xb1: {  	[sflag:s2] =	ssyncset.done $0x0  }
0xb2: {  	s14 =	simm.s32 $0x2600;
	[sflag:s2] =	ssyncadd.s32 $0xFFFFE000  }
0xb3: {  	[spmem:s3] =	stream.indirect.scatter.add.f32 [tilespmem:s24], [sflag:$0x6], $0x40, s14, s23, $0xb8;
	[tilespmem:$0x185C0] =	vst v63  }
0xb4: {  	_ =	swait.ge [sflag:s19], $0x2000  }
0xb5: {  	[sflag:s19] =	ssyncset.done $0x0  }
0xb6: {  	[sflag:s19] =	ssyncadd.s32 $0xFFFFE000  }
0xb7: {  	[spmem:s4] =	stream.indirect.scatter.add.f32 [tilespmem:s22], [sflag:$0x5], $0x8, s14, s23, $0xb8;
	[tilespmem:$0x185C0] =	vst v63  }
0xb8: {  	_ = 	snop  }
0xb9: {  	[tilespmem:s24], [sflag:$0x1] =	stream.indirect.gather [hbm4b:s6+s23], $0x40, s17, s23, $0xb8;
	[tilespmem:$0x185C0] =	vst v63  }
0xba: {  	_ =	swait.ge [sflag:s0], $0x2000  }
0xbb: {  	[sflag:s0] =	ssyncset.done $0x0  }
0xbc: {  	s15 =	simm.s32 $0x2680;
	[sflag:s0] =	ssyncadd.s32 $0xFFFFE000  }
0xbd: {  	[spmem:s3] =	stream.indirect.scatter.add.f32 [tilespmem:s26], [sflag:$0x6], $0x40, s15, s23, $0xb8;
	[tilespmem:$0x185C0] =	vst v63  }
0xbe: {  	_ =	swait.ge [sflag:s19], $0x2000  }
0xbf: {  	[sflag:s19] =	ssyncset.done $0x0  }
0xc0: {  	[sflag:s19] =	ssyncadd.s32 $0xFFFFE000  }
0xc1: {  	[spmem:s4] =	stream.indirect.scatter.add.f32 [tilespmem:s22], [sflag:$0x5], $0x8, s15, s23, $0xb8;
	[tilespmem:$0x185C0] =	vst v63  }
0xc2: {  	_ = 	snop  }
0xc3: {  	[tilespmem:s26], [sflag:$0x2] =	stream.indirect.gather [hbm4b:s6+s23], $0x40, s17, s23, $0xb8;
	[tilespmem:$0x185C0] =	vst v63  }
0xc4: {  	_ =	swait.ge [sflag:s1], $0x2000  }
0xc5: {  	[sflag:s1] =	ssyncset.done $0x0  }
0xc6: {  	s14 =	simm.s32 $0x2700;
	[sflag:s1] =	ssyncadd.s32 $0xFFFFE000  }
0xc7: {  	[spmem:s3] =	stream.indirect.scatter.add.f32 [tilespmem:s29], [sflag:$0x6], $0x40, s14, s23, $0xb8;
	[tilespmem:$0x185C0] =	vst v63  }
0xc8: {  	_ =	swait.ge [sflag:s19], $0x2000  }
0xc9: {  	[sflag:s19] =	ssyncset.done $0x0  }
0xca: {  	[sflag:s19] =	ssyncadd.s32 $0xFFFFE000  }
0xcb: {  	[spmem:s4] =	stream.indirect.scatter.add.f32 [tilespmem:s22], [sflag:$0x5], $0x8, s14, s23, $0xb8;
	[tilespmem:$0x185C0] =	vst v63  }
0xcc: {  	_ = 	snop  }
0xcd: {  	[tilespmem:s29], [sflag:$0x3] =	stream.indirect.gather [hbm4b:s6+s23], $0x40, s17, s23, $0xb8;
	[tilespmem:$0x185C0] =	vst v63  }
0xce: {  	_ =	swait.ge [sflag:s9], $0x2000  }
0xcf: {  	[sflag:s9] =	ssyncset.done $0x0  }
0xd0: {  	s15 =	simm.s32 $0x2780;
	[sflag:s9] =	ssyncadd.s32 $0xFFFFE000  }
0xd1: {  	[spmem:s3] =	stream.indirect.scatter.add.f32 [tilespmem:s31], [sflag:$0x6], $0x40, s15, s23, $0xb8;
	[tilespmem:$0x185C0] =	vst v63  }
0xd2: {  	_ =	swait.ge [sflag:s19], $0x2000  }
0xd3: {  	[sflag:s19] =	ssyncset.done $0x0  }
0xd4: {  	[sflag:s19] =	ssyncadd.s32 $0xFFFFE000  }
0xd5: {  	[spmem:s4] =	stream.indirect.scatter.add.f32 [tilespmem:s22], [sflag:$0x5], $0x8, s15, s23, $0xb8;
	[tilespmem:$0x185C0] =	vst v63  }
0xd6: {  	_ = 	snop  }
0xd7: {  	[tilespmem:s31], [sflag:$0x4] =	stream.indirect.gather [hbm4b:s6+s23], $0x40, s17, s23, $0xb8;
	[tilespmem:$0x185C0] =	vst v63  }
0xd8: {  	_ =	swait.ge [sflag:s2], $0x2000  }
0xd9: {  	[sflag:s2] =	ssyncset.done $0x0  }
0xda: {  	[sflag:s2] =	ssyncadd.s32 $0xFFFFE000  }
0xdb: {  	_ =	swait.ge [sflag:s0], $0x2000  }
0xdc: {  	[sflag:s0] =	ssyncset.done $0x0  }
0xdd: {  	[sflag:s0] =	ssyncadd.s32 $0xFFFFE000  }
0xde: {  	_ =	swait.ge [sflag:s1], $0x2000  }
0xdf: {  	[sflag:s1] =	ssyncset.done $0x0  }
0xe0: {  	[sflag:s1] =	ssyncadd.s32 $0xFFFFE000  }
0xe1: {  	_ =	swait.ge [sflag:s9], $0x2000  }
0xe2: {  	[sflag:s9] =	ssyncset.done $0x0  }
0xe3: {  	s13 =	simm.s32 $0x4F;
	[sflag:s9] =	ssyncadd.s32 $0xFFFFE000  }
0xe4: {  	s28 =	simm.s32 $0x2480;
	s30 =	simm.s32 $0x2500;
	_ =	swait.ge [sflag:s11], $0x400  }
0xe5: {  	s5 =	simm.s32 $0x2580;
	s8 =	simm.s32 $0x2680;
	[sflag:s11] =	ssyncset.done $0x0  }
.LBB2_4:
0xe6: {  	p0 =	sne.s32 s13, $0x1;
	s13 =	sadd.s32 $0xFFFFFFFF, s13;
	[sflag:s11] =	ssyncadd.s32 $0xFFFFFC00  }
.Ltmp1:
0xe7: {  	(pc) =	sbr.rel @p0 .LBB2_4-.Ltmp1, $3  }
0xe8: {  	_ =	sdelay $0x1  }
0xe9: {  	_ =	swait.ge [sflag:s11], $0x400  }
0xea: {  	[sflag:s11] =	ssyncset.done $0x0  }
0xeb: {  	[sflag:s11] =	ssyncadd.s32 $0xFFFFFC00  }
0xec: {  	[bflag:$0x0] =	sbarrier.arrive $0xFFFF  }
0xed: {  	s13 =	rddreg [dreg:$0x8]  }
0xee: {  	[hbm:s13], [sflag:s10] =	dma.local [spmem:s18], $0x13C0  }
0xef: {  	_ =	swait.ge [sflag:s19], $0x13C0  }
0xf0: {  	[sflag:s19] =	ssyncset.done $0x0  }
0xf1: {  	s15 =	rddreg [dreg:$0x9];
	[sflag:s19] =	ssyncadd.s32 $0xFFFFEC40  }
0xf2: {  	[hbm:s15], [sflag:s10] =	dma.local [spmem:s20], $0x278  }
0xf3: {  	_ =	swait.ge [sflag:s19], $0x278  }
0xf4: {  	[sflag:s19] =	ssyncset.done $0x0  }
0xf5: {  	s14 =	rddreg [dreg:$0xd];
	[sflag:s19] =	ssyncadd.s32 $0xFFFFFD88  }
0xf6: {  	[spmem:s18], [sflag:s10] =	dma.local [hbm:s14], $0x13C0  }
0xf7: {  	_ =	swait.ge [sflag:s19], $0x13C0  }
0xf8: {  	[sflag:s19] =	ssyncset.done $0x0  }
0xf9: {  	[sflag:s19] =	ssyncadd.s32 $0xFFFFEC40  }
0xfa: {  	s15 =	rddreg [dreg:$0x1]  }
0xfb: {  	[spmem:s20], [sflag:s10] =	dma.local [hbm:s15], $0x278  }
0xfc: {  	_ =	swait.ge [sflag:s19], $0x278  }
0xfd: {  	[sflag:s19] =	ssyncset.done $0x0  }
0xfe: {  	[sflag:s19] =	ssyncadd.s32 $0xFFFFFD88  }
0xff: {  	[bflag:$0x0] =	sbarrier.arrive $0xFFFF  }
0x100: {  	[tilespmem:s24], [sflag:$0x1] =	stream.indirect.gather [hbm4b:s7+s23], $0x40, s25, s23, $0xb8;
	[tilespmem:$0x185C0] =	vst v63  }
0x101: {  	s14 =	simm.s32 $0x2880  }
0x102: {  	[tilespmem:s26], [sflag:$0x2] =	stream.indirect.gather [hbm4b:s7+s23], $0x40, s14, s23, $0xb8;
	[tilespmem:$0x185C0] =	vst v63  }
0x103: {  	s15 =	simm.s32 $0x2900  }
0x104: {  	[tilespmem:s29], [sflag:$0x3] =	stream.indirect.gather [hbm4b:s7+s23], $0x40, s15, s23, $0xb8;
	[tilespmem:$0x185C0] =	vst v63  }
0x105: {  	s14 =	simm.s32 $0x2980  }
0x106: {  	[tilespmem:s31], [sflag:$0x4] =	stream.indirect.gather [hbm4b:s7+s23], $0x40, s14, s23, $0xb8;
	[tilespmem:$0x185C0] =	vst v63  }
0x107: {  	_ =	swait.ge [sflag:s2], $0x2000  }
0x108: {  	[sflag:s2] =	ssyncset.done $0x0  }
0x109: {  	s15 =	simm.s32 $0x0;
	[sflag:s2] =	ssyncadd.s32 $0xFFFFE000  }
0x10a: {  	[spmem:s3] =	stream.indirect.scatter.add.f32 [tilespmem:s24], [sflag:$0x6], $0x40, s15, s23, $0xb8;
	[tilespmem:$0x185C0] =	vst v63  }
0x10b: {  	_ =	swait.ge [sflag:s19], $0x2000  }
0x10c: {  	[sflag:s19] =	ssyncset.done $0x0  }
0x10d: {  	s14 =	simm.s32 $0x2800;
	[sflag:s19] =	ssyncadd.s32 $0xFFFFE000  }
0x10e: {  	[spmem:s4] =	stream.indirect.scatter.add.f32 [tilespmem:s22], [sflag:$0x5], $0x8, s14, s23, $0xb8;
	[tilespmem:$0x185C0] =	vst v63  }
0x10f: {  	s15 =	simm.s32 $0x2A00  }
0x110: {  	[tilespmem:s24], [sflag:$0x1] =	stream.indirect.gather [hbm4b:s7+s23], $0x40, s15, s23, $0xb8;
	[tilespmem:$0x185C0] =	vst v63  }
0x111: {  	_ =	swait.ge [sflag:s0], $0x2000  }
0x112: {  	[sflag:s0] =	ssyncset.done $0x0  }
0x113: {  	s14 =	simm.s32 $0x80;
	[sflag:s0] =	ssyncadd.s32 $0xFFFFE000  }
0x114: {  	[spmem:s3] =	stream.indirect.scatter.add.f32 [tilespmem:s26], [sflag:$0x6], $0x40, s14, s23, $0xb8;
	[tilespmem:$0x185C0] =	vst v63  }
0x115: {  	_ =	swait.ge [sflag:s19], $0x2000  }
0x116: {  	[sflag:s19] =	ssyncset.done $0x0  }
0x117: {  	s15 =	simm.s32 $0x2880;
	[sflag:s19] =	ssyncadd.s32 $0xFFFFE000  }
0x118: {  	[spmem:s4] =	stream.indirect.scatter.add.f32 [tilespmem:s22], [sflag:$0x5], $0x8, s15, s23, $0xb8;
	[tilespmem:$0x185C0] =	vst v63  }
0x119: {  	s14 =	simm.s32 $0x2A80  }
0x11a: {  	[tilespmem:s26], [sflag:$0x2] =	stream.indirect.gather [hbm4b:s7+s23], $0x40, s14, s23, $0xb8;
	[tilespmem:$0x185C0] =	vst v63  }
0x11b: {  	_ =	swait.ge [sflag:s1], $0x2000  }
0x11c: {  	[sflag:s1] =	ssyncset.done $0x0  }
0x11d: {  	s15 =	simm.s32 $0x100;
	[sflag:s1] =	ssyncadd.s32 $0xFFFFE000  }
0x11e: {  	[spmem:s3] =	stream.indirect.scatter.add.f32 [tilespmem:s29], [sflag:$0x6], $0x40, s15, s23, $0xb8;
	[tilespmem:$0x185C0] =	vst v63  }
0x11f: {  	_ =	swait.ge [sflag:s19], $0x2000  }
0x120: {  	[sflag:s19] =	ssyncset.done $0x0  }
0x121: {  	s14 =	simm.s32 $0x2900;
	[sflag:s19] =	ssyncadd.s32 $0xFFFFE000  }
0x122: {  	[spmem:s4] =	stream.indirect.scatter.add.f32 [tilespmem:s22], [sflag:$0x5], $0x8, s14, s23, $0xb8;
	[tilespmem:$0x185C0] =	vst v63  }
0x123: {  	s15 =	simm.s32 $0x2B00  }
0x124: {  	[tilespmem:s29], [sflag:$0x3] =	stream.indirect.gather [hbm4b:s7+s23], $0x40, s15, s23, $0xb8;
	[tilespmem:$0x185C0] =	vst v63  }
0x125: {  	_ =	swait.ge [sflag:s9], $0x2000  }
0x126: {  	[sflag:s9] =	ssyncset.done $0x0  }
0x127: {  	s14 =	simm.s32 $0x180;
	[sflag:s9] =	ssyncadd.s32 $0xFFFFE000  }
0x128: {  	[spmem:s3] =	stream.indirect.scatter.add.f32 [tilespmem:s31], [sflag:$0x6], $0x40, s14, s23, $0xb8;
	[tilespmem:$0x185C0] =	vst v63  }
0x129: {  	_ =	swait.ge [sflag:s19], $0x2000  }
0x12a: {  	s13 =	simm.s32 $0x800;
	[sflag:s19] =	ssyncset.done $0x0  }
0x12b: {  	s15 =	simm.s32 $0x2980;
	s14 =	simm.s32 $0x2B80;
	[sflag:s19] =	ssyncadd.s32 $0xFFFFE000  }
0x12c: {  	[spmem:s4] =	stream.indirect.scatter.add.f32 [tilespmem:s22], [sflag:$0x5], $0x8, s15, s23, $0xb8;
	[tilespmem:$0x185C0] =	vst v63  }
.LBB2_6:
0x12d: {  	[tilespmem:s31], [sflag:$0x4] =	stream.indirect.gather [hbm4b:s7+s23], $0x40, s14, s23, $0xb8;
	[tilespmem:$0x185C0] =	vst v63  }
0x12e: {  	s14 =	smov.u32 s13  }
0x12f: {  	p0 =	sne.s32 s13, $0x8800;
	s13 =	sadd.s32 $0x800, s13;
	_ =	swait.ge [sflag:s2], $0x2000  }
0x130: {  	[sflag:s2] =	ssyncset.done $0x0  }
0x131: {  	s14 =	sshra.s32 s14, $0x2;
	[sflag:s2] =	ssyncadd.s32 $0xFFFFE000  }
0x132: {  	[spmem:s3] =	stream.indirect.scatter.add.f32 [tilespmem:s24], [sflag:$0x6], $0x40, s14, s23, $0xb8;
	[tilespmem:$0x185C0] =	vst v63  }
0x133: {  	_ =	swait.ge [sflag:s19], $0x2000  }
0x134: {  	[sflag:s19] =	ssyncset.done $0x0  }
0x135: {  	s15 =	sadd.s32 $0x2800, s14;
	[sflag:s19] =	ssyncadd.s32 $0xFFFFE000  }
0x136: {  	[spmem:s4] =	stream.indirect.scatter.add.f32 [tilespmem:s22], [sflag:$0x5], $0x8, s15, s23, $0xb8;
	[tilespmem:$0x185C0] =	vst v63  }
0x137: {  	s15 =	sadd.s32 $0x2A00, s14  }
0x138: {  	[tilespmem:s24], [sflag:$0x1] =	stream.indirect.gather [hbm4b:s7+s23], $0x40, s15, s23, $0xb8;
	[tilespmem:$0x185C0] =	vst v63  }
0x139: {  	_ =	swait.ge [sflag:s0], $0x2000  }
0x13a: {  	[sflag:s0] =	ssyncset.done $0x0  }
0x13b: {  	s15 =	sadd.s32 $0x80, s14;
	[sflag:s0] =	ssyncadd.s32 $0xFFFFE000  }
0x13c: {  	[spmem:s3] =	stream.indirect.scatter.add.f32 [tilespmem:s26], [sflag:$0x6], $0x40, s15, s23, $0xb8;
	[tilespmem:$0x185C0] =	vst v63  }
0x13d: {  	_ =	swait.ge [sflag:s19], $0x2000  }
0x13e: {  	[sflag:s19] =	ssyncset.done $0x0  }
0x13f: {  	s15 =	sadd.s32 $0x2880, s14;
	[sflag:s19] =	ssyncadd.s32 $0xFFFFE000  }
0x140: {  	[spmem:s4] =	stream.indirect.scatter.add.f32 [tilespmem:s22], [sflag:$0x5], $0x8, s15, s23, $0xb8;
	[tilespmem:$0x185C0] =	vst v63  }
0x141: {  	s15 =	sadd.s32 $0x2A80, s14  }
0x142: {  	[tilespmem:s26], [sflag:$0x2] =	stream.indirect.gather [hbm4b:s7+s23], $0x40, s15, s23, $0xb8;
	[tilespmem:$0x185C0] =	vst v63  }
0x143: {  	_ =	swait.ge [sflag:s1], $0x2000  }
0x144: {  	[sflag:s1] =	ssyncset.done $0x0  }
0x145: {  	s15 =	sadd.s32 $0x100, s14;
	[sflag:s1] =	ssyncadd.s32 $0xFFFFE000  }
0x146: {  	[spmem:s3] =	stream.indirect.scatter.add.f32 [tilespmem:s29], [sflag:$0x6], $0x40, s15, s23, $0xb8;
	[tilespmem:$0x185C0] =	vst v63  }
0x147: {  	_ =	swait.ge [sflag:s19], $0x2000  }
0x148: {  	[sflag:s19] =	ssyncset.done $0x0  }
0x149: {  	s15 =	sadd.s32 $0x2900, s14;
	[sflag:s19] =	ssyncadd.s32 $0xFFFFE000  }
0x14a: {  	[spmem:s4] =	stream.indirect.scatter.add.f32 [tilespmem:s22], [sflag:$0x5], $0x8, s15, s23, $0xb8;
	[tilespmem:$0x185C0] =	vst v63  }
0x14b: {  	s15 =	sadd.s32 $0x2B00, s14  }
0x14c: {  	[tilespmem:s29], [sflag:$0x3] =	stream.indirect.gather [hbm4b:s7+s23], $0x40, s15, s23, $0xb8;
	[tilespmem:$0x185C0] =	vst v63  }
0x14d: {  	_ =	swait.ge [sflag:s9], $0x2000  }
0x14e: {  	[sflag:s9] =	ssyncset.done $0x0  }
0x14f: {  	s15 =	sadd.s32 $0x180, s14;
	[sflag:s9] =	ssyncadd.s32 $0xFFFFE000  }
0x150: {  	[spmem:s3] =	stream.indirect.scatter.add.f32 [tilespmem:s31], [sflag:$0x6], $0x40, s15, s23, $0xb8;
	[tilespmem:$0x185C0] =	vst v63  }
.Ltmp2:
0x151: {  	_ =	swait.ge [sflag:s19], $0x2000;
	(pc) =	sbr.rel @p0 .LBB2_6-.Ltmp2, $4  }
0x152: {  	[sflag:s19] =	ssyncset.done $0x0  }
0x153: {  	s15 =	sadd.s32 $0x2980, s14;
	[sflag:s19] =	ssyncadd.s32 $0xFFFFE000  }
0x154: {  	[spmem:s4] =	stream.indirect.scatter.add.f32 [tilespmem:s22], [sflag:$0x5], $0x8, s15, s23, $0xb8;
	[tilespmem:$0x185C0] =	vst v63  }
0x155: {  	s14 =	sadd.s32 $0x2B80, s14  }
0x156: {  	[tilespmem:s31], [sflag:$0x4] =	stream.indirect.gather [hbm4b:s7+s23], $0x40, s14, s23, $0xb8;
	[tilespmem:$0x185C0] =	vst v63  }
0x157: {  	_ =	swait.ge [sflag:s2], $0x2000  }
0x158: {  	[sflag:s2] =	ssyncset.done $0x0  }
0x159: {  	[sflag:s2] =	ssyncadd.s32 $0xFFFFE000  }
0x15a: {  	[spmem:s3] =	stream.indirect.scatter.add.f32 [tilespmem:s24], [sflag:$0x6], $0x40, s16, s23, $0xb8;
	[tilespmem:$0x185C0] =	vst v63  }
0x15b: {  	_ =	swait.ge [sflag:s19], $0x2000  }
0x15c: {  	[sflag:s19] =	ssyncset.done $0x0  }
0x15d: {  	s13 =	simm.s32 $0x4C00;
	[sflag:s19] =	ssyncadd.s32 $0xFFFFE000  }
0x15e: {  	[spmem:s4] =	stream.indirect.scatter.add.f32 [tilespmem:s22], [sflag:$0x5], $0x8, s13, s23, $0xb8;
	[tilespmem:$0x185C0] =	vst v63  }
0x15f: {  	s13 =	simm.s32 $0x4E00  }
0x160: {  	[tilespmem:s24], [sflag:$0x1] =	stream.indirect.gather [hbm4b:s7+s23], $0x40, s13, s23, $0xb8;
	[tilespmem:$0x185C0] =	vst v63  }
0x161: {  	_ =	swait.ge [sflag:s0], $0x2000  }
0x162: {  	[sflag:s0] =	ssyncset.done $0x0  }
0x163: {  	[sflag:s0] =	ssyncadd.s32 $0xFFFFE000  }
0x164: {  	[spmem:s3] =	stream.indirect.scatter.add.f32 [tilespmem:s26], [sflag:$0x6], $0x40, s28, s23, $0xb8;
	[tilespmem:$0x185C0] =	vst v63  }
0x165: {  	_ =	swait.ge [sflag:s19], $0x2000  }
0x166: {  	[sflag:s19] =	ssyncset.done $0x0  }
0x167: {  	s15 =	simm.s32 $0x4C80;
	[sflag:s19] =	ssyncadd.s32 $0xFFFFE000  }
0x168: {  	[spmem:s4] =	stream.indirect.scatter.add.f32 [tilespmem:s22], [sflag:$0x5], $0x8, s15, s23, $0xb8;
	[tilespmem:$0x185C0] =	vst v63  }
0x169: {  	s14 =	simm.s32 $0x4E80  }
0x16a: {  	[tilespmem:s26], [sflag:$0x2] =	stream.indirect.gather [hbm4b:s7+s23], $0x40, s14, s23, $0xb8;
	[tilespmem:$0x185C0] =	vst v63  }
0x16b: {  	_ =	swait.ge [sflag:s1], $0x2000  }
0x16c: {  	[sflag:s1] =	ssyncset.done $0x0  }
0x16d: {  	[sflag:s1] =	ssyncadd.s32 $0xFFFFE000  }
0x16e: {  	[spmem:s3] =	stream.indirect.scatter.add.f32 [tilespmem:s29], [sflag:$0x6], $0x40, s30, s23, $0xb8;
	[tilespmem:$0x185C0] =	vst v63  }
0x16f: {  	_ =	swait.ge [sflag:s19], $0x2000  }
0x170: {  	[sflag:s19] =	ssyncset.done $0x0  }
0x171: {  	s15 =	simm.s32 $0x4D00;
	[sflag:s19] =	ssyncadd.s32 $0xFFFFE000  }
0x172: {  	[spmem:s4] =	stream.indirect.scatter.add.f32 [tilespmem:s22], [sflag:$0x5], $0x8, s15, s23, $0xb8;
	[tilespmem:$0x185C0] =	vst v63  }
0x173: {  	s15 =	simm.s32 $0x4F00  }
0x174: {  	[tilespmem:s29], [sflag:$0x3] =	stream.indirect.gather [hbm4b:s7+s23], $0x40, s15, s23, $0xb8;
	[tilespmem:$0x185C0] =	vst v63  }
0x175: {  	_ =	swait.ge [sflag:s9], $0x2000  }
0x176: {  	[sflag:s9] =	ssyncset.done $0x0  }
0x177: {  	[sflag:s9] =	ssyncadd.s32 $0xFFFFE000  }
0x178: {  	[spmem:s3] =	stream.indirect.scatter.add.f32 [tilespmem:s31], [sflag:$0x6], $0x40, s5, s23, $0xb8;
	[tilespmem:$0x185C0] =	vst v63  }
0x179: {  	_ =	swait.ge [sflag:s19], $0x2000  }
0x17a: {  	[sflag:s19] =	ssyncset.done $0x0  }
0x17b: {  	s5 =	simm.s32 $0x4D80;
	[sflag:s19] =	ssyncadd.s32 $0xFFFFE000  }
0x17c: {  	[spmem:s4] =	stream.indirect.scatter.add.f32 [tilespmem:s22], [sflag:$0x5], $0x8, s5, s23, $0xb8;
	[tilespmem:$0x185C0] =	vst v63  }
0x17d: {  	_ = 	snop  }
0x17e: {  	[tilespmem:s31], [sflag:$0x4] =	stream.indirect.gather [hbm4b:s7+s23], $0x40, s17, s23, $0xb8;
	[tilespmem:$0x185C0] =	vst v63  }
0x17f: {  	_ =	swait.ge [sflag:s2], $0x2000  }
0x180: {  	[sflag:s2] =	ssyncset.done $0x0  }
0x181: {  	[sflag:s2] =	ssyncadd.s32 $0xFFFFE000  }
0x182: {  	[spmem:s3] =	stream.indirect.scatter.add.f32 [tilespmem:s24], [sflag:$0x6], $0x40, s21, s23, $0xb8;
	[tilespmem:$0x185C0] =	vst v63  }
0x183: {  	_ =	swait.ge [sflag:s19], $0x2000  }
0x184: {  	[sflag:s19] =	ssyncset.done $0x0  }
0x185: {  	[sflag:s19] =	ssyncadd.s32 $0xFFFFE000  }
0x186: {  	[spmem:s4] =	stream.indirect.scatter.add.f32 [tilespmem:s22], [sflag:$0x5], $0x8, s13, s23, $0xb8;
	[tilespmem:$0x185C0] =	vst v63  }
0x187: {  	_ = 	snop  }
0x188: {  	[tilespmem:s24], [sflag:$0x1] =	stream.indirect.gather [hbm4b:s7+s23], $0x40, s17, s23, $0xb8;
	[tilespmem:$0x185C0] =	vst v63  }
0x189: {  	_ =	swait.ge [sflag:s0], $0x2000  }
0x18a: {  	[sflag:s0] =	ssyncset.done $0x0  }
0x18b: {  	[sflag:s0] =	ssyncadd.s32 $0xFFFFE000  }
0x18c: {  	[spmem:s3] =	stream.indirect.scatter.add.f32 [tilespmem:s26], [sflag:$0x6], $0x40, s8, s23, $0xb8;
	[tilespmem:$0x185C0] =	vst v63  }
0x18d: {  	_ =	swait.ge [sflag:s19], $0x2000  }
0x18e: {  	[sflag:s19] =	ssyncset.done $0x0  }
0x18f: {  	[sflag:s19] =	ssyncadd.s32 $0xFFFFE000  }
0x190: {  	[spmem:s4] =	stream.indirect.scatter.add.f32 [tilespmem:s22], [sflag:$0x5], $0x8, s14, s23, $0xb8;
	[tilespmem:$0x185C0] =	vst v63  }
0x191: {  	_ = 	snop  }
0x192: {  	[tilespmem:s26], [sflag:$0x2] =	stream.indirect.gather [hbm4b:s7+s23], $0x40, s17, s23, $0xb8;
	[tilespmem:$0x185C0] =	vst v63  }
0x193: {  	_ =	swait.ge [sflag:s1], $0x2000  }
0x194: {  	[sflag:s1] =	ssyncset.done $0x0  }
0x195: {  	s14 =	simm.s32 $0x2700;
	[sflag:s1] =	ssyncadd.s32 $0xFFFFE000  }
0x196: {  	[spmem:s3] =	stream.indirect.scatter.add.f32 [tilespmem:s29], [sflag:$0x6], $0x40, s14, s23, $0xb8;
	[tilespmem:$0x185C0] =	vst v63  }
0x197: {  	_ =	swait.ge [sflag:s19], $0x2000  }
0x198: {  	[sflag:s19] =	ssyncset.done $0x0  }
0x199: {  	[sflag:s19] =	ssyncadd.s32 $0xFFFFE000  }
0x19a: {  	[spmem:s4] =	stream.indirect.scatter.add.f32 [tilespmem:s22], [sflag:$0x5], $0x8, s15, s23, $0xb8;
	[tilespmem:$0x185C0] =	vst v63  }
0x19b: {  	_ = 	snop  }
0x19c: {  	[tilespmem:s29], [sflag:$0x3] =	stream.indirect.gather [hbm4b:s7+s23], $0x40, s17, s23, $0xb8;
	[tilespmem:$0x185C0] =	vst v63  }
0x19d: {  	_ =	swait.ge [sflag:s9], $0x2000  }
0x19e: {  	[sflag:s9] =	ssyncset.done $0x0  }
0x19f: {  	s15 =	simm.s32 $0x2780;
	[sflag:s9] =	ssyncadd.s32 $0xFFFFE000  }
0x1a0: {  	[spmem:s3] =	stream.indirect.scatter.add.f32 [tilespmem:s31], [sflag:$0x6], $0x40, s15, s23, $0xb8;
	[tilespmem:$0x185C0] =	vst v63  }
0x1a1: {  	_ =	swait.ge [sflag:s19], $0x2000  }
0x1a2: {  	[sflag:s19] =	ssyncset.done $0x0  }
0x1a3: {  	[sflag:s19] =	ssyncadd.s32 $0xFFFFE000  }
0x1a4: {  	[spmem:s4] =	stream.indirect.scatter.add.f32 [tilespmem:s22], [sflag:$0x5], $0x8, s17, s23, $0xb8;
	[tilespmem:$0x185C0] =	vst v63  }
0x1a5: {  	_ = 	snop  }
0x1a6: {  	[tilespmem:s31], [sflag:$0x4] =	stream.indirect.gather [hbm4b:s7+s23], $0x40, s17, s23, $0xb8;
	[tilespmem:$0x185C0] =	vst v63  }
0x1a7: {  	_ =	swait.ge [sflag:s2], $0x2000  }
0x1a8: {  	[sflag:s2] =	ssyncset.done $0x0  }
0x1a9: {  	[sflag:s2] =	ssyncadd.s32 $0xFFFFE000  }
0x1aa: {  	_ =	swait.ge [sflag:s0], $0x2000  }
0x1ab: {  	[sflag:s0] =	ssyncset.done $0x0  }
0x1ac: {  	[sflag:s0] =	ssyncadd.s32 $0xFFFFE000  }
0x1ad: {  	_ =	swait.ge [sflag:s1], $0x2000  }
0x1ae: {  	[sflag:s1] =	ssyncset.done $0x0  }
0x1af: {  	[sflag:s1] =	ssyncadd.s32 $0xFFFFE000  }
0x1b0: {  	_ =	swait.ge [sflag:s9], $0x2000  }
0x1b1: {  	[sflag:s9] =	ssyncset.done $0x0  }
0x1b2: {  	[sflag:s9] =	ssyncadd.s32 $0xFFFFE000  }
0x1b3: {  	s28 =	simm.s32 $0x4E00;
	s30 =	simm.s32 $0x4E80;
	_ =	swait.ge [sflag:s11], $0x400  }
0x1b4: {  	s5 =	simm.s32 $0x4F00;
	s13 =	simm.s32 $0x4F;
	[sflag:s11] =	ssyncset.done $0x0  }
.LBB2_8:
0x1b5: {  	p0 =	sne.s32 s13, $0x1;
	s13 =	sadd.s32 $0xFFFFFFFF, s13;
	[sflag:s11] =	ssyncadd.s32 $0xFFFFFC00  }
.Ltmp3:
0x1b6: {  	(pc) =	sbr.rel @p0 .LBB2_8-.Ltmp3, $3  }
0x1b7: {  	_ =	sdelay $0x1  }
0x1b8: {  	_ =	swait.ge [sflag:s11], $0x400  }
0x1b9: {  	[sflag:s11] =	ssyncset.done $0x0  }
0x1ba: {  	[sflag:s11] =	ssyncadd.s32 $0xFFFFFC00  }
0x1bb: {  	[bflag:$0x0] =	sbarrier.arrive $0xFFFF  }
0x1bc: {  	s13 =	rddreg [dreg:$0xa]  }
0x1bd: {  	[hbm:s13], [sflag:s10] =	dma.local [spmem:s18], $0x13C0  }
0x1be: {  	_ =	swait.ge [sflag:s19], $0x13C0  }
0x1bf: {  	[sflag:s19] =	ssyncset.done $0x0  }
0x1c0: {  	s14 =	rddreg [dreg:$0xb];
	[sflag:s19] =	ssyncadd.s32 $0xFFFFEC40  }
0x1c1: {  	[hbm:s14], [sflag:s10] =	dma.local [spmem:s20], $0x278  }
0x1c2: {  	_ =	swait.ge [sflag:s19], $0x278  }
0x1c3: {  	s12 =	sadd.s32 $0x1, s12;
	s15 =	rddreg [dreg:$0xc]  }
0x1c4: {  	p0 =	sne.s32 s12, s15  }
.Ltmp4:
0x1c5: {  	_ = 	snop;
	(pc) =	sbr.rel @p0 .LBB2_1-.Ltmp4, $3  }
0x1c6: {  	_ =	sdelay $0x1  }
0x1c7: {  	[sflag:s19] =	ssyncset.done $0x0  }
0x1c8: {  	[sflag:s19] =	ssyncadd.s32 $0xFFFFFD88  }
0x1c9: {  	_ =	sfence.sel $0x180000  }
0x1ca: {  	[bflag:$0x0] =	sbarrier.arrive $0xFFFF  }
0x1cb: {  	_ =	strace $0x90000047  }
0x1cc: {  	s0 =	stileid.u32;
	[bflag:$0x2] =	sbarrier.arrive $0xFFFF  }
0x1cd: {  	p0 =	sne.s32 s0, $0x0;
	s0 =	rddreg [dreg:$0x4]  }
0x1ce: {  	s0 =	sadd.s32 @!p0 $0x100000, s0  }
0x1cf: {  	[sflag:s0] =	ssyncadd.tile.s32 @!p0 $0x1;
	_ =	shalt  }
.Lfunc_end2:
_tile_overlayer_lowered:
.L_overlay_start_2:
0x1d0: {  	(tag) =	ssettag $0x2  }
0x1d1: {  	s0 =	rddreg [dreg:$0x0];
	s2 =	stileid.u32  }
0x1d2: {  	s1 =	rddreg [dreg:$0x1];
	p0 =	sne.s32 s2, $0x0  }
0x1d3: {  	s3 =	rddreg [dreg:$0x2];
	[bflag:$0x3] =	sbarrier.arrive $0xFFFF;
	s2 =	simm.s32 @!p0 $0x1C06  }
0x1d4: {  	[timem:s3], [sflag:s2] =	dma.local @!p0 [hbm:s0], s1  }
0x1d5: {  	s0 =	simm.s32 @!p0 $0x6  }
0x1d6: {  	_ =	swait.ge @!p0 [sflag:s0], s1  }
0x1d7: {  	s1 =	ssub.s32 @!p0 $0x0, s1;
	[sflag:s0] =	ssyncset.done @!p0 $0x0  }
0x1d8: {  	[sflag:s0] =	ssyncadd.s32 @!p0 s1  }
0x1d9: {  	[bflag:$0x3] =	sbarrier.arrive $0xFFFF  }
0x1da: {  	_ =	shalt  }

// kernel: kernel.9.cloned.1.call-start
scs
__scs_entry_jumppad:
0x0: {  	(pc) =	sbr.rel $0x88, $3  }
0x1: {  	(tag) =	ssettag $0x0;
	lr =	simm.s32 $0x1  }
0x2: {  	[smem:$0x3F92] =	sst lr;
	_ =	strace $0xD0000000  }
0x3: {  	_ = 	snop  }
0x4: {  	_ = 	snop  }
0x5: {  	_ = 	snop  }
0x6: {  	_ = 	snop  }
0x7: {  	_ = 	snop  }
__scs_overlays_trampoline_lowered:
0x8: {  	[smem:$0x3FA1] =	sst s0  }
0x9: {  	[smem:$0x3FA2] =	sst s1  }
0xa: {  	[smem:$0x3FA3] =	sst s2  }
0xb: {  	[smem:$0x3FA4] =	sst s3  }
0xc: {  	[smem:$0x3FA5] =	sst s4  }
0xd: {  	[smem:$0x3FA6] =	sst s5  }
0xe: {  	[smem:$0x3FA7] =	sst s6  }
0xf: {  	[smem:$0x3FA8] =	sst s7  }
0x10: {  	[smem:$0x3FA9] =	sst s8  }
0x11: {  	[smem:$0x3FAA] =	sst s9;
	s0 =	simm.s32 @!p0 $0x0  }
0x12: {  	s1 =	sld [smem:$0x3F90];
	s0 =	simm.s32 @p0 $0x1  }
0x13: {  	[smem:$0x3FAB] =	sst s0;
	s0 =	simm.s32 @!p1 $0x0  }
0x14: {  	s2 =	sld [smem:$0x3F8F];
	s0 =	simm.s32 @p1 $0x1  }
0x15: {  	[smem:$0x3FAC] =	sst s0;
	s0 =	simm.s32 @!p2 $0x0  }
0x16: {  	s3 =	sld [smem:$0x3FDB];
	s0 =	simm.s32 @p2 $0x1  }
0x17: {  	s4 =	simm.s32 $0x1BF5;
	[smem:$0x3FAE] =	sst s0  }
0x18: {  	s0 =	sld [smem:$0x3F91];
	_ =	swait.ge [sflag:s4], $0x0  }
0x19: {  	s7 =	sld [smem:$0x3F92]  }
0x1a: {  	s8 =	sadd.s32 $0xFFFFE003, lr  }
0x1b: {  	s9 =	sadd.s32 $0xFFFFFEF7, lr;
	s5 =	simm.s32 $0xFFFFFFFF;
	p2 =	slt.u32 s8, $0xFFFFF086  }
0x1c: {  	p1 =	slt.u32 s9, $0xF7A;
	s5 =	simm.s32 @!p2 $0x0  }
0x1d: {  	s5 =	simm.s32 @p1 $0x1;
	p0 =	seq.s32 s7, s2  }
0x1e: {  	s7 =	smul.u32 @!p0 $0xF7A, s2;
	p2 =	seq.s32 @!p0 s5, $0x0  }
0x1f: {  	s9 =	smul.u32 $0xF7A, s1;
	s8 =	simm.s32 @!p0 $0x1BF5;
	p2 =	por !p2, p0  }
0x20: {  	[sflag:s8] =	ssyncset.s32 @!p0 $0xFFFFF086;
	s6 =	sadd.s32 @!p0 s3, s7;
	s7 =	simm.s32 @!p0 $0x108  }
0x21: {  	s3 =	sadd.s32 s3, s9;
	s6 =	sadd.s32 @!p0 $0x88, s6;
	s7 =	simm.s32 @p2 $0x1082  }
0x22: {  	[simem:s7], [sflag:s8] =	dma.local @!p0 [hbm:s6], $0xF7A  }
0x23: {  	s9 =	sor.u32 $0xD0000000, s2;
	s6 =	simm.s32 $0x108;
	_ =	swait.ge @!p0 [sflag:s8], $0x0  }
0x24: {  	s3 =	sadd.s32 $0x88, s3;
	s6 =	simm.s32 @!p1 $0x1082;
	[sflag:s4] =	ssyncset.s32 $0xFFFFF086  }
0x25: {  	[simem:s6], [sflag:s4] =	dma.local [hbm:s3], $0xF7A  }
0x26: {  	[smem:$0x3F92] =	sst s1;
	(tag) =	ssettag s2;
	_ =	strace s9  }
0x27: {  	s1 =	sld [smem:$0x3FA2]  }
0x28: {  	s2 =	sld [smem:$0x3FA3]  }
0x29: {  	s4 =	sld [smem:$0x3FA5]  }
0x2a: {  	p0 =	seq.s32 s5, $0x0;
	s5 =	sld [smem:$0x3FA6]  }
0x2b: {  	s6 =	sld [smem:$0x3FA7]  }
0x2c: {  	s7 =	sld [smem:$0x3FA8]  }
0x2d: {  	s3 =	simm.s32 $0x108;
	s8 =	sld [smem:$0x3FA9]  }
0x2e: {  	s3 =	simm.s32 @!p0 $0x1082;
	s9 =	sld [smem:$0x3FAA]  }
0x2f: {  	lr =	sadd.s32 s0, s3;
	s0 =	sld [smem:$0x3FA1]  }
0x30: {  	s3 =	sld [smem:$0x3FA4]  }
0x31: {  	[smem:$0x3FAD] =	sst s10  }
0x32: {  	s10 =	sld [smem:$0x3FAB];
	_ =	sdelay $0x3  }
0x33: {  	p0 =	seq.s32 s10, $0x1;
	s10 =	sld [smem:$0x3FAD];
	_ =	sdelay $0x3  }
0x34: {  	[smem:$0x3FAD] =	sst s10  }
0x35: {  	s10 =	sld [smem:$0x3FAC];
	_ =	sdelay $0x3  }
0x36: {  	p1 =	seq.s32 s10, $0x1;
	s10 =	sld [smem:$0x3FAD];
	_ =	sdelay $0x3  }
0x37: {  	[smem:$0x3FAD] =	sst s10  }
0x38: {  	s10 =	sld [smem:$0x3FAE]  }
0x39: {  	_ = 	snop;
	(pc) =	sbr.ind lr, $3  }
0x3a: {  	_ = 	snop  }
0x3b: {  	_ = 	snop  }
0x3c: {  	p2 =	seq.s32 s10, $0x1;
	s10 =	sld [smem:$0x3FAD]  }
0x3d: {  	_ =	shalt  }
0x3e: {  	_ =	shalt  }
0x3f: {  	_ =	shalt  }
0x40: {  	_ =	shalt  }
0x41: {  	_ =	shalt  }
0x42: {  	_ =	shalt  }
0x43: {  	_ =	shalt  }
0x44: {  	_ =	shalt  }
0x45: {  	_ =	shalt  }
0x46: {  	_ =	shalt  }
0x47: {  	_ =	shalt  }
0x48: {  	_ =	shalt  }
0x49: {  	_ =	shalt  }
0x4a: {  	_ =	shalt  }
0x4b: {  	_ =	shalt  }
0x4c: {  	_ =	shalt  }
0x4d: {  	_ =	shalt  }
0x4e: {  	_ =	shalt  }
0x4f: {  	_ =	shalt  }
0x50: {  	_ =	shalt  }
0x51: {  	_ =	shalt  }
0x52: {  	_ =	shalt  }
0x53: {  	_ =	shalt  }
0x54: {  	_ =	shalt  }
0x55: {  	_ =	shalt  }
0x56: {  	_ =	shalt  }
0x57: {  	_ =	shalt  }
0x58: {  	_ =	shalt  }
0x59: {  	_ =	shalt  }
0x5a: {  	_ =	shalt  }
0x5b: {  	_ =	shalt  }
0x5c: {  	_ =	shalt  }
0x5d: {  	_ =	shalt  }
0x5e: {  	_ =	shalt  }
0x5f: {  	_ =	shalt  }
0x60: {  	_ =	shalt  }
0x61: {  	_ =	shalt  }
0x62: {  	_ =	shalt  }
0x63: {  	_ =	shalt  }
0x64: {  	_ =	shalt  }
0x65: {  	_ =	shalt  }
0x66: {  	_ =	shalt  }
0x67: {  	_ =	shalt  }
0x68: {  	_ =	shalt  }
0x69: {  	_ =	shalt  }
0x6a: {  	_ =	shalt  }
0x6b: {  	_ =	shalt  }
0x6c: {  	_ =	shalt  }
0x6d: {  	_ =	shalt  }
0x6e: {  	_ =	shalt  }
0x6f: {  	_ =	shalt  }
0x70: {  	_ =	shalt  }
0x71: {  	_ =	shalt  }
0x72: {  	_ =	shalt  }
0x73: {  	_ =	shalt  }
0x74: {  	_ =	shalt  }
0x75: {  	_ =	shalt  }
0x76: {  	_ =	shalt  }
0x77: {  	_ =	shalt  }
0x78: {  	_ =	shalt  }
0x79: {  	_ =	shalt  }
0x7a: {  	_ =	shalt  }
0x7b: {  	_ =	shalt  }
0x7c: {  	_ =	shalt  }
0x7d: {  	_ =	shalt  }
0x7e: {  	_ =	shalt  }
0x7f: {  	_ =	shalt  }
0x80: {  	_ =	shalt  }
0x81: {  	_ =	shalt  }
0x82: {  	_ =	shalt  }
0x83: {  	_ =	shalt  }
0x84: {  	_ =	shalt  }
0x85: {  	_ =	shalt  }
0x86: {  	_ =	shalt  }
0x87: {  	_ =	shalt  }
.Lfunc_end0:
.L_simem_size_0:
called_computation.1_lowered:
.L_overlay_start_0:
0x88: {  	s2 =	sld [smem:$0x3FD9]  }
0x89: {  	s3 =	sld [smem:$0x3FFE];
	_ =	sdelay $0x1  }
0x8a: {  	s1 =	srdreg.scid  }
0x8b: {  	s0 =	sand.u32 $0x1, s1  }
0x8c: {  	s17 =	sshll.u32 s0, $0xA;
	s2 =	sadd.s32 s3, s2  }
0x8d: {  	s2 =	sadd.s32 s2, s17  }
0x8e: {  	[smem:$0x3FB9] =	sst s2  }
0x8f: {  	_ = 	snop  }
0x90: {  	s2 =	sld [smem:$0x3FD0];
	(tm) =	ssettm $0x1  }
0x91: {  	s18 =	sld [smem:$0x3FFB];
	_ =	sdelay $0x3  }
0x92: {  	_ =	strace s18  }
0x93: {  	s3 =	sld [smem:$0x3FFC];
	_ =	sdelay $0x3  }
0x94: {  	_ =	strace s3  }
0x95: {  	s3 =	sld [smem:$0x3FFD];
	_ =	sdelay $0x3  }
0x96: {  	_ =	strace s3  }
0x97: {  	_ =	strace $0x8FFFFFFF  }
0x98: {  	s19 =	sld [smem:$0x3FDB];
	_ =	sdelay $0x1  }
0x99: {  	s4 =	simm.s32 $_scs_section_size  }
0x9a: {  	s5 =	simm.s32 $_size__tile_overlayer_lowered;
	s6 =	simm.s32 $_tile_overlayer_lowered  }
0x9b: {  	s22 =	simm.s32 $0x1BFF;
	s21 =	sshll.u32 s6, $0x1;
	s3 =	sadd.s32 s4, s19  }
0x9c: {  	s7 =	simm.s32 $0x0;
	s20 =	sshll.u32 s5, $0x1;
	s5 =	sadd.s32 s21, s3  }
0x9d: {  	[timem:s7], [sflag:s22] =	dma.local [hbm:s5], s20  }
0x9e: {  	_ =	swait.ge [sflag:s22], s20  }
0x9f: {  	s4 =	ssub.s32 $0x0, s20;
	[sflag:s22] =	ssyncset.done $0x0  }
0xa0: {  	[sflag:s22] =	ssyncadd.s32 s4;
	_ =	sdelay $0x1  }
0xa1: {  	s23 =	simm.s32 $0x1B8B  }
0xa2: {  	_ =	swait.ge [sflag:s23], $0x1  }
0xa3: {  	[sflag:s23] =	ssyncset.done $0x0  }
0xa4: {  	s25 =	simm.s32 $0x1B8E;
	s24 =	sld [smem:$0x3FFE];
	[sflag:s23] =	ssyncadd.s32 $0xFFFFFFFF  }
0xa5: {  	s26 =	simm.s32 $execute0_lowered;
	[smem:$0x3FD2] =	sst s25  }
0xa6: {  	s5 =	sshll.u32 s26, $0x1;
	_ =	strace $0x80000049;
	[dreg:$0x1] =	wrdreg $0xFFFFFFFF  }
0xa7: {  	s28 =	simm.s32 $_size_execute0_lowered;
	s3 =	sadd.s32 s3, s5;
	[dreg:$0x0] =	wrdreg $0x0  }
0xa8: {  	s5 =	sshll.u32 s28, $0x1;
	[dreg:$0x2] =	wrdreg s3  }
0xa9: {  	[dreg:$0x3] =	wrdreg s5  }
0xaa: {  	[dreg:$0x4] =	wrdreg $0xC0  }
0xab: {  	_ =	task [dreg:s7], $0x5FFFF  }
0xac: {  	[dreg:$0x1] =	wrdreg $0xFFFFFFFF  }
0xad: {  	[dreg:$0x0] =	wrdreg $0x60  }
0xae: {  	[dreg:$0x2] =	wrdreg s24  }
0xaf: {  	[dreg:$0x3] =	wrdreg s2  }
0xb0: {  	[dreg:$0x4] =	wrdreg $0x70000  }
0xb1: {  	[dreg:$0x5] =	wrdreg $0x9  }
0xb2: {  	_ =	task.clear_ibuf [dreg:s7], $0x6FFFF;
	_ =	strace $0x90000049  }
0xb3: {  	s29 =	simm.s32 $0x9;
	_ =	strace $0x8000004B  }
0xb4: {  	_ =	swait.ge [sflag:s29], $0x1  }
0xb5: {  	[sflag:s29] =	ssyncadd.s32 $0xFFFFFFFF  }
0xb6: {  	_ =	strace $0x9000004B  }
0xb7: {  	_ =	sfence  }
0xb8: {  	s30 =	sld [smem:$0x0];
	_ =	sdelay $0x2  }
0xb9: {  	s31 =	sshll.u32 s1, $0xD;
	s1 =	sshrl.u32 s1, $0x2  }
0xba: {  	s3 =	sand.u32 $0x4000, s31;
	s1 =	sadd.s32 s1, s30  }
0xbb: {  	s0 =	sor.u32 s3, s0;
	s1 =	sshll.u32 s1, $0x11  }
0xbc: {  	s0 =	sor.u32 s1, s0  }
0xbd: {  	s0 =	sadd.s32 $0x8F2B, s0  }
0xbe: {  	[sflag:s0] =	ssyncadd.remote.s32 $0x1  }
0xbf: {  	_ =	sfence.sel $0xFFFF  }
0xc0: {  	[dreg:$0x0] =	wrdreg $0xFFFFFFFF;
	(pc) =	sbr.abs _section_cstart, $3  }
0xc1: {  	[dreg:$0x1] =	wrdreg $0xFFFFFFFF  }
0xc2: {  	_ =	task.clear_ibuf [dreg:s7], $0x2FFFF;
	_ =	strace $0x9FFFFFFF  }
0xc3: {  	(tm) =	ssettm $0x7FFFFFFF  }
tec
execute0_lowered:
.L_overlay_start_1:
0x0: {  	(tag) =	ssettag $0x1  }
0x1: {  	s0 =	rddreg [dreg:$0x0]  }
0x2: {  	s3 =	rddreg [dreg:$0x2];
	s4 =	simm.s32 $0x0  }
0x3: {  	s1 =	srdreg.scid;
	s9 =	stileid.u32;
	s12 =	simm.s32 $0x5  }
0x4: {  	s14 =	simm.s32 $0x80;
	s15 =	simm.s32 $0x5000;
	s16 =	simm.s32 $0x5800  }
0x5: {  	s18 =	simm.s32 $0x6000;
	s20 =	simm.s32 $0x6800;
	s21 =	simm.s32 $0x1  }
0x6: {  	s22 =	simm.s32 $0x2;
	s23 =	simm.s32 $0x3;
	s24 =	simm.s32 $0x4  }
0x7: {  	s30 =	simm.s32 $0x4D00;
	s31 =	simm.s32 $0x2700;
	s13 =	simm.s32 $0x4E80  }
0x8: {  	s17 =	simm.s32 $0x4F00;
	s19 =	simm.s32 $0x4F80;
	s25 =	simm.s32 $0x0  }
0x9: {  	s1 =	sand.u32 $0x1, s1;
	s2 =	sshll.u32 s9, $0x1;
	s6 =	smul.u32 $0x2780, s9  }
0xa: {  	[smem:$0x7FF] =	sst s4;
	s5 =	sadd.s32 $0x2800, s0;
	s29 =	sshll.u32 s9, $0x6  }
0xb: {  	s2 =	sor.u32 s1, s2;
	s7 =	smul.u32 $0x27800, s1;
	s1 =	ssub.s32 $0x2, s1  }
0xc: {  	_ =	strace $0x8000004A;
	s2 =	smul.u32 $0x500, s2;
	s8 =	sshrl.u32 s1, $0x1  }
0xd: {  	s11 =	sadd.s32 s6, s3;
	s7 =	sadd.s32 s6, s7;
	s1 =	ssub.s32 s1, s8  }
0xe: {  	s6 =	sor.u32 $0x1C05, s29;
	s11 =	sshrl.u32 s11, $0x3;
	s2 =	sadd.s32 s2, s0  }
0xf: {  	s7 =	sshrl.u32 s7, $0x3;
	s10 =	smax.u32 s1, $0x1;
	s1 =	simm.s32 $0x4E00  }
0x10: {  	s0 =	sadd.s32 s7, s0;
	s7 =	sadd.s32 $0x34000, s2;
	s8 =	sadd.s32 $0x2A000, s2  }
0x11: {  	s2 =	simm.s32 $0x2780;
	s9 =	sadd.s32 $0x7800, s0;
	s0 =	simm.s32 $0x4D80  }
.LBB2_1:
0x12: {  	s26 =	rddreg [dreg:$0x1]  }
0x13: {  	[spmem:s11], [sflag:s6] =	dma.local [hbm:s26], $0x4F0  }
0x14: {  	_ =	swait.ge [sflag:s12], $0x4F0  }
0x15: {  	[sflag:s12] =	ssyncset.done $0x0  }
0x16: {  	[sflag:s12] =	ssyncadd.s32 $0xFFFFFB10  }
0x17: {  	[tilespmem:s4], [sflag:$0x5] =	stream.linear.gather [hbm4b:s7+s4], $0x2800, $0x38;
	[tilespmem:$0x9780] =	vst v63  }
0x18: {  	_ =	swait.ge [sflag:s12], $0x2800  }
0x19: {  	[sflag:s12] =	ssyncset.done $0x0  }
0x1a: {  	s29 =	simm.s32 $0x2800;
	[sflag:s12] =	ssyncadd.s32 $0xFFFFD800  }
0x1b: {  	[tilespmem:s29], [sflag:$0x5] =	stream.linear.gather [hbm4b:s8+s4], $0x2800, $0x38;
	[tilespmem:$0x9780] =	vst v63  }
0x1c: {  	_ =	swait.ge [sflag:s12], $0x2800  }
0x1d: {  	[sflag:s12] =	ssyncset.done $0x0  }
0x1e: {  	[sflag:s12] =	ssyncadd.s32 $0xFFFFD800  }
0x1f: {  	[bflag:$0x0] =	sbarrier.arrive $0xFFFF  }
0x20: {  	[tilespmem:s15], [sflag:$0x1] =	stream.indirect.gather [hbm4b:s5+s14], $0x10, s4, s14, $0xb8;
	[tilespmem:$0x9780] =	vst v63  }
0x21: {  	_ = 	snop  }
0x22: {  	[tilespmem:s16], [sflag:$0x2] =	stream.indirect.gather [hbm4b:s5+s14], $0x10, s14, s14, $0xb8;
	[tilespmem:$0x9780] =	vst v63  }
0x23: {  	s29 =	simm.s32 $0x100  }
0x24: {  	[tilespmem:s18], [sflag:$0x3] =	stream.indirect.gather [hbm4b:s5+s14], $0x10, s29, s14, $0xb8;
	[tilespmem:$0x9780] =	vst v63  }
0x25: {  	s29 =	simm.s32 $0x180  }
0x26: {  	[tilespmem:s20], [sflag:$0x4] =	stream.indirect.gather [hbm4b:s5+s14], $0x10, s29, s14, $0xb8;
	[tilespmem:$0x9780] =	vst v63  }
0x27: {  	_ =	swait.ge [sflag:s21], $0x800  }
0x28: {  	[sflag:s21] =	ssyncset.done $0x0  }
0x29: {  	s29 =	simm.s32 $0x2800;
	[sflag:s21] =	ssyncadd.s32 $0xFFFFF800  }
0x2a: {  	[spmem:s3] =	stream.indirect.scatter.add.f32 [tilespmem:s15], [sflag:$0x5], $0x10, s29, s14, $0xb8;
	[tilespmem:$0x9780] =	vst v63  }
0x2b: {  	_ =	swait.ge [sflag:s12], $0x800  }
0x2c: {  	[sflag:s12] =	ssyncset.done $0x0  }
0x2d: {  	s29 =	simm.s32 $0x200;
	[sflag:s12] =	ssyncadd.s32 $0xFFFFF800  }
0x2e: {  	[tilespmem:s15], [sflag:$0x1] =	stream.indirect.gather [hbm4b:s5+s14], $0x10, s29, s14, $0xb8;
	[tilespmem:$0x9780] =	vst v63  }
0x2f: {  	_ =	swait.ge [sflag:s22], $0x800  }
0x30: {  	[sflag:s22] =	ssyncset.done $0x0  }
0x31: {  	s29 =	simm.s32 $0x2880;
	[sflag:s22] =	ssyncadd.s32 $0xFFFFF800  }
0x32: {  	[spmem:s3] =	stream.indirect.scatter.add.f32 [tilespmem:s16], [sflag:$0x5], $0x10, s29, s14, $0xb8;
	[tilespmem:$0x9780] =	vst v63  }
0x33: {  	_ =	swait.ge [sflag:s12], $0x800  }
0x34: {  	[sflag:s12] =	ssyncset.done $0x0  }
0x35: {  	s29 =	simm.s32 $0x280;
	[sflag:s12] =	ssyncadd.s32 $0xFFFFF800  }
0x36: {  	[tilespmem:s16], [sflag:$0x2] =	stream.indirect.gather [hbm4b:s5+s14], $0x10, s29, s14, $0xb8;
	[tilespmem:$0x9780] =	vst v63  }
0x37: {  	_ =	swait.ge [sflag:s23], $0x800  }
0x38: {  	[sflag:s23] =	ssyncset.done $0x0  }
0x39: {  	s29 =	simm.s32 $0x2900;
	[sflag:s23] =	ssyncadd.s32 $0xFFFFF800  }
0x3a: {  	[spmem:s3] =	stream.indirect.scatter.add.f32 [tilespmem:s18], [sflag:$0x5], $0x10, s29, s14, $0xb8;
	[tilespmem:$0x9780] =	vst v63  }
0x3b: {  	_ =	swait.ge [sflag:s12], $0x800  }
0x3c: {  	[sflag:s12] =	ssyncset.done $0x0  }
0x3d: {  	s29 =	simm.s32 $0x300;
	[sflag:s12] =	ssyncadd.s32 $0xFFFFF800  }
0x3e: {  	[tilespmem:s18], [sflag:$0x3] =	stream.indirect.gather [hbm4b:s5+s14], $0x10, s29, s14, $0xb8;
	[tilespmem:$0x9780] =	vst v63  }
0x3f: {  	_ =	swait.ge [sflag:s24], $0x800  }
0x40: {  	[sflag:s24] =	ssyncset.done $0x0  }
0x41: {  	s29 =	simm.s32 $0x2980;
	[sflag:s24] =	ssyncadd.s32 $0xFFFFF800  }
0x42: {  	[spmem:s3] =	stream.indirect.scatter.add.f32 [tilespmem:s20], [sflag:$0x5], $0x10, s29, s14, $0xb8;
	[tilespmem:$0x9780] =	vst v63  }
0x43: {  	_ =	swait.ge [sflag:s12], $0x800  }
0x44: {  	[sflag:s12] =	ssyncset.done $0x0  }
0x45: {  	s28 =	simm.s32 $0x380;
	s26 =	simm.s32 $0x800;
	[sflag:s12] =	ssyncadd.s32 $0xFFFFF800  }
.LBB2_2:
0x46: {  	[tilespmem:s20], [sflag:$0x4] =	stream.indirect.gather [hbm4b:s5+s14], $0x10, s28, s14, $0xb8;
	[tilespmem:$0x9780] =	vst v63  }
0x47: {  	s28 =	smov.u32 s26  }
0x48: {  	p0 =	sne.s32 s26, $0x8800;
	s26 =	sadd.s32 $0x800, s26;
	_ =	swait.ge [sflag:s21], $0x800  }
0x49: {  	s28 =	sshra.s32 s28, $0x2;
	[sflag:s21] =	ssyncset.done $0x0  }
0x4a: {  	s29 =	sadd.s32 $0x2800, s28;
	[sflag:s21] =	ssyncadd.s32 $0xFFFFF800  }
0x4b: {  	[spmem:s3] =	stream.indirect.scatter.add.f32 [tilespmem:s15], [sflag:$0x5], $0x10, s29, s14, $0xb8;
	[tilespmem:$0x9780] =	vst v63  }
0x4c: {  	_ =	swait.ge [sflag:s12], $0x800  }
0x4d: {  	[sflag:s12] =	ssyncset.done $0x0  }
0x4e: {  	s29 =	sadd.s32 $0x200, s28;
	[sflag:s12] =	ssyncadd.s32 $0xFFFFF800  }
0x4f: {  	[tilespmem:s15], [sflag:$0x1] =	stream.indirect.gather [hbm4b:s5+s14], $0x10, s29, s14, $0xb8;
	[tilespmem:$0x9780] =	vst v63  }
0x50: {  	_ =	swait.ge [sflag:s22], $0x800  }
0x51: {  	[sflag:s22] =	ssyncset.done $0x0  }
0x52: {  	s29 =	sadd.s32 $0x2880, s28;
	[sflag:s22] =	ssyncadd.s32 $0xFFFFF800  }
0x53: {  	[spmem:s3] =	stream.indirect.scatter.add.f32 [tilespmem:s16], [sflag:$0x5], $0x10, s29, s14, $0xb8;
	[tilespmem:$0x9780] =	vst v63  }
0x54: {  	_ =	swait.ge [sflag:s12], $0x800  }
0x55: {  	[sflag:s12] =	ssyncset.done $0x0  }
0x56: {  	s29 =	sadd.s32 $0x280, s28;
	[sflag:s12] =	ssyncadd.s32 $0xFFFFF800  }
0x57: {  	[tilespmem:s16], [sflag:$0x2] =	stream.indirect.gather [hbm4b:s5+s14], $0x10, s29, s14, $0xb8;
	[tilespmem:$0x9780] =	vst v63  }
0x58: {  	_ =	swait.ge [sflag:s23], $0x800  }
0x59: {  	[sflag:s23] =	ssyncset.done $0x0  }
0x5a: {  	s29 =	sadd.s32 $0x2900, s28;
	[sflag:s23] =	ssyncadd.s32 $0xFFFFF800  }
0x5b: {  	[spmem:s3] =	stream.indirect.scatter.add.f32 [tilespmem:s18], [sflag:$0x5], $0x10, s29, s14, $0xb8;
	[tilespmem:$0x9780] =	vst v63  }
0x5c: {  	_ =	swait.ge [sflag:s12], $0x800  }
0x5d: {  	[sflag:s12] =	ssyncset.done $0x0  }
0x5e: {  	s29 =	sadd.s32 $0x300, s28;
	[sflag:s12] =	ssyncadd.s32 $0xFFFFF800  }
0x5f: {  	[tilespmem:s18], [sflag:$0x3] =	stream.indirect.gather [hbm4b:s5+s14], $0x10, s29, s14, $0xb8;
	[tilespmem:$0x9780] =	vst v63  }
0x60: {  	_ =	swait.ge [sflag:s24], $0x800  }
0x61: {  	[sflag:s24] =	ssyncset.done $0x0  }
.Ltmp0:
0x62: {  	s29 =	sadd.s32 $0x2980, s28;
	[sflag:s24] =	ssyncadd.s32 $0xFFFFF800;
	(pc) =	sbr.rel @p0 .LBB2_2-.Ltmp0, $4  }
0x63: {  	[spmem:s3] =	stream.indirect.scatter.add.f32 [tilespmem:s20], [sflag:$0x5], $0x10, s29, s14, $0xb8;
	[tilespmem:$0x9780] =	vst v63  }
0x64: {  	_ =	swait.ge [sflag:s12], $0x800  }
0x65: {  	[sflag:s12] =	ssyncset.done $0x0  }
0x66: {  	s28 =	sadd.s32 $0x380, s28;
	[sflag:s12] =	ssyncadd.s32 $0xFFFFF800  }
0x67: {  	[tilespmem:s20], [sflag:$0x4] =	stream.indirect.gather [hbm4b:s5+s14], $0x10, s28, s14, $0xb8;
	[tilespmem:$0x9780] =	vst v63  }
0x68: {  	_ =	swait.ge [sflag:s21], $0x800  }
0x69: {  	[sflag:s21] =	ssyncset.done $0x0  }
0x6a: {  	s26 =	simm.s32 $0x4C00;
	[sflag:s21] =	ssyncadd.s32 $0xFFFFF800  }
0x6b: {  	[spmem:s3] =	stream.indirect.scatter.add.f32 [tilespmem:s15], [sflag:$0x5], $0x10, s26, s14, $0xb8;
	[tilespmem:$0x9780] =	vst v63  }
0x6c: {  	_ =	swait.ge [sflag:s12], $0x800  }
0x6d: {  	[sflag:s12] =	ssyncset.done $0x0  }
0x6e: {  	s29 =	simm.s32 $0x2600;
	[sflag:s12] =	ssyncadd.s32 $0xFFFFF800  }
0x6f: {  	[tilespmem:s15], [sflag:$0x1] =	stream.indirect.gather [hbm4b:s5+s14], $0x10, s29, s14, $0xb8;
	[tilespmem:$0x9780] =	vst v63  }
0x70: {  	_ =	swait.ge [sflag:s22], $0x800  }
0x71: {  	[sflag:s22] =	ssyncset.done $0x0  }
0x72: {  	s28 =	simm.s32 $0x4C80;
	[sflag:s22] =	ssyncadd.s32 $0xFFFFF800  }
0x73: {  	[spmem:s3] =	stream.indirect.scatter.add.f32 [tilespmem:s16], [sflag:$0x5], $0x10, s28, s14, $0xb8;
	[tilespmem:$0x9780] =	vst v63  }
0x74: {  	_ =	swait.ge [sflag:s12], $0x800  }
0x75: {  	[sflag:s12] =	ssyncset.done $0x0  }
0x76: {  	s29 =	simm.s32 $0x2680;
	[sflag:s12] =	ssyncadd.s32 $0xFFFFF800  }
0x77: {  	[tilespmem:s16], [sflag:$0x2] =	stream.indirect.gather [hbm4b:s5+s14], $0x10, s29, s14, $0xb8;
	[tilespmem:$0x9780] =	vst v63  }
0x78: {  	_ =	swait.ge [sflag:s23], $0x800  }
0x79: {  	[sflag:s23] =	ssyncset.done $0x0  }
0x7a: {  	[sflag:s23] =	ssyncadd.s32 $0xFFFFF800  }
0x7b: {  	[spmem:s3] =	stream.indirect.scatter.add.f32 [tilespmem:s18], [sflag:$0x5], $0x10, s30, s14, $0xb8;
	[tilespmem:$0x9780] =	vst v63  }
0x7c: {  	_ =	swait.ge [sflag:s12], $0x800  }
0x7d: {  	[sflag:s12] =	ssyncset.done $0x0  }
0x7e: {  	[sflag:s12] =	ssyncadd.s32 $0xFFFFF800  }
0x7f: {  	[tilespmem:s18], [sflag:$0x3] =	stream.indirect.gather [hbm4b:s5+s14], $0x10, s31, s14, $0xb8;
	[tilespmem:$0x9780] =	vst v63  }
0x80: {  	_ =	swait.ge [sflag:s24], $0x800  }
0x81: {  	[sflag:s24] =	ssyncset.done $0x0  }
0x82: {  	[sflag:s24] =	ssyncadd.s32 $0xFFFFF800  }
0x83: {  	[spmem:s3] =	stream.indirect.scatter.add.f32 [tilespmem:s20], [sflag:$0x5], $0x10, s0, s14, $0xb8;
	[tilespmem:$0x9780] =	vst v63  }
0x84: {  	_ =	swait.ge [sflag:s12], $0x800  }
0x85: {  	[sflag:s12] =	ssyncset.done $0x0  }
0x86: {  	[sflag:s12] =	ssyncadd.s32 $0xFFFFF800  }
0x87: {  	[tilespmem:s20], [sflag:$0x4] =	stream.indirect.gather [hbm4b:s5+s14], $0x10, s2, s14, $0xb8;
	[tilespmem:$0x9780] =	vst v63  }
0x88: {  	_ =	swait.ge [sflag:s21], $0x800  }
0x89: {  	[sflag:s21] =	ssyncset.done $0x0  }
0x8a: {  	[sflag:s21] =	ssyncadd.s32 $0xFFFFF800  }
0x8b: {  	[spmem:s3] =	stream.indirect.scatter.add.f32 [tilespmem:s15], [sflag:$0x5], $0x10, s1, s14, $0xb8;
	[tilespmem:$0x9780] =	vst v63  }
0x8c: {  	_ =	swait.ge [sflag:s12], $0x800  }
0x8d: {  	[sflag:s12] =	ssyncset.done $0x0  }
0x8e: {  	[sflag:s12] =	ssyncadd.s32 $0xFFFFF800  }
0x8f: {  	[tilespmem:s15], [sflag:$0x1] =	stream.indirect.gather [hbm4b:s5+s14], $0x10, s2, s14, $0xb8;
	[tilespmem:$0x9780] =	vst v63  }
0x90: {  	_ =	swait.ge [sflag:s22], $0x800  }
0x91: {  	[sflag:s22] =	ssyncset.done $0x0  }
0x92: {  	[sflag:s22] =	ssyncadd.s32 $0xFFFFF800  }
0x93: {  	[spmem:s3] =	stream.indirect.scatter.add.f32 [tilespmem:s16], [sflag:$0x5], $0x10, s13, s14, $0xb8;
	[tilespmem:$0x9780] =	vst v63  }
0x94: {  	_ =	swait.ge [sflag:s12], $0x800  }
0x95: {  	[sflag:s12] =	ssyncset.done $0x0  }
0x96: {  	[sflag:s12] =	ssyncadd.s32 $0xFFFFF800  }
0x97: {  	[tilespmem:s16], [sflag:$0x2] =	stream.indirect.gather [hbm4b:s5+s14], $0x10, s2, s14, $0xb8;
	[tilespmem:$0x9780] =	vst v63  }
0x98: {  	_ =	swait.ge [sflag:s23], $0x800  }
0x99: {  	[sflag:s23] =	ssyncset.done $0x0  }
0x9a: {  	[sflag:s23] =	ssyncadd.s32 $0xFFFFF800  }
0x9b: {  	[spmem:s3] =	stream.indirect.scatter.add.f32 [tilespmem:s18], [sflag:$0x5], $0x10, s17, s14, $0xb8;
	[tilespmem:$0x9780] =	vst v63  }
0x9c: {  	_ =	swait.ge [sflag:s12], $0x800  }
0x9d: {  	[sflag:s12] =	ssyncset.done $0x0  }
0x9e: {  	[sflag:s12] =	ssyncadd.s32 $0xFFFFF800  }
0x9f: {  	[tilespmem:s18], [sflag:$0x3] =	stream.indirect.gather [hbm4b:s5+s14], $0x10, s2, s14, $0xb8;
	[tilespmem:$0x9780] =	vst v63  }
0xa0: {  	_ =	swait.ge [sflag:s24], $0x800  }
0xa1: {  	[sflag:s24] =	ssyncset.done $0x0  }
0xa2: {  	[sflag:s24] =	ssyncadd.s32 $0xFFFFF800  }
0xa3: {  	[spmem:s3] =	stream.indirect.scatter.add.f32 [tilespmem:s20], [sflag:$0x5], $0x10, s19, s14, $0xb8;
	[tilespmem:$0x9780] =	vst v63  }
0xa4: {  	_ =	swait.ge [sflag:s12], $0x800  }
0xa5: {  	[sflag:s12] =	ssyncset.done $0x0  }
0xa6: {  	[sflag:s12] =	ssyncadd.s32 $0xFFFFF800  }
0xa7: {  	[tilespmem:s20], [sflag:$0x4] =	stream.indirect.gather [hbm4b:s5+s14], $0x10, s2, s14, $0xb8;
	[tilespmem:$0x9780] =	vst v63  }
0xa8: {  	_ =	swait.ge [sflag:s21], $0x800  }
0xa9: {  	[sflag:s21] =	ssyncset.done $0x0  }
0xaa: {  	[sflag:s21] =	ssyncadd.s32 $0xFFFFF800  }
0xab: {  	_ =	swait.ge [sflag:s22], $0x800  }
0xac: {  	[sflag:s22] =	ssyncset.done $0x0  }
0xad: {  	[sflag:s22] =	ssyncadd.s32 $0xFFFFF800  }
0xae: {  	_ =	swait.ge [sflag:s23], $0x800  }
0xaf: {  	[sflag:s23] =	ssyncset.done $0x0  }
0xb0: {  	[sflag:s23] =	ssyncadd.s32 $0xFFFFF800  }
0xb1: {  	_ =	swait.ge [sflag:s24], $0x800  }
0xb2: {  	s25 =	sadd.s32 $0x1, s25;
	[sflag:s24] =	ssyncset.done $0x0  }
0xb3: {  	p0 =	sne.s32 s25, s10;
	[sflag:s24] =	ssyncadd.s32 $0xFFFFF800  }
.Ltmp1:
0xb4: {  	[bflag:$0x0] =	sbarrier.arrive $0xFFFF;
	(pc) =	sbr.rel @p0 .LBB2_1-.Ltmp1, $4  }
0xb5: {  	[hbm:s9], [sflag:s6] =	dma.local [spmem:s11], $0x4F0  }
0xb6: {  	_ =	swait.ge [sflag:s12], $0x4F0  }
0xb7: {  	[sflag:s12] =	ssyncset.done $0x0  }
0xb8: {  	[sflag:s12] =	ssyncadd.s32 $0xFFFFFB10  }
0xb9: {  	_ =	sfence.sel $0x180000  }
0xba: {  	[bflag:$0x0] =	sbarrier.arrive $0xFFFF  }
0xbb: {  	_ =	strace $0x9000004A  }
0xbc: {  	s0 =	stileid.u32;
	[bflag:$0x2] =	sbarrier.arrive $0xFFFF  }
0xbd: {  	p0 =	sne.s32 s0, $0x0;
	s0 =	rddreg [dreg:$0x3]  }
0xbe: {  	s0 =	sadd.s32 @!p0 $0x100000, s0  }
0xbf: {  	[sflag:s0] =	ssyncadd.tile.s32 @!p0 $0x1;
	_ =	shalt  }
.Lfunc_end2:
_tile_overlayer_lowered:
.L_overlay_start_2:
0xc0: {  	(tag) =	ssettag $0x2  }
0xc1: {  	s0 =	rddreg [dreg:$0x0];
	s2 =	stileid.u32  }
0xc2: {  	s1 =	rddreg [dreg:$0x1];
	p0 =	sne.s32 s2, $0x0  }
0xc3: {  	s3 =	rddreg [dreg:$0x2];
	[bflag:$0x3] =	sbarrier.arrive $0xFFFF;
	s2 =	simm.s32 @!p0 $0x1C05  }
0xc4: {  	[timem:s3], [sflag:s2] =	dma.local @!p0 [hbm:s0], s1  }
0xc5: {  	s0 =	simm.s32 @!p0 $0x5  }
0xc6: {  	_ =	swait.ge @!p0 [sflag:s0], s1  }
0xc7: {  	s1 =	ssub.s32 @!p0 $0x0, s1;
	[sflag:s0] =	ssyncset.done @!p0 $0x0  }
0xc8: {  	[sflag:s0] =	ssyncadd.s32 @!p0 s1  }
0xc9: {  	[bflag:$0x3] =	sbarrier.arrive $0xFFFF  }
0xca: {  	_ =	shalt  }

</sc_bundles>
